<compile_context>
chip_gen: v7x
topology: tpu7x:2x2x1
jax: 0.10.2.dev20260603
libtpu: 0.0.44.dev20260713+nightly
codegen_flags: <defaults>
</compile_context>

<pallas_src>
import functools

import jax
import jax.numpy as jnp
from jax import lax
from jax.experimental import pallas as pl
from jax.experimental.pallas import tpu as pltpu
from jax.experimental.pallas import tpu_sc as plsc

N = 10000
B = 16
FEAT = 128
NPAD = 10240
E = 320000
CHUNK = 128
NCORE = 2
NSUB = 16
NW = NCORE * NSUB
CPW = 80
NCHUNK = NW * CPW
EPAD = NCHUNK * CHUNK
RPT = NPAD // NSUB
NBLK = 10
BLK = NPAD // NBLK

@functools.lru_cache(maxsize=None)
def _make_deg():
    mesh = plsc.VectorSubcoreMesh(core_axis_name="c", subcore_axis_name="s")

    @functools.partial(
        pl.kernel,
        out_type=jax.ShapeDtypeStruct((NW, NPAD), jnp.float32),
        mesh=mesh,
        scratch_types=[
            pltpu.VMEM((NPAD,), jnp.float32),
            pltpu.VMEM((CPW, CHUNK), jnp.int32),
        ],
        compiler_params=pltpu.CompilerParams(needs_layout_passes=False),
    )
    def _deg_sc(dst_hbm, zeros_hbm, out_hbm, hist_v, dbig):
        c = lax.axis_index("c")
        s = lax.axis_index("s")
        wid = c * NSUB + s
        pltpu.sync_copy(zeros_hbm, hist_v)
        pltpu.sync_copy(dst_hbm.at[pl.ds(wid * CPW, CPW)], dbig)
        ones = jnp.ones((16,), jnp.float32)

        def chunk_body(j, carry):
            def inner(k, carry2):
                idx = dbig[j, pl.ds(k * 16, 16)]
                plsc.addupdate_scatter(hist_v, [idx], ones)
                return carry2

            return lax.fori_loop(0, CHUNK // 16, inner, carry)

        lax.fori_loop(0, CPW, chunk_body, 0)
        pltpu.sync_copy(hist_v, out_hbm.at[wid])

    return _deg_sc


@functools.lru_cache(maxsize=None)
def _make_agg(F):
    assert CPW % 2 == 0
    mesh = plsc.VectorSubcoreMesh(core_axis_name="c", subcore_axis_name="s")

    @functools.partial(
        pl.kernel,
        out_type=[jax.ShapeDtypeStruct((NPAD, F), jnp.float32)] * NCORE,
        mesh=mesh,
        scratch_types=[
            pltpu.VMEM((CPW // 2, CHUNK), jnp.int32),
            pltpu.VMEM((CPW // 2, CHUNK), jnp.int32),
            pltpu.VMEM((CHUNK, F), jnp.float32),
            pltpu.VMEM((CHUNK, F), jnp.float32),
            pltpu.VMEM_SHARED((NPAD, F), jnp.float32),
            pltpu.SemaphoreType.DMA,
            pltpu.SemaphoreType.DMA,
        ],
    )
    def agg(table_hbm, src_hbm, dst_hbm, out0_hbm, out1_hbm,
            sbig, dbig, rw0, rw1, acc, sem0, sem1):
        c = lax.axis_index("c")
        s = lax.axis_index("s")
        wid = c * NSUB + s
        row0 = s * RPT
        pltpu.sync_copy(table_hbm.at[pl.ds(row0, RPT)],
                        acc.at[pl.ds(row0, RPT)])
        plsc.subcore_barrier()

        HCPW = CPW // 2
        dummy = table_hbm.at[pl.ds(0, CHUNK)]

        for h in range(2):
            pltpu.sync_copy(src_hbm.at[pl.ds(wid * CPW + h * HCPW, HCPW)],
                            sbig)
            pltpu.sync_copy(dst_hbm.at[pl.ds(wid * CPW + h * HCPW, HCPW)],
                            dbig)
            pltpu.async_copy(table_hbm.at[sbig.at[0]], rw0, sem0)

            def pair_body(j, carry):
                c0 = 2 * j
                pltpu.async_copy(table_hbm.at[sbig.at[c0 + 1]], rw1, sem1)
                pltpu.make_async_copy(dummy, rw0, sem0).wait()
                pltpu.sync_copy(rw0, acc.at[dbig.at[c0]], add=True)
                pltpu.async_copy(table_hbm.at[sbig.at[c0 + 2]], rw0, sem0)
                pltpu.make_async_copy(dummy, rw1, sem1).wait()
                pltpu.sync_copy(rw1, acc.at[dbig.at[c0 + 1]], add=True)
                return carry

            lax.fori_loop(0, (HCPW - 2) // 2, pair_body, 0)
            pltpu.async_copy(table_hbm.at[sbig.at[HCPW - 1]], rw1, sem1)
            pltpu.make_async_copy(dummy, rw0, sem0).wait()
            pltpu.sync_copy(rw0, acc.at[dbig.at[HCPW - 2]], add=True)
            pltpu.make_async_copy(dummy, rw1, sem1).wait()
            pltpu.sync_copy(rw1, acc.at[dbig.at[HCPW - 1]], add=True)

        plsc.subcore_barrier()

        @pl.when(c == 0)
        def _():
            pltpu.sync_copy(acc.at[pl.ds(row0, RPT)],
                            out0_hbm.at[pl.ds(row0, RPT)])

        @pl.when(c == 1)
        def _():
            pltpu.sync_copy(acc.at[pl.ds(row0, RPT)],
                            out1_hbm.at[pl.ds(row0, RPT)])

    return agg


def _run_deg(dsts, zeros1d):
    return _make_deg()(dsts, zeros1d)


def _run_agg128(table, srcs, dsts):
    return _make_agg(128)(table, srcs, dsts)


def _stageA_body(h_ref, x_ref, w_ref, dinv_ref, t1a_ref, t1b_ref):
    deg = jnp.sum(h_ref[...], axis=1, keepdims=True) + 1.0
    dinv = lax.rsqrt(deg)
    dinv_ref[...] = dinv
    t1 = dinv * jnp.dot(x_ref[...], w_ref[...],
                        preferred_element_type=jnp.float32)
    t1a_ref[...] = t1[:, :128]
    t1b_ref[...] = jnp.concatenate(
        [t1[:, 128:], jnp.zeros((t1.shape[0], 112), jnp.float32)], axis=1)


def _stageA(hist_t, xT, Wbd):
    return pl.pallas_call(
        _stageA_body,
        grid=(NBLK,),
        in_specs=[
            pl.BlockSpec((BLK, NW), lambda i: (i, 0)),
            pl.BlockSpec((BLK, 144), lambda i: (i, 0)),
            pl.BlockSpec((144, 144), lambda i: (0, 0)),
        ],
        out_specs=[
            pl.BlockSpec((BLK, 1), lambda i: (i, 0)),
            pl.BlockSpec((BLK, 128), lambda i: (i, 0)),
            pl.BlockSpec((BLK, 128), lambda i: (i, 0)),
        ],
        out_shape=[
            jax.ShapeDtypeStruct((NPAD, 1), jnp.float32),
            jax.ShapeDtypeStruct((NPAD, 128), jnp.float32),
            jax.ShapeDtypeStruct((NPAD, 128), jnp.float32),
        ],
    )(hist_t, xT, Wbd)


def _row_mask(nrows):
    i = pl.program_id(0)
    rows = i * BLK + lax.broadcasted_iota(jnp.int32, (nrows, 1), 0)
    return rows < N


def _stageB_body(a0a_ref, a1a_ref, t1a_ref, a0b_ref, a1b_ref, t1b_ref,
                 dinv_ref, w4_ref, b1_ref, o1l_ref, t2_ref):
    dinv = dinv_ref[...]
    fa = a0a_ref[...] + a1a_ref[...] - t1a_ref[...]
    fb = (a0b_ref[...] + a1b_ref[...] - t1b_ref[...])[:, :16]
    o1 = jnp.tanh(dinv * jnp.concatenate([fa, fb], axis=1) + b1_ref[...])
    o1 = jnp.where(_row_mask(o1.shape[0]), o1, 0.0)
    o1l_ref[...] = o1[:, :48]
    t2 = dinv * jnp.dot(o1[:, 48:], w4_ref[...],
                        preferred_element_type=jnp.float32)
    t2_ref[...] = jnp.concatenate(
        [t2, jnp.zeros((t2.shape[0], 32), jnp.float32)], axis=1)


def _stageB(a0a, a1a, T1a, a0b, a1b, T1b, dinv, Wbd4, bias1):
    blk128 = pl.BlockSpec((BLK, 128), lambda i: (i, 0))
    return pl.pallas_call(
        _stageB_body,
        grid=(NBLK,),
        in_specs=[
            blk128, blk128, blk128, blk128, blk128, blk128,
            pl.BlockSpec((BLK, 1), lambda i: (i, 0)),
            pl.BlockSpec((96, 96), lambda i: (0, 0)),
            pl.BlockSpec((1, 144), lambda i: (0, 0)),
        ],
        out_specs=[
            pl.BlockSpec((BLK, 48), lambda i: (i, 0)),
            pl.BlockSpec((BLK, 128), lambda i: (i, 0)),
        ],
        out_shape=[
            jax.ShapeDtypeStruct((NPAD, 48), jnp.float32),
            jax.ShapeDtypeStruct((NPAD, 128), jnp.float32),
        ],
    )(a0a, a1a, T1a, a0b, a1b, T1b, dinv, Wbd4, bias1)


def _stageC1_body(b0_ref, b1_ref, t2_ref, dinv_ref, b4_ref, o2_ref):
    f = (b0_ref[...] + b1_ref[...] - t2_ref[...])[:, :96]
    o2 = jnp.tanh(dinv_ref[...] * f + b4_ref[...])
    o2_ref[...] = jnp.where(_row_mask(o2.shape[0]), o2, 0.0)


def _stageC1(b0, b1_, T2, dinv, bias4):
    blk128 = pl.BlockSpec((BLK, 128), lambda i: (i, 0))
    return pl.pallas_call(
        _stageC1_body,
        grid=(NBLK,),
        in_specs=[
            blk128, blk128, blk128,
            pl.BlockSpec((BLK, 1), lambda i: (i, 0)),
            pl.BlockSpec((1, 96), lambda i: (0, 0)),
        ],
        out_specs=pl.BlockSpec((BLK, 96), lambda i: (i, 0)),
        out_shape=jax.ShapeDtypeStruct((NPAD, 96), jnp.float32),
    )(b0, b1_, T2, dinv, bias4)


NBLK2 = 26
KL = 29952 // NBLK2
KS = 59904 // NBLK2


def _stageC2_body(wl_ref, xl_ref, ws_ref, xs_ref, wlt_ref, xlt_ref,
                  wst_ref, xst_ref, bml_ref, bms_ref, wmu_ref,
                  mu_ref, accl, accs):
    i = pl.program_id(0)

    @pl.when(i == 0)
    def _():
        accl[...] = jnp.zeros_like(accl)
        accs[...] = jnp.zeros_like(accs)

    accl[...] += jnp.dot(wl_ref[...], xl_ref[...],
                         preferred_element_type=jnp.float32)
    accs[...] += jnp.dot(ws_ref[...], xs_ref[...],
                         preferred_element_type=jnp.float32)

    @pl.when(i == NBLK2 - 1)
    def _():
        tl = accl[...] + jnp.dot(wlt_ref[...], xlt_ref[...],
                                 preferred_element_type=jnp.float32)
        ts = accs[...] + jnp.dot(wst_ref[...], xst_ref[...],
                                 preferred_element_type=jnp.float32)
        netl = jnp.tanh(tl + bml_ref[...])
        nets = jnp.tanh(ts + bms_ref[...])
        net_t = jnp.concatenate([netl, nets], axis=0)
        mu_ref[...] = lax.dot_general(
            net_t, wmu_ref[...], (((0,), (1,)), ((), ())),
            preferred_element_type=jnp.float32)


def _stageC2(WmL, XrL, WmS, XrS, WmLt, WmSt, bmL, bmS, Wmu):
    return pl.pallas_call(
        _stageC2_body,
        grid=(NBLK2,),
        in_specs=[
            pl.BlockSpec((FEAT, KL), lambda i: (0, i)),
            pl.BlockSpec((KL, B), lambda i: (i, 0)),
            pl.BlockSpec((FEAT, KS), lambda i: (0, i)),
            pl.BlockSpec((KS, B), lambda i: (i, 0)),
            pl.BlockSpec((FEAT, 128), lambda i: (0, 0)),
            pl.BlockSpec((128, B), lambda i: (234, 0)),
            pl.BlockSpec((FEAT, 128), lambda i: (0, 0)),
            pl.BlockSpec((128, B), lambda i: (468, 0)),
            pl.BlockSpec((FEAT, 1), lambda i: (0, 0)),
            pl.BlockSpec((FEAT, 1), lambda i: (0, 0)),
            pl.BlockSpec((FEAT, 2 * FEAT), lambda i: (0, 0)),
        ],
        out_specs=pl.BlockSpec((B, FEAT), lambda i: (0, 0)),
        out_shape=jax.ShapeDtypeStruct((B, FEAT), jnp.float32),
        scratch_shapes=[
            pltpu.VMEM((FEAT, B), jnp.float32),
            pltpu.VMEM((FEAT, B), jnp.float32),
        ],
    )(WmL, XrL, WmS, XrS, WmLt, XrL, WmSt, XrS, bmL, bmS, Wmu)


def kernel(featurein, edge_index, W1_logr, b1_logr, W1_s, b1_s, W4_s, b4_s,
           Wm_logr, bm_logr, Wm_s, bm_s, Wmu):
    f32 = jnp.float32
    I16 = jnp.eye(B, dtype=f32)

    Wbd = jnp.zeros((144, 144), f32)
    Wbd = Wbd.at[:48, :48].set(jnp.kron(W1_logr / 4.0, I16))
    Wbd = Wbd.at[48:, 48:].set(jnp.kron(W1_s / 50.0, I16))
    Wbd4 = jnp.kron(W4_s, I16)
    bias1 = jnp.concatenate([jnp.repeat(b1_logr, B),
                             jnp.repeat(b1_s, B)]).reshape(1, 144)
    bias4 = jnp.repeat(b4_s, B).reshape(1, 96)

    xT = jnp.transpose(featurein, (1, 2, 0)).reshape(N, 9 * B)

    arp = jnp.arange(EPAD - E, dtype=jnp.int32)
    srcs = jnp.concatenate([edge_index[0], arp % N]).reshape(NCHUNK, CHUNK)
    dsts = jnp.concatenate([edge_index[1],
                            N + arp % (NPAD - N)]).reshape(NCHUNK, CHUNK)

    zeros1d = jnp.zeros((NPAD,), f32)
    hist = _run_deg(dsts, zeros1d)
    hist_t = hist.T

    dinv, T1a, T1b = _stageA(hist_t, xT, Wbd)

    a0a, a1a = _run_agg128(T1a, srcs, dsts)
    a0b, a1b = _run_agg128(T1b, srcs, dsts)
    o1logr, T2 = _stageB(a0a, a1a, T1a, a0b, a1b, T1b, dinv, Wbd4, bias1)

    b0, b1_ = _run_agg128(T2, srcs, dsts)
    o2 = _stageC1(b0, b1_, T2, dinv, bias4)

    XrL = o1logr.reshape(3 * NPAD, B)
    XrS = o2.reshape(6 * NPAD, B)
    WmLt = jnp.pad(Wm_logr[:, NBLK2 * KL:], ((0, 0), (0, 128 - 48)))
    WmSt = jnp.pad(Wm_s[:, NBLK2 * KS:], ((0, 0), (0, 128 - 96)))

    mu = _stageC2(Wm_logr, XrL, Wm_s, XrS, WmLt, WmSt,
                  bm_logr.reshape(FEAT, 1), bm_s.reshape(FEAT, 1), Wmu)
    return mu

# --- scband reference (transcript-rebuilt; emitter-appended) ---
"""Pipeline reference for scband-part-deform-encoder2-25555055411687 (READ-ONLY COPY).

The authoritative reference and input builder live on the scoring server;
editing this copy changes nothing except your own understanding.
"""

import jax, jax.numpy as jnp
import numpy as np

N = 10000
E = 320000
B = 16
FEAT = 128


def setup_inputs(seed: int = 0) -> dict:
    key = jax.random.key(seed)
    ks = jax.random.split(key, 16)
    featurein = jax.random.normal(ks[0], (B, N, 9), dtype=jnp.float32)
    edge_index = jax.random.randint(ks[1], (2, E), 0, N, dtype=jnp.int32)
    # GCNConv weights (in == out channels per the module)
    W1_logr = jax.random.normal(ks[2], (3, 3), dtype=jnp.float32) * 0.5
    b1_logr = jax.random.normal(ks[3], (3,), dtype=jnp.float32) * 0.1
    W1_s = jax.random.normal(ks[4], (6, 6), dtype=jnp.float32) * 0.4
    b1_s = jax.random.normal(ks[5], (6,), dtype=jnp.float32) * 0.1
    W4_s = jax.random.normal(ks[6], (6, 6), dtype=jnp.float32) * 0.4
    b4_s = jax.random.normal(ks[7], (6,), dtype=jnp.float32) * 0.1
    # mlp1_logr: Linear(N*3 -> FEAT), mlp1_s: Linear(N*6 -> FEAT)
    Wm_logr = jax.random.normal(ks[8], (FEAT, N * 3), dtype=jnp.float32) * (1.0 / np.sqrt(N * 3))
    bm_logr = jax.random.normal(ks[9], (FEAT,), dtype=jnp.float32) * 0.1
    Wm_s = jax.random.normal(ks[10], (FEAT, N * 6), dtype=jnp.float32) * (1.0 / np.sqrt(N * 6))
    bm_s = jax.random.normal(ks[11], (FEAT,), dtype=jnp.float32) * 0.1
    # sampler mlp2mu: Linear(2*FEAT -> FEAT, bias=False); probabilistic=False so mlp2var unused
    Wmu = jax.random.normal(ks[12], (FEAT, 2 * FEAT), dtype=jnp.float32) * (1.0 / np.sqrt(2 * FEAT))
    return {
        "featurein": featurein, "edge_index": edge_index,
        "W1_logr": W1_logr, "b1_logr": b1_logr,
        "W1_s": W1_s, "b1_s": b1_s,
        "W4_s": W4_s, "b4_s": b4_s,
        "Wm_logr": Wm_logr, "bm_logr": bm_logr,
        "Wm_s": Wm_s, "bm_s": bm_s,
        "Wmu": Wmu,
    }


def _gcn(x, src, dst, norm, W, b):
    # PyG-style GCNConv: transform then normalized scatter-add aggregation
    h = x @ W                                   # [B, N, C]
    msgs = h[:, src, :] * norm[None, :, None]   # gather by src
    out = jnp.zeros_like(h).at[:, dst, :].add(msgs)  # scatter-add to dst
    return out + b


def reference(featurein, edge_index, W1_logr, b1_logr, W1_s, b1_s, W4_s, b4_s,
              Wm_logr, bm_logr, Wm_s, bm_s, Wmu):
    src0 = edge_index[0]
    dst0 = edge_index[1]
    loops = jnp.arange(N, dtype=src0.dtype)
    src = jnp.concatenate([src0, loops])
    dst = jnp.concatenate([dst0, loops])
    deg = jnp.zeros((N,), dtype=jnp.float32).at[dst].add(1.0)
    dinv = jax.lax.rsqrt(deg)
    norm = dinv[src] * dinv[dst]

    feature_logr = featurein[:, :, :3] / 4.0
    feature_s = featurein[:, :, 3:9] / 50.0

    net_logr = jnp.tanh(_gcn(feature_logr, src, dst, norm, W1_logr, b1_logr))
    net_s = jnp.tanh(_gcn(feature_s, src, dst, norm, W1_s, b1_s))
    net_s = jnp.tanh(_gcn(net_s, src, dst, norm, W4_s, b4_s))

    net_logr = jnp.tanh(net_logr.reshape(-1, N * 3) @ Wm_logr.T + bm_logr)
    net_s = jnp.tanh(net_s.reshape(-1, N * 6) @ Wm_s.T + bm_s)
    net = jnp.concatenate([net_logr, net_s], axis=1)
    # PartFeatSampler with probabilistic=False: just mu = net @ Wmu.T (no bias)
    mu = net @ Wmu.T
    return mu

if __name__ == "__main__":
    import jax
    _d = setup_inputs()
    print(jax.jit(kernel)(*tuple(_d.values())))

</pallas_src>

<mosaic_0001>
#map = affine_map<(d0, d1) -> (0, 0)>
#map1 = affine_map<(d0, d1) -> (0)>
module attributes {stable_mosaic.version = 14 : i64} {
  func.func @_deg_sc(%arg0: i32, %arg1: i32, %arg2: memref<2560x128xi32, #tpu.memory_space<hbm>>, %arg3: memref<10240xf32, #tpu.memory_space<hbm>>, %arg4: memref<32x10240xf32, #tpu.memory_space<hbm>>, %arg5: memref<10240xf32, #tpu.memory_space<vmem>>, %arg6: memref<80x128xi32, #tpu.memory_space<vmem>>) attributes {dimension_semantics = [#tpu.dimension_semantics<core_parallel>, #tpu.dimension_semantics<subcore_parallel>], iteration_bounds = array<i64: 2, 16>, scalar_prefetch = 0 : i64, scratch_operands = 2 : i64, tpu.core_type = #tpu.core_type<sc_vector_subcore>, window_params = [{transform_indices = #map}, {transform_indices = #map1}, {transform_indices = #map}]} {
    %mul3A = arith.constant 16 : i32
    %mul3A_0 = arith.muli %arg0, %mul3A : i32
    %add3A = arith.addi %mul3A_0, %arg1 : i32
    "tpu.region"() ({
      %run_scoped3A = tpu.sem_alloc : memref<!tpu.dma_semaphore, #tpu.memory_space<semaphore_mem>>
      tpu.enqueue_dma source(%arg3 : memref<10240xf32, #tpu.memory_space<hbm>>) target(%arg5 : memref<10240xf32, #tpu.memory_space<vmem>>) target_semaphore(%run_scoped3A : memref<!tpu.dma_semaphore, #tpu.memory_space<semaphore_mem>>)
      tpu.wait_dma2 semaphore(%run_scoped3A : memref<!tpu.dma_semaphore, #tpu.memory_space<semaphore_mem>>) src(%arg3 : memref<10240xf32, #tpu.memory_space<hbm>>) dst(%arg5 : memref<10240xf32, #tpu.memory_space<vmem>>)
      tpu.yield
    }) : () -> ()
    %mul3A_1 = arith.constant 80 : i32
    %mul3A_2 = arith.muli %add3A, %mul3A_1 : i32
    "tpu.region"() ({
      %run_scoped3A = tpu.sem_alloc : memref<!tpu.dma_semaphore, #tpu.memory_space<semaphore_mem>>
      %dma_start3A = arith.constant 0 : i32
      %dma_start3A_9 = tpu.memref_slice %arg2[%mul3A_2, %dma_start3A] : memref<2560x128xi32, #tpu.memory_space<hbm>> -> memref<80x128xi32, #tpu.memory_space<hbm>>
      %dma_start3A_10 = arith.constant 0 : i32
      %dma_start3A_11 = tpu.memref_slice %arg2[%mul3A_2, %dma_start3A_10] : memref<2560x128xi32, #tpu.memory_space<hbm>> -> memref<80x128xi32, #tpu.memory_space<hbm>>
      tpu.enqueue_dma source(%dma_start3A_11 : memref<80x128xi32, #tpu.memory_space<hbm>>) target(%arg6 : memref<80x128xi32, #tpu.memory_space<vmem>>) target_semaphore(%run_scoped3A : memref<!tpu.dma_semaphore, #tpu.memory_space<semaphore_mem>>)
      %dma_wait3A = arith.constant 0 : i32
      %dma_wait3A_12 = tpu.memref_slice %arg2[%mul3A_2, %dma_wait3A] : memref<2560x128xi32, #tpu.memory_space<hbm>> -> memref<80x128xi32, #tpu.memory_space<hbm>>
      %dma_wait3A_13 = arith.constant 0 : i32
      %dma_wait3A_14 = tpu.memref_slice %arg2[%mul3A_2, %dma_wait3A_13] : memref<2560x128xi32, #tpu.memory_space<hbm>> -> memref<80x128xi32, #tpu.memory_space<hbm>>
      tpu.wait_dma2 semaphore(%run_scoped3A : memref<!tpu.dma_semaphore, #tpu.memory_space<semaphore_mem>>) src(%dma_wait3A_14 : memref<80x128xi32, #tpu.memory_space<hbm>>) dst(%arg6 : memref<80x128xi32, #tpu.memory_space<vmem>>)
      tpu.yield
    }) : () -> ()
    %broadcast_in_dim3A = arith.constant 1.000000e+00 : f32
    %broadcast_in_dim3A_3 = vector.broadcast %broadcast_in_dim3A : f32 to vector<16xf32>
    %scan3A = arith.constant 0 : i32
    %scan3A_4 = arith.constant 0 : i32
    %scan3A_5 = arith.constant 80 : i32
    %scan3A_6 = arith.addi %scan3A_4, %scan3A_5 : i32
    %scan3A_7 = arith.constant 1 : i32
    scf.for %scan3A_9 = %scan3A_4 to %scan3A_6 step %scan3A_7  : i32 {
      %scan3A_10 = arith.constant 0 : i32
      %scan3A_11 = arith.constant 8 : i32
      %scan3A_12 = arith.addi %scan3A_10, %scan3A_11 : i32
      %scan3A_13 = arith.constant 1 : i32
      scf.for %scan3A_15 = %scan3A_10 to %scan3A_12 step %scan3A_13  : i32 {
        %mul3A_16 = arith.constant 16 : i32
        %mul3A_17 = arith.muli %scan3A_15, %mul3A_16 : i32
        %get3A = arith.index_cast %scan3A_9 : i32 to index
        %get3A_18 = arith.index_cast %mul3A_17 : i32 to index
        %get3A_19 = tpu.vector_load %arg6[%get3A, %get3A_18] {strides = array<i32>} : memref<80x128xi32, #tpu.memory_space<vmem>>, vector<16xi32>,
        tpu.vector_store_idx %arg5[%get3A_19], %broadcast_in_dim3A_3 {add = true} : memref<10240xf32, #tpu.memory_space<vmem>>[vector<16xi32>], vector<16xf32>,
      }
      %scan3A_14 = arith.constant 8 : i32
    }
    %scan3A_8 = arith.constant 80 : i32
    "tpu.region"() ({
      %run_scoped3A = tpu.sem_alloc : memref<!tpu.dma_semaphore, #tpu.memory_space<semaphore_mem>>
      %dma_start3A = arith.constant 0 : i32
      %dma_start3A_9 = tpu.memref_slice %arg4[%add3A, %dma_start3A] : memref<32x10240xf32, #tpu.memory_space<hbm>> -> memref<1x10240xf32, #tpu.memory_space<hbm>>
      %dma_start3A_10 = tpu.memref_squeeze %dma_start3A_9 : memref<1x10240xf32, #tpu.memory_space<hbm>> -> memref<10240xf32, #tpu.memory_space<hbm>>
      %dma_start3A_11 = arith.constant 0 : i32
      %dma_start3A_12 = tpu.memref_slice %arg4[%add3A, %dma_start3A_11] : memref<32x10240xf32, #tpu.memory_space<hbm>> -> memref<1x10240xf32, #tpu.memory_space<hbm>>
      %dma_start3A_13 = tpu.memref_squeeze %dma_start3A_12 : memref<1x10240xf32, #tpu.memory_space<hbm>> -> memref<10240xf32, #tpu.memory_space<hbm>>
      tpu.enqueue_dma source(%arg5 : memref<10240xf32, #tpu.memory_space<vmem>>) target(%dma_start3A_13 : memref<10240xf32, #tpu.memory_space<hbm>>) target_semaphore(%run_scoped3A : memref<!tpu.dma_semaphore, #tpu.memory_space<semaphore_mem>>)
      %dma_wait3A = arith.constant 0 : i32
      %dma_wait3A_14 = tpu.memref_slice %arg4[%add3A, %dma_wait3A] : memref<32x10240xf32, #tpu.memory_space<hbm>> -> memref<1x10240xf32, #tpu.memory_space<hbm>>
      %dma_wait3A_15 = tpu.memref_squeeze %dma_wait3A_14 : memref<1x10240xf32, #tpu.memory_space<hbm>> -> memref<10240xf32, #tpu.memory_space<hbm>>
      %dma_wait3A_16 = arith.constant 0 : i32
      %dma_wait3A_17 = tpu.memref_slice %arg4[%add3A, %dma_wait3A_16] : memref<32x10240xf32, #tpu.memory_space<hbm>> -> memref<1x10240xf32, #tpu.memory_space<hbm>>
      %dma_wait3A_18 = tpu.memref_squeeze %dma_wait3A_17 : memref<1x10240xf32, #tpu.memory_space<hbm>> -> memref<10240xf32, #tpu.memory_space<hbm>>
      tpu.wait_dma2 semaphore(%run_scoped3A : memref<!tpu.dma_semaphore, #tpu.memory_space<semaphore_mem>>) src(%arg5 : memref<10240xf32, #tpu.memory_space<vmem>>) dst(%dma_wait3A_18 : memref<10240xf32, #tpu.memory_space<hbm>>)
      tpu.yield
    }) : () -> ()
    return
  }
}

#map = affine_map<(d0, d1) -> (0, 0)>
module attributes {stable_mosaic.version = 14 : i64} {
  func.func @agg(%arg0: i32, %arg1: i32, %arg2: memref<10240x128xf32, #tpu.memory_space<hbm>>, %arg3: memref<2560x128xi32, #tpu.memory_space<hbm>>, %arg4: memref<2560x128xi32, #tpu.memory_space<hbm>>, %arg5: memref<10240x128xf32, #tpu.memory_space<hbm>>, %arg6: memref<10240x128xf32, #tpu.memory_space<hbm>>, %arg7: memref<40x128xi32, #tpu.memory_space<vmem>>, %arg8: memref<40x128xi32, #tpu.memory_space<vmem>>, %arg9: memref<128x128xf32, #tpu.memory_space<vmem>>, %arg10: memref<128x128xf32, #tpu.memory_space<vmem>>, %arg11: memref<10240x128xf32, #tpu.memory_space<vmem_shared>>, %arg12: memref<!tpu.dma_semaphore, #tpu.memory_space<semaphore_mem>>, %arg13: memref<!tpu.dma_semaphore, #tpu.memory_space<semaphore_mem>>) attributes {dimension_semantics = [#tpu.dimension_semantics<core_parallel>, #tpu.dimension_semantics<subcore_parallel>], iteration_bounds = array<i64: 2, 16>, scalar_prefetch = 0 : i64, scratch_operands = 7 : i64, tpu.core_type = #tpu.core_type<sc_vector_subcore>, window_params = [{transform_indices = #map}, {transform_indices = #map}, {transform_indices = #map}, {transform_indices = #map}, {transform_indices = #map}]} {
    %mul3A = arith.constant 16 : i32
    %mul3A_0 = arith.muli %arg0, %mul3A : i32
    %add3A = arith.addi %mul3A_0, %arg1 : i32
    %mul3A_1 = arith.constant 640 : i32
    %mul3A_2 = arith.muli %arg1, %mul3A_1 : i32
    "tpu.region"() ({
      %run_scoped3A_91 = tpu.sem_alloc : memref<!tpu.dma_semaphore, #tpu.memory_space<semaphore_mem>>
      %dma_start3A_92 = arith.constant 0 : i32
      %dma_start3A_93 = tpu.memref_slice %arg11[%mul3A_2, %dma_start3A_92] : memref<10240x128xf32, #tpu.memory_space<vmem_shared>> -> memref<640x128xf32, #tpu.memory_space<vmem_shared>>
      %dma_start3A_94 = arith.constant 0 : i32
      %dma_start3A_95 = tpu.memref_slice %arg2[%mul3A_2, %dma_start3A_94] : memref<10240x128xf32, #tpu.memory_space<hbm>> -> memref<640x128xf32, #tpu.memory_space<hbm>>
      tpu.enqueue_dma source(%dma_start3A_95 : memref<640x128xf32, #tpu.memory_space<hbm>>) target(%dma_start3A_93 : memref<640x128xf32, #tpu.memory_space<vmem_shared>>) target_semaphore(%run_scoped3A_91 : memref<!tpu.dma_semaphore, #tpu.memory_space<semaphore_mem>>)
      %dma_wait3A_96 = arith.constant 0 : i32
      %dma_wait3A_97 = tpu.memref_slice %arg11[%mul3A_2, %dma_wait3A_96] : memref<10240x128xf32, #tpu.memory_space<vmem_shared>> -> memref<640x128xf32, #tpu.memory_space<vmem_shared>>
      %dma_wait3A_98 = arith.constant 0 : i32
      %dma_wait3A_99 = tpu.memref_slice %arg2[%mul3A_2, %dma_wait3A_98] : memref<10240x128xf32, #tpu.memory_space<hbm>> -> memref<640x128xf32, #tpu.memory_space<hbm>>
      tpu.wait_dma2 semaphore(%run_scoped3A_91 : memref<!tpu.dma_semaphore, #tpu.memory_space<semaphore_mem>>) src(%dma_wait3A_99 : memref<640x128xf32, #tpu.memory_space<hbm>>) dst(%dma_wait3A_97 : memref<640x128xf32, #tpu.memory_space<vmem_shared>>)
      tpu.yield
    }) : () -> ()
    %barrier3A = arith.constant 0 : index
    tpu.barrier barrier_id(%barrier3A)
    %mul3A_3 = arith.constant 80 : i32
    %mul3A_4 = arith.muli %add3A, %mul3A_3 : i32
    %add3A_5 = arith.constant 0 : i32
    %add3A_6 = arith.addi %mul3A_4, %add3A_5 : i32
    "tpu.region"() ({
      %run_scoped3A_91 = tpu.sem_alloc : memref<!tpu.dma_semaphore, #tpu.memory_space<semaphore_mem>>
      %dma_start3A_92 = arith.constant 0 : i32
      %dma_start3A_93 = tpu.memref_slice %arg3[%add3A_6, %dma_start3A_92] : memref<2560x128xi32, #tpu.memory_space<hbm>> -> memref<40x128xi32, #tpu.memory_space<hbm>>
      %dma_start3A_94 = arith.constant 0 : i32
      %dma_start3A_95 = tpu.memref_slice %arg3[%add3A_6, %dma_start3A_94] : memref<2560x128xi32, #tpu.memory_space<hbm>> -> memref<40x128xi32, #tpu.memory_space<hbm>>
      tpu.enqueue_dma source(%dma_start3A_95 : memref<40x128xi32, #tpu.memory_space<hbm>>) target(%arg7 : memref<40x128xi32, #tpu.memory_space<vmem>>) target_semaphore(%run_scoped3A_91 : memref<!tpu.dma_semaphore, #tpu.memory_space<semaphore_mem>>)
      %dma_wait3A_96 = arith.constant 0 : i32
      %dma_wait3A_97 = tpu.memref_slice %arg3[%add3A_6, %dma_wait3A_96] : memref<2560x128xi32, #tpu.memory_space<hbm>> -> memref<40x128xi32, #tpu.memory_space<hbm>>
      %dma_wait3A_98 = arith.constant 0 : i32
      %dma_wait3A_99 = tpu.memref_slice %arg3[%add3A_6, %dma_wait3A_98] : memref<2560x128xi32, #tpu.memory_space<hbm>> -> memref<40x128xi32, #tpu.memory_space<hbm>>
      tpu.wait_dma2 semaphore(%run_scoped3A_91 : memref<!tpu.dma_semaphore, #tpu.memory_space<semaphore_mem>>) src(%dma_wait3A_99 : memref<40x128xi32, #tpu.memory_space<hbm>>) dst(%arg7 : memref<40x128xi32, #tpu.memory_space<vmem>>)
      tpu.yield
    }) : () -> ()
    %mul3A_7 = arith.constant 80 : i32
    %mul3A_8 = arith.muli %add3A, %mul3A_7 : i32
    %add3A_9 = arith.constant 0 : i32
    %add3A_10 = arith.addi %mul3A_8, %add3A_9 : i32
    "tpu.region"() ({
      %run_scoped3A_91 = tpu.sem_alloc : memref<!tpu.dma_semaphore, #tpu.memory_space<semaphore_mem>>
      %dma_start3A_92 = arith.constant 0 : i32
      %dma_start3A_93 = tpu.memref_slice %arg4[%add3A_10, %dma_start3A_92] : memref<2560x128xi32, #tpu.memory_space<hbm>> -> memref<40x128xi32, #tpu.memory_space<hbm>>
      %dma_start3A_94 = arith.constant 0 : i32
      %dma_start3A_95 = tpu.memref_slice %arg4[%add3A_10, %dma_start3A_94] : memref<2560x128xi32, #tpu.memory_space<hbm>> -> memref<40x128xi32, #tpu.memory_space<hbm>>
      tpu.enqueue_dma source(%dma_start3A_95 : memref<40x128xi32, #tpu.memory_space<hbm>>) target(%arg8 : memref<40x128xi32, #tpu.memory_space<vmem>>) target_semaphore(%run_scoped3A_91 : memref<!tpu.dma_semaphore, #tpu.memory_space<semaphore_mem>>)
      %dma_wait3A_96 = arith.constant 0 : i32
      %dma_wait3A_97 = tpu.memref_slice %arg4[%add3A_10, %dma_wait3A_96] : memref<2560x128xi32, #tpu.memory_space<hbm>> -> memref<40x128xi32, #tpu.memory_space<hbm>>
      %dma_wait3A_98 = arith.constant 0 : i32
      %dma_wait3A_99 = tpu.memref_slice %arg4[%add3A_10, %dma_wait3A_98] : memref<2560x128xi32, #tpu.memory_space<hbm>> -> memref<40x128xi32, #tpu.memory_space<hbm>>
      tpu.wait_dma2 semaphore(%run_scoped3A_91 : memref<!tpu.dma_semaphore, #tpu.memory_space<semaphore_mem>>) src(%dma_wait3A_99 : memref<40x128xi32, #tpu.memory_space<hbm>>) dst(%arg8 : memref<40x128xi32, #tpu.memory_space<vmem>>)
      tpu.yield
    }) : () -> ()
    %dma_start3A = arith.constant 0 : i32
    %dma_start3A_11 = arith.constant 0 : i32
    %dma_start3A_12 = tpu.memref_slice %arg7[%dma_start3A, %dma_start3A_11] : memref<40x128xi32, #tpu.memory_space<vmem>> -> memref<1x128xi32, #tpu.memory_space<vmem>>
    %dma_start3A_13 = tpu.memref_squeeze %dma_start3A_12 : memref<1x128xi32, #tpu.memory_space<vmem>> -> memref<128xi32, #tpu.memory_space<vmem>>
    %dma_start3A_14 = arith.constant 0 : i32
    %dma_start3A_15 = arith.constant 0 : i32
    %dma_start3A_16 = tpu.memref_slice %arg2[%dma_start3A_14, %dma_start3A_15] : memref<10240x128xf32, #tpu.memory_space<hbm>> -> memref<10240x128xf32, #tpu.memory_space<hbm>>
    tpu.enqueue_indirect_dma source(%dma_start3A_16 : memref<10240x128xf32, #tpu.memory_space<hbm>>) target(%arg9 : memref<128x128xf32, #tpu.memory_space<vmem>>) offsets(%dma_start3A_13 : memref<128xi32, #tpu.memory_space<vmem>>) semaphore(%arg12 : memref<!tpu.dma_semaphore, #tpu.memory_space<semaphore_mem>>)
    %scan3A = arith.constant 0 : i32
    %scan3A_17 = arith.constant 0 : i32
    %scan3A_18 = arith.constant 19 : i32
    %scan3A_19 = arith.addi %scan3A_17, %scan3A_18 : i32
    %scan3A_20 = arith.constant 1 : i32
    scf.for %scan3A_91 = %scan3A_17 to %scan3A_19 step %scan3A_20  : i32 {
      %mul3A_92 = arith.constant 2 : i32
      %mul3A_93 = arith.muli %mul3A_92, %scan3A_91 : i32
      %add3A_94 = arith.constant 1 : i32
      %add3A_95 = arith.addi %mul3A_93, %add3A_94 : i32
      %dma_start3A_96 = arith.constant 0 : i32
      %dma_start3A_97 = tpu.memref_slice %arg7[%add3A_95, %dma_start3A_96] : memref<40x128xi32, #tpu.memory_space<vmem>> -> memref<1x128xi32, #tpu.memory_space<vmem>>
      %dma_start3A_98 = tpu.memref_squeeze %dma_start3A_97 : memref<1x128xi32, #tpu.memory_space<vmem>> -> memref<128xi32, #tpu.memory_space<vmem>>
      %dma_start3A_99 = arith.constant 0 : i32
      %dma_start3A_100 = arith.constant 0 : i32
      %dma_start3A_101 = tpu.memref_slice %arg2[%dma_start3A_99, %dma_start3A_100] : memref<10240x128xf32, #tpu.memory_space<hbm>> -> memref<10240x128xf32, #tpu.memory_space<hbm>>
      tpu.enqueue_indirect_dma source(%dma_start3A_101 : memref<10240x128xf32, #tpu.memory_space<hbm>>) target(%arg10 : memref<128x128xf32, #tpu.memory_space<vmem>>) offsets(%dma_start3A_98 : memref<128xi32, #tpu.memory_space<vmem>>) semaphore(%arg13 : memref<!tpu.dma_semaphore, #tpu.memory_space<semaphore_mem>>)
      %dma_wait3A_102 = arith.constant 0 : i32
      %dma_wait3A_103 = arith.constant 0 : i32
      %dma_wait3A_104 = tpu.memref_slice %arg2[%dma_wait3A_102, %dma_wait3A_103] : memref<10240x128xf32, #tpu.memory_space<hbm>> -> memref<128x128xf32, #tpu.memory_space<hbm>>
      %dma_wait3A_105 = arith.constant 0 : i32
      %dma_wait3A_106 = arith.constant 0 : i32
      %dma_wait3A_107 = tpu.memref_slice %arg2[%dma_wait3A_105, %dma_wait3A_106] : memref<10240x128xf32, #tpu.memory_space<hbm>> -> memref<128x128xf32, #tpu.memory_space<hbm>>
      tpu.wait_dma2 semaphore(%arg12 : memref<!tpu.dma_semaphore, #tpu.memory_space<semaphore_mem>>) src(%dma_wait3A_107 : memref<128x128xf32, #tpu.memory_space<hbm>>) dst(%arg9 : memref<128x128xf32, #tpu.memory_space<vmem>>)
      "tpu.region"() ({
        %run_scoped3A_124 = tpu.sem_alloc : memref<!tpu.dma_semaphore, #tpu.memory_space<semaphore_mem>>
        %dma_start3A_125 = arith.constant 0 : i32
        %dma_start3A_126 = tpu.memref_slice %arg8[%mul3A_93, %dma_start3A_125] : memref<40x128xi32, #tpu.memory_space<vmem>> -> memref<1x128xi32, #tpu.memory_space<vmem>>
        %dma_start3A_127 = tpu.memref_squeeze %dma_start3A_126 : memref<1x128xi32, #tpu.memory_space<vmem>> -> memref<128xi32, #tpu.memory_space<vmem>>
        %dma_start3A_128 = arith.constant 0 : i32
        %dma_start3A_129 = arith.constant 0 : i32
        %dma_start3A_130 = tpu.memref_slice %arg11[%dma_start3A_128, %dma_start3A_129] : memref<10240x128xf32, #tpu.memory_space<vmem_shared>> -> memref<10240x128xf32, #tpu.memory_space<vmem_shared>>
        tpu.enqueue_indirect_dma source(%arg9 : memref<128x128xf32, #tpu.memory_space<vmem>>) target(%dma_start3A_130 : memref<10240x128xf32, #tpu.memory_space<vmem_shared>>) offsets(%dma_start3A_127 : memref<128xi32, #tpu.memory_space<vmem>>) semaphore(%run_scoped3A_124 : memref<!tpu.dma_semaphore, #tpu.memory_space<semaphore_mem>>) {add = true}
        %dma_wait3A_131 = arith.constant 0 : i32
        %dma_wait3A_132 = tpu.memref_slice %arg8[%mul3A_93, %dma_wait3A_131] : memref<40x128xi32, #tpu.memory_space<vmem>> -> memref<1x128xi32, #tpu.memory_space<vmem>>
        %dma_wait3A_133 = tpu.memref_squeeze %dma_wait3A_132 : memref<1x128xi32, #tpu.memory_space<vmem>> -> memref<128xi32, #tpu.memory_space<vmem>>
        %dma_wait3A_134 = arith.constant 0 : i32
        %dma_wait3A_135 = arith.constant 0 : i32
        %dma_wait3A_136 = tpu.memref_slice %arg11[%dma_wait3A_134, %dma_wait3A_135] : memref<10240x128xf32, #tpu.memory_space<vmem_shared>> -> memref<10240x128xf32, #tpu.memory_space<vmem_shared>>
        tpu.wait_indirect_dma semaphore(%run_scoped3A_124 : memref<!tpu.dma_semaphore, #tpu.memory_space<semaphore_mem>>) src(%arg9 : memref<128x128xf32, #tpu.memory_space<vmem>>) dst(%dma_wait3A_136 : memref<10240x128xf32, #tpu.memory_space<vmem_shared>>)
        tpu.yield
      }) : () -> ()
      %add3A_108 = arith.constant 2 : i32
      %add3A_109 = arith.addi %mul3A_93, %add3A_108 : i32
      %dma_start3A_110 = arith.constant 0 : i32
      %dma_start3A_111 = tpu.memref_slice %arg7[%add3A_109, %dma_start3A_110] : memref<40x128xi32, #tpu.memory_space<vmem>> -> memref<1x128xi32, #tpu.memory_space<vmem>>
      %dma_start3A_112 = tpu.memref_squeeze %dma_start3A_111 : memref<1x128xi32, #tpu.memory_space<vmem>> -> memref<128xi32, #tpu.memory_space<vmem>>
      %dma_start3A_113 = arith.constant 0 : i32
      %dma_start3A_114 = arith.constant 0 : i32
      %dma_start3A_115 = tpu.memref_slice %arg2[%dma_start3A_113, %dma_start3A_114] : memref<10240x128xf32, #tpu.memory_space<hbm>> -> memref<10240x128xf32, #tpu.memory_space<hbm>>
      tpu.enqueue_indirect_dma source(%dma_start3A_115 : memref<10240x128xf32, #tpu.memory_space<hbm>>) target(%arg9 : memref<128x128xf32, #tpu.memory_space<vmem>>) offsets(%dma_start3A_112 : memref<128xi32, #tpu.memory_space<vmem>>) semaphore(%arg12 : memref<!tpu.dma_semaphore, #tpu.memory_space<semaphore_mem>>)
      %dma_wait3A_116 = arith.constant 0 : i32
      %dma_wait3A_117 = arith.constant 0 : i32
      %dma_wait3A_118 = tpu.memref_slice %arg2[%dma_wait3A_116, %dma_wait3A_117] : memref<10240x128xf32, #tpu.memory_space<hbm>> -> memref<128x128xf32, #tpu.memory_space<hbm>>
      %dma_wait3A_119 = arith.constant 0 : i32
      %dma_wait3A_120 = arith.constant 0 : i32
      %dma_wait3A_121 = tpu.memref_slice %arg2[%dma_wait3A_119, %dma_wait3A_120] : memref<10240x128xf32, #tpu.memory_space<hbm>> -> memref<128x128xf32, #tpu.memory_space<hbm>>
      tpu.wait_dma2 semaphore(%arg13 : memref<!tpu.dma_semaphore, #tpu.memory_space<semaphore_mem>>) src(%dma_wait3A_121 : memref<128x128xf32, #tpu.memory_space<hbm>>) dst(%arg10 : memref<128x128xf32, #tpu.memory_space<vmem>>)
      %add3A_122 = arith.constant 1 : i32
      %add3A_123 = arith.addi %mul3A_93, %add3A_122 : i32
      "tpu.region"() ({
        %run_scoped3A_124 = tpu.sem_alloc : memref<!tpu.dma_semaphore, #tpu.memory_space<semaphore_mem>>
        %dma_start3A_125 = arith.constant 0 : i32
        %dma_start3A_126 = tpu.memref_slice %arg8[%add3A_123, %dma_start3A_125] : memref<40x128xi32, #tpu.memory_space<vmem>> -> memref<1x128xi32, #tpu.memory_space<vmem>>
        %dma_start3A_127 = tpu.memref_squeeze %dma_start3A_126 : memref<1x128xi32, #tpu.memory_space<vmem>> -> memref<128xi32, #tpu.memory_space<vmem>>
        %dma_start3A_128 = arith.constant 0 : i32
        %dma_start3A_129 = arith.constant 0 : i32
        %dma_start3A_130 = tpu.memref_slice %arg11[%dma_start3A_128, %dma_start3A_129] : memref<10240x128xf32, #tpu.memory_space<vmem_shared>> -> memref<10240x128xf32, #tpu.memory_space<vmem_shared>>
        tpu.enqueue_indirect_dma source(%arg10 : memref<128x128xf32, #tpu.memory_space<vmem>>) target(%dma_start3A_130 : memref<10240x128xf32, #tpu.memory_space<vmem_shared>>) offsets(%dma_start3A_127 : memref<128xi32, #tpu.memory_space<vmem>>) semaphore(%run_scoped3A_124 : memref<!tpu.dma_semaphore, #tpu.memory_space<semaphore_mem>>) {add = true}
        %dma_wait3A_131 = arith.constant 0 : i32
        %dma_wait3A_132 = tpu.memref_slice %arg8[%add3A_123, %dma_wait3A_131] : memref<40x128xi32, #tpu.memory_space<vmem>> -> memref<1x128xi32, #tpu.memory_space<vmem>>
        %dma_wait3A_133 = tpu.memref_squeeze %dma_wait3A_132 : memref<1x128xi32, #tpu.memory_space<vmem>> -> memref<128xi32, #tpu.memory_space<vmem>>
        %dma_wait3A_134 = arith.constant 0 : i32
        %dma_wait3A_135 = arith.constant 0 : i32
        %dma_wait3A_136 = tpu.memref_slice %arg11[%dma_wait3A_134, %dma_wait3A_135] : memref<10240x128xf32, #tpu.memory_space<vmem_shared>> -> memref<10240x128xf32, #tpu.memory_space<vmem_shared>>
        tpu.wait_indirect_dma semaphore(%run_scoped3A_124 : memref<!tpu.dma_semaphore, #tpu.memory_space<semaphore_mem>>) src(%arg10 : memref<128x128xf32, #tpu.memory_space<vmem>>) dst(%dma_wait3A_136 : memref<10240x128xf32, #tpu.memory_space<vmem_shared>>)
        tpu.yield
      }) : () -> ()
    }
    %scan3A_21 = arith.constant 19 : i32
    %dma_start3A_22 = arith.constant 39 : i32
    %dma_start3A_23 = arith.constant 0 : i32
    %dma_start3A_24 = tpu.memref_slice %arg7[%dma_start3A_22, %dma_start3A_23] : memref<40x128xi32, #tpu.memory_space<vmem>> -> memref<1x128xi32, #tpu.memory_space<vmem>>
    %dma_start3A_25 = tpu.memref_squeeze %dma_start3A_24 : memref<1x128xi32, #tpu.memory_space<vmem>> -> memref<128xi32, #tpu.memory_space<vmem>>
    %dma_start3A_26 = arith.constant 0 : i32
    %dma_start3A_27 = arith.constant 0 : i32
    %dma_start3A_28 = tpu.memref_slice %arg2[%dma_start3A_26, %dma_start3A_27] : memref<10240x128xf32, #tpu.memory_space<hbm>> -> memref<10240x128xf32, #tpu.memory_space<hbm>>
    tpu.enqueue_indirect_dma source(%dma_start3A_28 : memref<10240x128xf32, #tpu.memory_space<hbm>>) target(%arg10 : memref<128x128xf32, #tpu.memory_space<vmem>>) offsets(%dma_start3A_25 : memref<128xi32, #tpu.memory_space<vmem>>) semaphore(%arg13 : memref<!tpu.dma_semaphore, #tpu.memory_space<semaphore_mem>>)
    %dma_wait3A = arith.constant 0 : i32
    %dma_wait3A_29 = arith.constant 0 : i32
    %dma_wait3A_30 = tpu.memref_slice %arg2[%dma_wait3A, %dma_wait3A_29] : memref<10240x128xf32, #tpu.memory_space<hbm>> -> memref<128x128xf32, #tpu.memory_space<hbm>>
    %dma_wait3A_31 = arith.constant 0 : i32
    %dma_wait3A_32 = arith.constant 0 : i32
    %dma_wait3A_33 = tpu.memref_slice %arg2[%dma_wait3A_31, %dma_wait3A_32] : memref<10240x128xf32, #tpu.memory_space<hbm>> -> memref<128x128xf32, #tpu.memory_space<hbm>>
    tpu.wait_dma2 semaphore(%arg12 : memref<!tpu.dma_semaphore, #tpu.memory_space<semaphore_mem>>) src(%dma_wait3A_33 : memref<128x128xf32, #tpu.memory_space<hbm>>) dst(%arg9 : memref<128x128xf32, #tpu.memory_space<vmem>>)
    %run_scoped3A = arith.constant 38 : i32
    "tpu.region"() ({
      %run_scoped3A_91 = tpu.sem_alloc : memref<!tpu.dma_semaphore, #tpu.memory_space<semaphore_mem>>
      %dma_start3A_92 = arith.constant 0 : i32
      %dma_start3A_93 = tpu.memref_slice %arg8[%run_scoped3A, %dma_start3A_92] : memref<40x128xi32, #tpu.memory_space<vmem>> -> memref<1x128xi32, #tpu.memory_space<vmem>>
      %dma_start3A_94 = tpu.memref_squeeze %dma_start3A_93 : memref<1x128xi32, #tpu.memory_space<vmem>> -> memref<128xi32, #tpu.memory_space<vmem>>
      %dma_start3A_95 = arith.constant 0 : i32
      %dma_start3A_96 = arith.constant 0 : i32
      %dma_start3A_97 = tpu.memref_slice %arg11[%dma_start3A_95, %dma_start3A_96] : memref<10240x128xf32, #tpu.memory_space<vmem_shared>> -> memref<10240x128xf32, #tpu.memory_space<vmem_shared>>
      tpu.enqueue_indirect_dma source(%arg9 : memref<128x128xf32, #tpu.memory_space<vmem>>) target(%dma_start3A_97 : memref<10240x128xf32, #tpu.memory_space<vmem_shared>>) offsets(%dma_start3A_94 : memref<128xi32, #tpu.memory_space<vmem>>) semaphore(%run_scoped3A_91 : memref<!tpu.dma_semaphore, #tpu.memory_space<semaphore_mem>>) {add = true}
      %dma_wait3A_98 = arith.constant 0 : i32
      %dma_wait3A_99 = tpu.memref_slice %arg8[%run_scoped3A, %dma_wait3A_98] : memref<40x128xi32, #tpu.memory_space<vmem>> -> memref<1x128xi32, #tpu.memory_space<vmem>>
      %dma_wait3A_100 = tpu.memref_squeeze %dma_wait3A_99 : memref<1x128xi32, #tpu.memory_space<vmem>> -> memref<128xi32, #tpu.memory_space<vmem>>
      %dma_wait3A_101 = arith.constant 0 : i32
      %dma_wait3A_102 = arith.constant 0 : i32
      %dma_wait3A_103 = tpu.memref_slice %arg11[%dma_wait3A_101, %dma_wait3A_102] : memref<10240x128xf32, #tpu.memory_space<vmem_shared>> -> memref<10240x128xf32, #tpu.memory_space<vmem_shared>>
      tpu.wait_indirect_dma semaphore(%run_scoped3A_91 : memref<!tpu.dma_semaphore, #tpu.memory_space<semaphore_mem>>) src(%arg9 : memref<128x128xf32, #tpu.memory_space<vmem>>) dst(%dma_wait3A_103 : memref<10240x128xf32, #tpu.memory_space<vmem_shared>>)
      tpu.yield
    }) : () -> ()
    %dma_wait3A_34 = arith.constant 0 : i32
    %dma_wait3A_35 = arith.constant 0 : i32
    %dma_wait3A_36 = tpu.memref_slice %arg2[%dma_wait3A_34, %dma_wait3A_35] : memref<10240x128xf32, #tpu.memory_space<hbm>> -> memref<128x128xf32, #tpu.memory_space<hbm>>
    %dma_wait3A_37 = arith.constant 0 : i32
    %dma_wait3A_38 = arith.constant 0 : i32
    %dma_wait3A_39 = tpu.memref_slice %arg2[%dma_wait3A_37, %dma_wait3A_38] : memref<10240x128xf32, #tpu.memory_space<hbm>> -> memref<128x128xf32, #tpu.memory_space<hbm>>
    tpu.wait_dma2 semaphore(%arg13 : memref<!tpu.dma_semaphore, #tpu.memory_space<semaphore_mem>>) src(%dma_wait3A_39 : memref<128x128xf32, #tpu.memory_space<hbm>>) dst(%arg10 : memref<128x128xf32, #tpu.memory_space<vmem>>)
    %run_scoped3A_40 = arith.constant 39 : i32
    "tpu.region"() ({
      %run_scoped3A_91 = tpu.sem_alloc : memref<!tpu.dma_semaphore, #tpu.memory_space<semaphore_mem>>
      %dma_start3A_92 = arith.constant 0 : i32
      %dma_start3A_93 = tpu.memref_slice %arg8[%run_scoped3A_40, %dma_start3A_92] : memref<40x128xi32, #tpu.memory_space<vmem>> -> memref<1x128xi32, #tpu.memory_space<vmem>>
      %dma_start3A_94 = tpu.memref_squeeze %dma_start3A_93 : memref<1x128xi32, #tpu.memory_space<vmem>> -> memref<128xi32, #tpu.memory_space<vmem>>
      %dma_start3A_95 = arith.constant 0 : i32
      %dma_start3A_96 = arith.constant 0 : i32
      %dma_start3A_97 = tpu.memref_slice %arg11[%dma_start3A_95, %dma_start3A_96] : memref<10240x128xf32, #tpu.memory_space<vmem_shared>> -> memref<10240x128xf32, #tpu.memory_space<vmem_shared>>
      tpu.enqueue_indirect_dma source(%arg10 : memref<128x128xf32, #tpu.memory_space<vmem>>) target(%dma_start3A_97 : memref<10240x128xf32, #tpu.memory_space<vmem_shared>>) offsets(%dma_start3A_94 : memref<128xi32, #tpu.memory_space<vmem>>) semaphore(%run_scoped3A_91 : memref<!tpu.dma_semaphore, #tpu.memory_space<semaphore_mem>>) {add = true}
      %dma_wait3A_98 = arith.constant 0 : i32
      %dma_wait3A_99 = tpu.memref_slice %arg8[%run_scoped3A_40, %dma_wait3A_98] : memref<40x128xi32, #tpu.memory_space<vmem>> -> memref<1x128xi32, #tpu.memory_space<vmem>>
      %dma_wait3A_100 = tpu.memref_squeeze %dma_wait3A_99 : memref<1x128xi32, #tpu.memory_space<vmem>> -> memref<128xi32, #tpu.memory_space<vmem>>
      %dma_wait3A_101 = arith.constant 0 : i32
      %dma_wait3A_102 = arith.constant 0 : i32
      %dma_wait3A_103 = tpu.memref_slice %arg11[%dma_wait3A_101, %dma_wait3A_102] : memref<10240x128xf32, #tpu.memory_space<vmem_shared>> -> memref<10240x128xf32, #tpu.memory_space<vmem_shared>>
      tpu.wait_indirect_dma semaphore(%run_scoped3A_91 : memref<!tpu.dma_semaphore, #tpu.memory_space<semaphore_mem>>) src(%arg10 : memref<128x128xf32, #tpu.memory_space<vmem>>) dst(%dma_wait3A_103 : memref<10240x128xf32, #tpu.memory_space<vmem_shared>>)
      tpu.yield
    }) : () -> ()
    %mul3A_41 = arith.constant 80 : i32
    %mul3A_42 = arith.muli %add3A, %mul3A_41 : i32
    %add3A_43 = arith.constant 40 : i32
    %add3A_44 = arith.addi %mul3A_42, %add3A_43 : i32
    "tpu.region"() ({
      %run_scoped3A_91 = tpu.sem_alloc : memref<!tpu.dma_semaphore, #tpu.memory_space<semaphore_mem>>
      %dma_start3A_92 = arith.constant 0 : i32
      %dma_start3A_93 = tpu.memref_slice %arg3[%add3A_44, %dma_start3A_92] : memref<2560x128xi32, #tpu.memory_space<hbm>> -> memref<40x128xi32, #tpu.memory_space<hbm>>
      %dma_start3A_94 = arith.constant 0 : i32
      %dma_start3A_95 = tpu.memref_slice %arg3[%add3A_44, %dma_start3A_94] : memref<2560x128xi32, #tpu.memory_space<hbm>> -> memref<40x128xi32, #tpu.memory_space<hbm>>
      tpu.enqueue_dma source(%dma_start3A_95 : memref<40x128xi32, #tpu.memory_space<hbm>>) target(%arg7 : memref<40x128xi32, #tpu.memory_space<vmem>>) target_semaphore(%run_scoped3A_91 : memref<!tpu.dma_semaphore, #tpu.memory_space<semaphore_mem>>)
      %dma_wait3A_96 = arith.constant 0 : i32
      %dma_wait3A_97 = tpu.memref_slice %arg3[%add3A_44, %dma_wait3A_96] : memref<2560x128xi32, #tpu.memory_space<hbm>> -> memref<40x128xi32, #tpu.memory_space<hbm>>
      %dma_wait3A_98 = arith.constant 0 : i32
      %dma_wait3A_99 = tpu.memref_slice %arg3[%add3A_44, %dma_wait3A_98] : memref<2560x128xi32, #tpu.memory_space<hbm>> -> memref<40x128xi32, #tpu.memory_space<hbm>>
      tpu.wait_dma2 semaphore(%run_scoped3A_91 : memref<!tpu.dma_semaphore, #tpu.memory_space<semaphore_mem>>) src(%dma_wait3A_99 : memref<40x128xi32, #tpu.memory_space<hbm>>) dst(%arg7 : memref<40x128xi32, #tpu.memory_space<vmem>>)
      tpu.yield
    }) : () -> ()
    %mul3A_45 = arith.constant 80 : i32
    %mul3A_46 = arith.muli %add3A, %mul3A_45 : i32
    %add3A_47 = arith.constant 40 : i32
    %add3A_48 = arith.addi %mul3A_46, %add3A_47 : i32
    "tpu.region"() ({
      %run_scoped3A_91 = tpu.sem_alloc : memref<!tpu.dma_semaphore, #tpu.memory_space<semaphore_mem>>
      %dma_start3A_92 = arith.constant 0 : i32
      %dma_start3A_93 = tpu.memref_slice %arg4[%add3A_48, %dma_start3A_92] : memref<2560x128xi32, #tpu.memory_space<hbm>> -> memref<40x128xi32, #tpu.memory_space<hbm>>
      %dma_start3A_94 = arith.constant 0 : i32
      %dma_start3A_95 = tpu.memref_slice %arg4[%add3A_48, %dma_start3A_94] : memref<2560x128xi32, #tpu.memory_space<hbm>> -> memref<40x128xi32, #tpu.memory_space<hbm>>
      tpu.enqueue_dma source(%dma_start3A_95 : memref<40x128xi32, #tpu.memory_space<hbm>>) target(%arg8 : memref<40x128xi32, #tpu.memory_space<vmem>>) target_semaphore(%run_scoped3A_91 : memref<!tpu.dma_semaphore, #tpu.memory_space<semaphore_mem>>)
      %dma_wait3A_96 = arith.constant 0 : i32
      %dma_wait3A_97 = tpu.memref_slice %arg4[%add3A_48, %dma_wait3A_96] : memref<2560x128xi32, #tpu.memory_space<hbm>> -> memref<40x128xi32, #tpu.memory_space<hbm>>
      %dma_wait3A_98 = arith.constant 0 : i32
      %dma_wait3A_99 = tpu.memref_slice %arg4[%add3A_48, %dma_wait3A_98] : memref<2560x128xi32, #tpu.memory_space<hbm>> -> memref<40x128xi32, #tpu.memory_space<hbm>>
      tpu.wait_dma2 semaphore(%run_scoped3A_91 : memref<!tpu.dma_semaphore, #tpu.memory_space<semaphore_mem>>) src(%dma_wait3A_99 : memref<40x128xi32, #tpu.memory_space<hbm>>) dst(%arg8 : memref<40x128xi32, #tpu.memory_space<vmem>>)
      tpu.yield
    }) : () -> ()
    %dma_start3A_49 = arith.constant 0 : i32
    %dma_start3A_50 = arith.constant 0 : i32
    %dma_start3A_51 = tpu.memref_slice %arg7[%dma_start3A_49, %dma_start3A_50] : memref<40x128xi32, #tpu.memory_space<vmem>> -> memref<1x128xi32, #tpu.memory_space<vmem>>
    %dma_start3A_52 = tpu.memref_squeeze %dma_start3A_51 : memref<1x128xi32, #tpu.memory_space<vmem>> -> memref<128xi32, #tpu.memory_space<vmem>>
    %dma_start3A_53 = arith.constant 0 : i32
    %dma_start3A_54 = arith.constant 0 : i32
    %dma_start3A_55 = tpu.memref_slice %arg2[%dma_start3A_53, %dma_start3A_54] : memref<10240x128xf32, #tpu.memory_space<hbm>> -> memref<10240x128xf32, #tpu.memory_space<hbm>>
    tpu.enqueue_indirect_dma source(%dma_start3A_55 : memref<10240x128xf32, #tpu.memory_space<hbm>>) target(%arg9 : memref<128x128xf32, #tpu.memory_space<vmem>>) offsets(%dma_start3A_52 : memref<128xi32, #tpu.memory_space<vmem>>) semaphore(%arg12 : memref<!tpu.dma_semaphore, #tpu.memory_space<semaphore_mem>>)
    %scan3A_56 = arith.constant 0 : i32
    %scan3A_57 = arith.constant 0 : i32
    %scan3A_58 = arith.constant 19 : i32
    %scan3A_59 = arith.addi %scan3A_57, %scan3A_58 : i32
    %scan3A_60 = arith.constant 1 : i32
    scf.for %scan3A_91 = %scan3A_57 to %scan3A_59 step %scan3A_60  : i32 {
      %mul3A_92 = arith.constant 2 : i32
      %mul3A_93 = arith.muli %mul3A_92, %scan3A_91 : i32
      %add3A_94 = arith.constant 1 : i32
      %add3A_95 = arith.addi %mul3A_93, %add3A_94 : i32
      %dma_start3A_96 = arith.constant 0 : i32
      %dma_start3A_97 = tpu.memref_slice %arg7[%add3A_95, %dma_start3A_96] : memref<40x128xi32, #tpu.memory_space<vmem>> -> memref<1x128xi32, #tpu.memory_space<vmem>>
      %dma_start3A_98 = tpu.memref_squeeze %dma_start3A_97 : memref<1x128xi32, #tpu.memory_space<vmem>> -> memref<128xi32, #tpu.memory_space<vmem>>
      %dma_start3A_99 = arith.constant 0 : i32
      %dma_start3A_100 = arith.constant 0 : i32
      %dma_start3A_101 = tpu.memref_slice %arg2[%dma_start3A_99, %dma_start3A_100] : memref<10240x128xf32, #tpu.memory_space<hbm>> -> memref<10240x128xf32, #tpu.memory_space<hbm>>
      tpu.enqueue_indirect_dma source(%dma_start3A_101 : memref<10240x128xf32, #tpu.memory_space<hbm>>) target(%arg10 : memref<128x128xf32, #tpu.memory_space<vmem>>) offsets(%dma_start3A_98 : memref<128xi32, #tpu.memory_space<vmem>>) semaphore(%arg13 : memref<!tpu.dma_semaphore, #tpu.memory_space<semaphore_mem>>)
      %dma_wait3A_102 = arith.constant 0 : i32
      %dma_wait3A_103 = arith.constant 0 : i32
      %dma_wait3A_104 = tpu.memref_slice %arg2[%dma_wait3A_102, %dma_wait3A_103] : memref<10240x128xf32, #tpu.memory_space<hbm>> -> memref<128x128xf32, #tpu.memory_space<hbm>>
      %dma_wait3A_105 = arith.constant 0 : i32
      %dma_wait3A_106 = arith.constant 0 : i32
      %dma_wait3A_107 = tpu.memref_slice %arg2[%dma_wait3A_105, %dma_wait3A_106] : memref<10240x128xf32, #tpu.memory_space<hbm>> -> memref<128x128xf32, #tpu.memory_space<hbm>>
      tpu.wait_dma2 semaphore(%arg12 : memref<!tpu.dma_semaphore, #tpu.memory_space<semaphore_mem>>) src(%dma_wait3A_107 : memref<128x128xf32, #tpu.memory_space<hbm>>) dst(%arg9 : memref<128x128xf32, #tpu.memory_space<vmem>>)
      "tpu.region"() ({
        %run_scoped3A_124 = tpu.sem_alloc : memref<!tpu.dma_semaphore, #tpu.memory_space<semaphore_mem>>
        %dma_start3A_125 = arith.constant 0 : i32
        %dma_start3A_126 = tpu.memref_slice %arg8[%mul3A_93, %dma_start3A_125] : memref<40x128xi32, #tpu.memory_space<vmem>> -> memref<1x128xi32, #tpu.memory_space<vmem>>
        %dma_start3A_127 = tpu.memref_squeeze %dma_start3A_126 : memref<1x128xi32, #tpu.memory_space<vmem>> -> memref<128xi32, #tpu.memory_space<vmem>>
        %dma_start3A_128 = arith.constant 0 : i32
        %dma_start3A_129 = arith.constant 0 : i32
        %dma_start3A_130 = tpu.memref_slice %arg11[%dma_start3A_128, %dma_start3A_129] : memref<10240x128xf32, #tpu.memory_space<vmem_shared>> -> memref<10240x128xf32, #tpu.memory_space<vmem_shared>>
        tpu.enqueue_indirect_dma source(%arg9 : memref<128x128xf32, #tpu.memory_space<vmem>>) target(%dma_start3A_130 : memref<10240x128xf32, #tpu.memory_space<vmem_shared>>) offsets(%dma_start3A_127 : memref<128xi32, #tpu.memory_space<vmem>>) semaphore(%run_scoped3A_124 : memref<!tpu.dma_semaphore, #tpu.memory_space<semaphore_mem>>) {add = true}
        %dma_wait3A_131 = arith.constant 0 : i32
        %dma_wait3A_132 = tpu.memref_slice %arg8[%mul3A_93, %dma_wait3A_131] : memref<40x128xi32, #tpu.memory_space<vmem>> -> memref<1x128xi32, #tpu.memory_space<vmem>>
        %dma_wait3A_133 = tpu.memref_squeeze %dma_wait3A_132 : memref<1x128xi32, #tpu.memory_space<vmem>> -> memref<128xi32, #tpu.memory_space<vmem>>
        %dma_wait3A_134 = arith.constant 0 : i32
        %dma_wait3A_135 = arith.constant 0 : i32
        %dma_wait3A_136 = tpu.memref_slice %arg11[%dma_wait3A_134, %dma_wait3A_135] : memref<10240x128xf32, #tpu.memory_space<vmem_shared>> -> memref<10240x128xf32, #tpu.memory_space<vmem_shared>>
        tpu.wait_indirect_dma semaphore(%run_scoped3A_124 : memref<!tpu.dma_semaphore, #tpu.memory_space<semaphore_mem>>) src(%arg9 : memref<128x128xf32, #tpu.memory_space<vmem>>) dst(%dma_wait3A_136 : memref<10240x128xf32, #tpu.memory_space<vmem_shared>>)
        tpu.yield
      }) : () -> ()
      %add3A_108 = arith.constant 2 : i32
      %add3A_109 = arith.addi %mul3A_93, %add3A_108 : i32
      %dma_start3A_110 = arith.constant 0 : i32
      %dma_start3A_111 = tpu.memref_slice %arg7[%add3A_109, %dma_start3A_110] : memref<40x128xi32, #tpu.memory_space<vmem>> -> memref<1x128xi32, #tpu.memory_space<vmem>>
      %dma_start3A_112 = tpu.memref_squeeze %dma_start3A_111 : memref<1x128xi32, #tpu.memory_space<vmem>> -> memref<128xi32, #tpu.memory_space<vmem>>
      %dma_start3A_113 = arith.constant 0 : i32
      %dma_start3A_114 = arith.constant 0 : i32
      %dma_start3A_115 = tpu.memref_slice %arg2[%dma_start3A_113, %dma_start3A_114] : memref<10240x128xf32, #tpu.memory_space<hbm>> -> memref<10240x128xf32, #tpu.memory_space<hbm>>
      tpu.enqueue_indirect_dma source(%dma_start3A_115 : memref<10240x128xf32, #tpu.memory_space<hbm>>) target(%arg9 : memref<128x128xf32, #tpu.memory_space<vmem>>) offsets(%dma_start3A_112 : memref<128xi32, #tpu.memory_space<vmem>>) semaphore(%arg12 : memref<!tpu.dma_semaphore, #tpu.memory_space<semaphore_mem>>)
      %dma_wait3A_116 = arith.constant 0 : i32
      %dma_wait3A_117 = arith.constant 0 : i32
      %dma_wait3A_118 = tpu.memref_slice %arg2[%dma_wait3A_116, %dma_wait3A_117] : memref<10240x128xf32, #tpu.memory_space<hbm>> -> memref<128x128xf32, #tpu.memory_space<hbm>>
      %dma_wait3A_119 = arith.constant 0 : i32
      %dma_wait3A_120 = arith.constant 0 : i32
      %dma_wait3A_121 = tpu.memref_slice %arg2[%dma_wait3A_119, %dma_wait3A_120] : memref<10240x128xf32, #tpu.memory_space<hbm>> -> memref<128x128xf32, #tpu.memory_space<hbm>>
      tpu.wait_dma2 semaphore(%arg13 : memref<!tpu.dma_semaphore, #tpu.memory_space<semaphore_mem>>) src(%dma_wait3A_121 : memref<128x128xf32, #tpu.memory_space<hbm>>) dst(%arg10 : memref<128x128xf32, #tpu.memory_space<vmem>>)
      %add3A_122 = arith.constant 1 : i32
      %add3A_123 = arith.addi %mul3A_93, %add3A_122 : i32
      "tpu.region"() ({
        %run_scoped3A_124 = tpu.sem_alloc : memref<!tpu.dma_semaphore, #tpu.memory_space<semaphore_mem>>
        %dma_start3A_125 = arith.constant 0 : i32
        %dma_start3A_126 = tpu.memref_slice %arg8[%add3A_123, %dma_start3A_125] : memref<40x128xi32, #tpu.memory_space<vmem>> -> memref<1x128xi32, #tpu.memory_space<vmem>>
        %dma_start3A_127 = tpu.memref_squeeze %dma_start3A_126 : memref<1x128xi32, #tpu.memory_space<vmem>> -> memref<128xi32, #tpu.memory_space<vmem>>
        %dma_start3A_128 = arith.constant 0 : i32
        %dma_start3A_129 = arith.constant 0 : i32
        %dma_start3A_130 = tpu.memref_slice %arg11[%dma_start3A_128, %dma_start3A_129] : memref<10240x128xf32, #tpu.memory_space<vmem_shared>> -> memref<10240x128xf32, #tpu.memory_space<vmem_shared>>
        tpu.enqueue_indirect_dma source(%arg10 : memref<128x128xf32, #tpu.memory_space<vmem>>) target(%dma_start3A_130 : memref<10240x128xf32, #tpu.memory_space<vmem_shared>>) offsets(%dma_start3A_127 : memref<128xi32, #tpu.memory_space<vmem>>) semaphore(%run_scoped3A_124 : memref<!tpu.dma_semaphore, #tpu.memory_space<semaphore_mem>>) {add = true}
        %dma_wait3A_131 = arith.constant 0 : i32
        %dma_wait3A_132 = tpu.memref_slice %arg8[%add3A_123, %dma_wait3A_131] : memref<40x128xi32, #tpu.memory_space<vmem>> -> memref<1x128xi32, #tpu.memory_space<vmem>>
        %dma_wait3A_133 = tpu.memref_squeeze %dma_wait3A_132 : memref<1x128xi32, #tpu.memory_space<vmem>> -> memref<128xi32, #tpu.memory_space<vmem>>
        %dma_wait3A_134 = arith.constant 0 : i32
        %dma_wait3A_135 = arith.constant 0 : i32
        %dma_wait3A_136 = tpu.memref_slice %arg11[%dma_wait3A_134, %dma_wait3A_135] : memref<10240x128xf32, #tpu.memory_space<vmem_shared>> -> memref<10240x128xf32, #tpu.memory_space<vmem_shared>>
        tpu.wait_indirect_dma semaphore(%run_scoped3A_124 : memref<!tpu.dma_semaphore, #tpu.memory_space<semaphore_mem>>) src(%arg10 : memref<128x128xf32, #tpu.memory_space<vmem>>) dst(%dma_wait3A_136 : memref<10240x128xf32, #tpu.memory_space<vmem_shared>>)
        tpu.yield
      }) : () -> ()
    }
    %scan3A_61 = arith.constant 19 : i32
    %dma_start3A_62 = arith.constant 39 : i32
    %dma_start3A_63 = arith.constant 0 : i32
    %dma_start3A_64 = tpu.memref_slice %arg7[%dma_start3A_62, %dma_start3A_63] : memref<40x128xi32, #tpu.memory_space<vmem>> -> memref<1x128xi32, #tpu.memory_space<vmem>>
    %dma_start3A_65 = tpu.memref_squeeze %dma_start3A_64 : memref<1x128xi32, #tpu.memory_space<vmem>> -> memref<128xi32, #tpu.memory_space<vmem>>
    %dma_start3A_66 = arith.constant 0 : i32
    %dma_start3A_67 = arith.constant 0 : i32
    %dma_start3A_68 = tpu.memref_slice %arg2[%dma_start3A_66, %dma_start3A_67] : memref<10240x128xf32, #tpu.memory_space<hbm>> -> memref<10240x128xf32, #tpu.memory_space<hbm>>
    tpu.enqueue_indirect_dma source(%dma_start3A_68 : memref<10240x128xf32, #tpu.memory_space<hbm>>) target(%arg10 : memref<128x128xf32, #tpu.memory_space<vmem>>) offsets(%dma_start3A_65 : memref<128xi32, #tpu.memory_space<vmem>>) semaphore(%arg13 : memref<!tpu.dma_semaphore, #tpu.memory_space<semaphore_mem>>)
    %dma_wait3A_69 = arith.constant 0 : i32
    %dma_wait3A_70 = arith.constant 0 : i32
    %dma_wait3A_71 = tpu.memref_slice %arg2[%dma_wait3A_69, %dma_wait3A_70] : memref<10240x128xf32, #tpu.memory_space<hbm>> -> memref<128x128xf32, #tpu.memory_space<hbm>>
    %dma_wait3A_72 = arith.constant 0 : i32
    %dma_wait3A_73 = arith.constant 0 : i32
    %dma_wait3A_74 = tpu.memref_slice %arg2[%dma_wait3A_72, %dma_wait3A_73] : memref<10240x128xf32, #tpu.memory_space<hbm>> -> memref<128x128xf32, #tpu.memory_space<hbm>>
    tpu.wait_dma2 semaphore(%arg12 : memref<!tpu.dma_semaphore, #tpu.memory_space<semaphore_mem>>) src(%dma_wait3A_74 : memref<128x128xf32, #tpu.memory_space<hbm>>) dst(%arg9 : memref<128x128xf32, #tpu.memory_space<vmem>>)
    %run_scoped3A_75 = arith.constant 38 : i32
    "tpu.region"() ({
      %run_scoped3A_91 = tpu.sem_alloc : memref<!tpu.dma_semaphore, #tpu.memory_space<semaphore_mem>>
      %dma_start3A_92 = arith.constant 0 : i32
      %dma_start3A_93 = tpu.memref_slice %arg8[%run_scoped3A_75, %dma_start3A_92] : memref<40x128xi32, #tpu.memory_space<vmem>> -> memref<1x128xi32, #tpu.memory_space<vmem>>
      %dma_start3A_94 = tpu.memref_squeeze %dma_start3A_93 : memref<1x128xi32, #tpu.memory_space<vmem>> -> memref<128xi32, #tpu.memory_space<vmem>>
      %dma_start3A_95 = arith.constant 0 : i32
      %dma_start3A_96 = arith.constant 0 : i32
      %dma_start3A_97 = tpu.memref_slice %arg11[%dma_start3A_95, %dma_start3A_96] : memref<10240x128xf32, #tpu.memory_space<vmem_shared>> -> memref<10240x128xf32, #tpu.memory_space<vmem_shared>>
      tpu.enqueue_indirect_dma source(%arg9 : memref<128x128xf32, #tpu.memory_space<vmem>>) target(%dma_start3A_97 : memref<10240x128xf32, #tpu.memory_space<vmem_shared>>) offsets(%dma_start3A_94 : memref<128xi32, #tpu.memory_space<vmem>>) semaphore(%run_scoped3A_91 : memref<!tpu.dma_semaphore, #tpu.memory_space<semaphore_mem>>) {add = true}
      %dma_wait3A_98 = arith.constant 0 : i32
      %dma_wait3A_99 = tpu.memref_slice %arg8[%run_scoped3A_75, %dma_wait3A_98] : memref<40x128xi32, #tpu.memory_space<vmem>> -> memref<1x128xi32, #tpu.memory_space<vmem>>
      %dma_wait3A_100 = tpu.memref_squeeze %dma_wait3A_99 : memref<1x128xi32, #tpu.memory_space<vmem>> -> memref<128xi32, #tpu.memory_space<vmem>>
      %dma_wait3A_101 = arith.constant 0 : i32
      %dma_wait3A_102 = arith.constant 0 : i32
      %dma_wait3A_103 = tpu.memref_slice %arg11[%dma_wait3A_101, %dma_wait3A_102] : memref<10240x128xf32, #tpu.memory_space<vmem_shared>> -> memref<10240x128xf32, #tpu.memory_space<vmem_shared>>
      tpu.wait_indirect_dma semaphore(%run_scoped3A_91 : memref<!tpu.dma_semaphore, #tpu.memory_space<semaphore_mem>>) src(%arg9 : memref<128x128xf32, #tpu.memory_space<vmem>>) dst(%dma_wait3A_103 : memref<10240x128xf32, #tpu.memory_space<vmem_shared>>)
      tpu.yield
    }) : () -> ()
    %dma_wait3A_76 = arith.constant 0 : i32
    %dma_wait3A_77 = arith.constant 0 : i32
    %dma_wait3A_78 = tpu.memref_slice %arg2[%dma_wait3A_76, %dma_wait3A_77] : memref<10240x128xf32, #tpu.memory_space<hbm>> -> memref<128x128xf32, #tpu.memory_space<hbm>>
    %dma_wait3A_79 = arith.constant 0 : i32
    %dma_wait3A_80 = arith.constant 0 : i32
    %dma_wait3A_81 = tpu.memref_slice %arg2[%dma_wait3A_79, %dma_wait3A_80] : memref<10240x128xf32, #tpu.memory_space<hbm>> -> memref<128x128xf32, #tpu.memory_space<hbm>>
    tpu.wait_dma2 semaphore(%arg13 : memref<!tpu.dma_semaphore, #tpu.memory_space<semaphore_mem>>) src(%dma_wait3A_81 : memref<128x128xf32, #tpu.memory_space<hbm>>) dst(%arg10 : memref<128x128xf32, #tpu.memory_space<vmem>>)
    %run_scoped3A_82 = arith.constant 39 : i32
    "tpu.region"() ({
      %run_scoped3A_91 = tpu.sem_alloc : memref<!tpu.dma_semaphore, #tpu.memory_space<semaphore_mem>>
      %dma_start3A_92 = arith.constant 0 : i32
      %dma_start3A_93 = tpu.memref_slice %arg8[%run_scoped3A_82, %dma_start3A_92] : memref<40x128xi32, #tpu.memory_space<vmem>> -> memref<1x128xi32, #tpu.memory_space<vmem>>
      %dma_start3A_94 = tpu.memref_squeeze %dma_start3A_93 : memref<1x128xi32, #tpu.memory_space<vmem>> -> memref<128xi32, #tpu.memory_space<vmem>>
      %dma_start3A_95 = arith.constant 0 : i32
      %dma_start3A_96 = arith.constant 0 : i32
      %dma_start3A_97 = tpu.memref_slice %arg11[%dma_start3A_95, %dma_start3A_96] : memref<10240x128xf32, #tpu.memory_space<vmem_shared>> -> memref<10240x128xf32, #tpu.memory_space<vmem_shared>>
      tpu.enqueue_indirect_dma source(%arg10 : memref<128x128xf32, #tpu.memory_space<vmem>>) target(%dma_start3A_97 : memref<10240x128xf32, #tpu.memory_space<vmem_shared>>) offsets(%dma_start3A_94 : memref<128xi32, #tpu.memory_space<vmem>>) semaphore(%run_scoped3A_91 : memref<!tpu.dma_semaphore, #tpu.memory_space<semaphore_mem>>) {add = true}
      %dma_wait3A_98 = arith.constant 0 : i32
      %dma_wait3A_99 = tpu.memref_slice %arg8[%run_scoped3A_82, %dma_wait3A_98] : memref<40x128xi32, #tpu.memory_space<vmem>> -> memref<1x128xi32, #tpu.memory_space<vmem>>
      %dma_wait3A_100 = tpu.memref_squeeze %dma_wait3A_99 : memref<1x128xi32, #tpu.memory_space<vmem>> -> memref<128xi32, #tpu.memory_space<vmem>>
      %dma_wait3A_101 = arith.constant 0 : i32
      %dma_wait3A_102 = arith.constant 0 : i32
      %dma_wait3A_103 = tpu.memref_slice %arg11[%dma_wait3A_101, %dma_wait3A_102] : memref<10240x128xf32, #tpu.memory_space<vmem_shared>> -> memref<10240x128xf32, #tpu.memory_space<vmem_shared>>
      tpu.wait_indirect_dma semaphore(%run_scoped3A_91 : memref<!tpu.dma_semaphore, #tpu.memory_space<semaphore_mem>>) src(%arg10 : memref<128x128xf32, #tpu.memory_space<vmem>>) dst(%dma_wait3A_103 : memref<10240x128xf32, #tpu.memory_space<vmem_shared>>)
      tpu.yield
    }) : () -> ()
    %barrier3A_83 = arith.constant 0 : index
    tpu.barrier barrier_id(%barrier3A_83)
    %eq3A = arith.constant 0 : i32
    %eq3A_84 = arith.cmpi eq, %arg0, %eq3A : i32
    %convert_element_type3A = arith.extui %eq3A_84 : i1 to i32
    %cond3A = arith.constant 0 : i32
    %cond3A_85 = arith.cmpi ne, %convert_element_type3A, %cond3A : i32
    scf.if %cond3A_85 {
      "tpu.region"() ({
        %run_scoped3A_91 = tpu.sem_alloc : memref<!tpu.dma_semaphore, #tpu.memory_space<semaphore_mem>>
        %dma_start3A_92 = arith.constant 0 : i32
        %dma_start3A_93 = tpu.memref_slice %arg5[%mul3A_2, %dma_start3A_92] : memref<10240x128xf32, #tpu.memory_space<hbm>> -> memref<640x128xf32, #tpu.memory_space<hbm>>
        %dma_start3A_94 = arith.constant 0 : i32
        %dma_start3A_95 = tpu.memref_slice %arg11[%mul3A_2, %dma_start3A_94] : memref<10240x128xf32, #tpu.memory_space<vmem_shared>> -> memref<640x128xf32, #tpu.memory_space<vmem_shared>>
        tpu.enqueue_dma source(%dma_start3A_95 : memref<640x128xf32, #tpu.memory_space<vmem_shared>>) target(%dma_start3A_93 : memref<640x128xf32, #tpu.memory_space<hbm>>) target_semaphore(%run_scoped3A_91 : memref<!tpu.dma_semaphore, #tpu.memory_space<semaphore_mem>>)
        %dma_wait3A_96 = arith.constant 0 : i32
        %dma_wait3A_97 = tpu.memref_slice %arg5[%mul3A_2, %dma_wait3A_96] : memref<10240x128xf32, #tpu.memory_space<hbm>> -> memref<640x128xf32, #tpu.memory_space<hbm>>
        %dma_wait3A_98 = arith.constant 0 : i32
        %dma_wait3A_99 = tpu.memref_slice %arg11[%mul3A_2, %dma_wait3A_98] : memref<10240x128xf32, #tpu.memory_space<vmem_shared>> -> memref<640x128xf32, #tpu.memory_space<vmem_shared>>
        tpu.wait_dma2 semaphore(%run_scoped3A_91 : memref<!tpu.dma_semaphore, #tpu.memory_space<semaphore_mem>>) src(%dma_wait3A_99 : memref<640x128xf32, #tpu.memory_space<vmem_shared>>) dst(%dma_wait3A_97 : memref<640x128xf32, #tpu.memory_space<hbm>>)
        tpu.yield
      }) : () -> ()
    } else {
    }
    %eq3A_86 = arith.constant 1 : i32
    %eq3A_87 = arith.cmpi eq, %arg0, %eq3A_86 : i32
    %convert_element_type3A_88 = arith.extui %eq3A_87 : i1 to i32
    %cond3A_89 = arith.constant 0 : i32
    %cond3A_90 = arith.cmpi ne, %convert_element_type3A_88, %cond3A_89 : i32
    scf.if %cond3A_90 {
      "tpu.region"() ({
        %run_scoped3A_91 = tpu.sem_alloc : memref<!tpu.dma_semaphore, #tpu.memory_space<semaphore_mem>>
        %dma_start3A_92 = arith.constant 0 : i32
        %dma_start3A_93 = tpu.memref_slice %arg6[%mul3A_2, %dma_start3A_92] : memref<10240x128xf32, #tpu.memory_space<hbm>> -> memref<640x128xf32, #tpu.memory_space<hbm>>
        %dma_start3A_94 = arith.constant 0 : i32
        %dma_start3A_95 = tpu.memref_slice %arg11[%mul3A_2, %dma_start3A_94] : memref<10240x128xf32, #tpu.memory_space<vmem_shared>> -> memref<640x128xf32, #tpu.memory_space<vmem_shared>>
        tpu.enqueue_dma source(%dma_start3A_95 : memref<640x128xf32, #tpu.memory_space<vmem_shared>>) target(%dma_start3A_93 : memref<640x128xf32, #tpu.memory_space<hbm>>) target_semaphore(%run_scoped3A_91 : memref<!tpu.dma_semaphore, #tpu.memory_space<semaphore_mem>>)
        %dma_wait3A_96 = arith.constant 0 : i32
        %dma_wait3A_97 = tpu.memref_slice %arg6[%mul3A_2, %dma_wait3A_96] : memref<10240x128xf32, #tpu.memory_space<hbm>> -> memref<640x128xf32, #tpu.memory_space<hbm>>
        %dma_wait3A_98 = arith.constant 0 : i32
        %dma_wait3A_99 = tpu.memref_slice %arg11[%mul3A_2, %dma_wait3A_98] : memref<10240x128xf32, #tpu.memory_space<vmem_shared>> -> memref<640x128xf32, #tpu.memory_space<vmem_shared>>
        tpu.wait_dma2 semaphore(%run_scoped3A_91 : memref<!tpu.dma_semaphore, #tpu.memory_space<semaphore_mem>>) src(%dma_wait3A_99 : memref<640x128xf32, #tpu.memory_space<vmem_shared>>) dst(%dma_wait3A_97 : memref<640x128xf32, #tpu.memory_space<hbm>>)
        tpu.yield
      }) : () -> ()
    } else {
    }
    return
  }
}

#map = affine_map<(d0, d1) -> (0, 0)>
module attributes {stable_mosaic.version = 14 : i64} {
  func.func @agg(%arg0: i32, %arg1: i32, %arg2: memref<10240x128xf32, #tpu.memory_space<hbm>>, %arg3: memref<2560x128xi32, #tpu.memory_space<hbm>>, %arg4: memref<2560x128xi32, #tpu.memory_space<hbm>>, %arg5: memref<10240x128xf32, #tpu.memory_space<hbm>>, %arg6: memref<10240x128xf32, #tpu.memory_space<hbm>>, %arg7: memref<40x128xi32, #tpu.memory_space<vmem>>, %arg8: memref<40x128xi32, #tpu.memory_space<vmem>>, %arg9: memref<128x128xf32, #tpu.memory_space<vmem>>, %arg10: memref<128x128xf32, #tpu.memory_space<vmem>>, %arg11: memref<10240x128xf32, #tpu.memory_space<vmem_shared>>, %arg12: memref<!tpu.dma_semaphore, #tpu.memory_space<semaphore_mem>>, %arg13: memref<!tpu.dma_semaphore, #tpu.memory_space<semaphore_mem>>) attributes {dimension_semantics = [#tpu.dimension_semantics<core_parallel>, #tpu.dimension_semantics<subcore_parallel>], iteration_bounds = array<i64: 2, 16>, scalar_prefetch = 0 : i64, scratch_operands = 7 : i64, tpu.core_type = #tpu.core_type<sc_vector_subcore>, window_params = [{transform_indices = #map}, {transform_indices = #map}, {transform_indices = #map}, {transform_indices = #map}, {transform_indices = #map}]} {
    %mul3A = arith.constant 16 : i32
    %mul3A_0 = arith.muli %arg0, %mul3A : i32
    %add3A = arith.addi %mul3A_0, %arg1 : i32
    %mul3A_1 = arith.constant 640 : i32
    %mul3A_2 = arith.muli %arg1, %mul3A_1 : i32
    "tpu.region"() ({
      %run_scoped3A_91 = tpu.sem_alloc : memref<!tpu.dma_semaphore, #tpu.memory_space<semaphore_mem>>
      %dma_start3A_92 = arith.constant 0 : i32
      %dma_start3A_93 = tpu.memref_slice %arg11[%mul3A_2, %dma_start3A_92] : memref<10240x128xf32, #tpu.memory_space<vmem_shared>> -> memref<640x128xf32, #tpu.memory_space<vmem_shared>>
      %dma_start3A_94 = arith.constant 0 : i32
      %dma_start3A_95 = tpu.memref_slice %arg2[%mul3A_2, %dma_start3A_94] : memref<10240x128xf32, #tpu.memory_space<hbm>> -> memref<640x128xf32, #tpu.memory_space<hbm>>
      tpu.enqueue_dma source(%dma_start3A_95 : memref<640x128xf32, #tpu.memory_space<hbm>>) target(%dma_start3A_93 : memref<640x128xf32, #tpu.memory_space<vmem_shared>>) target_semaphore(%run_scoped3A_91 : memref<!tpu.dma_semaphore, #tpu.memory_space<semaphore_mem>>)
      %dma_wait3A_96 = arith.constant 0 : i32
      %dma_wait3A_97 = tpu.memref_slice %arg11[%mul3A_2, %dma_wait3A_96] : memref<10240x128xf32, #tpu.memory_space<vmem_shared>> -> memref<640x128xf32, #tpu.memory_space<vmem_shared>>
      %dma_wait3A_98 = arith.constant 0 : i32
      %dma_wait3A_99 = tpu.memref_slice %arg2[%mul3A_2, %dma_wait3A_98] : memref<10240x128xf32, #tpu.memory_space<hbm>> -> memref<640x128xf32, #tpu.memory_space<hbm>>
      tpu.wait_dma2 semaphore(%run_scoped3A_91 : memref<!tpu.dma_semaphore, #tpu.memory_space<semaphore_mem>>) src(%dma_wait3A_99 : memref<640x128xf32, #tpu.memory_space<hbm>>) dst(%dma_wait3A_97 : memref<640x128xf32, #tpu.memory_space<vmem_shared>>)
      tpu.yield
    }) : () -> ()
    %barrier3A = arith.constant 0 : index
    tpu.barrier barrier_id(%barrier3A)
    %mul3A_3 = arith.constant 80 : i32
    %mul3A_4 = arith.muli %add3A, %mul3A_3 : i32
    %add3A_5 = arith.constant 0 : i32
    %add3A_6 = arith.addi %mul3A_4, %add3A_5 : i32
    "tpu.region"() ({
      %run_scoped3A_91 = tpu.sem_alloc : memref<!tpu.dma_semaphore, #tpu.memory_space<semaphore_mem>>
      %dma_start3A_92 = arith.constant 0 : i32
      %dma_start3A_93 = tpu.memref_slice %arg3[%add3A_6, %dma_start3A_92] : memref<2560x128xi32, #tpu.memory_space<hbm>> -> memref<40x128xi32, #tpu.memory_space<hbm>>
      %dma_start3A_94 = arith.constant 0 : i32
      %dma_start3A_95 = tpu.memref_slice %arg3[%add3A_6, %dma_start3A_94] : memref<2560x128xi32, #tpu.memory_space<hbm>> -> memref<40x128xi32, #tpu.memory_space<hbm>>
      tpu.enqueue_dma source(%dma_start3A_95 : memref<40x128xi32, #tpu.memory_space<hbm>>) target(%arg7 : memref<40x128xi32, #tpu.memory_space<vmem>>) target_semaphore(%run_scoped3A_91 : memref<!tpu.dma_semaphore, #tpu.memory_space<semaphore_mem>>)
      %dma_wait3A_96 = arith.constant 0 : i32
      %dma_wait3A_97 = tpu.memref_slice %arg3[%add3A_6, %dma_wait3A_96] : memref<2560x128xi32, #tpu.memory_space<hbm>> -> memref<40x128xi32, #tpu.memory_space<hbm>>
      %dma_wait3A_98 = arith.constant 0 : i32
      %dma_wait3A_99 = tpu.memref_slice %arg3[%add3A_6, %dma_wait3A_98] : memref<2560x128xi32, #tpu.memory_space<hbm>> -> memref<40x128xi32, #tpu.memory_space<hbm>>
      tpu.wait_dma2 semaphore(%run_scoped3A_91 : memref<!tpu.dma_semaphore, #tpu.memory_space<semaphore_mem>>) src(%dma_wait3A_99 : memref<40x128xi32, #tpu.memory_space<hbm>>) dst(%arg7 : memref<40x128xi32, #tpu.memory_space<vmem>>)
      tpu.yield
    }) : () -> ()
    %mul3A_7 = arith.constant 80 : i32
    %mul3A_8 = arith.muli %add3A, %mul3A_7 : i32
    %add3A_9 = arith.constant 0 : i32
    %add3A_10 = arith.addi %mul3A_8, %add3A_9 : i32
    "tpu.region"() ({
      %run_scoped3A_91 = tpu.sem_alloc : memref<!tpu.dma_semaphore, #tpu.memory_space<semaphore_mem>>
      %dma_start3A_92 = arith.constant 0 : i32
      %dma_start3A_93 = tpu.memref_slice %arg4[%add3A_10, %dma_start3A_92] : memref<2560x128xi32, #tpu.memory_space<hbm>> -> memref<40x128xi32, #tpu.memory_space<hbm>>
      %dma_start3A_94 = arith.constant 0 : i32
      %dma_start3A_95 = tpu.memref_slice %arg4[%add3A_10, %dma_start3A_94] : memref<2560x128xi32, #tpu.memory_space<hbm>> -> memref<40x128xi32, #tpu.memory_space<hbm>>
      tpu.enqueue_dma source(%dma_start3A_95 : memref<40x128xi32, #tpu.memory_space<hbm>>) target(%arg8 : memref<40x128xi32, #tpu.memory_space<vmem>>) target_semaphore(%run_scoped3A_91 : memref<!tpu.dma_semaphore, #tpu.memory_space<semaphore_mem>>)
      %dma_wait3A_96 = arith.constant 0 : i32
      %dma_wait3A_97 = tpu.memref_slice %arg4[%add3A_10, %dma_wait3A_96] : memref<2560x128xi32, #tpu.memory_space<hbm>> -> memref<40x128xi32, #tpu.memory_space<hbm>>
      %dma_wait3A_98 = arith.constant 0 : i32
      %dma_wait3A_99 = tpu.memref_slice %arg4[%add3A_10, %dma_wait3A_98] : memref<2560x128xi32, #tpu.memory_space<hbm>> -> memref<40x128xi32, #tpu.memory_space<hbm>>
      tpu.wait_dma2 semaphore(%run_scoped3A_91 : memref<!tpu.dma_semaphore, #tpu.memory_space<semaphore_mem>>) src(%dma_wait3A_99 : memref<40x128xi32, #tpu.memory_space<hbm>>) dst(%arg8 : memref<40x128xi32, #tpu.memory_space<vmem>>)
      tpu.yield
    }) : () -> ()
    %dma_start3A = arith.constant 0 : i32
    %dma_start3A_11 = arith.constant 0 : i32
    %dma_start3A_12 = tpu.memref_slice %arg7[%dma_start3A, %dma_start3A_11] : memref<40x128xi32, #tpu.memory_space<vmem>> -> memref<1x128xi32, #tpu.memory_space<vmem>>
    %dma_start3A_13 = tpu.memref_squeeze %dma_start3A_12 : memref<1x128xi32, #tpu.memory_space<vmem>> -> memref<128xi32, #tpu.memory_space<vmem>>
    %dma_start3A_14 = arith.constant 0 : i32
    %dma_start3A_15 = arith.constant 0 : i32
    %dma_start3A_16 = tpu.memref_slice %arg2[%dma_start3A_14, %dma_start3A_15] : memref<10240x128xf32, #tpu.memory_space<hbm>> -> memref<10240x128xf32, #tpu.memory_space<hbm>>
    tpu.enqueue_indirect_dma source(%dma_start3A_16 : memref<10240x128xf32, #tpu.memory_space<hbm>>) target(%arg9 : memref<128x128xf32, #tpu.memory_space<vmem>>) offsets(%dma_start3A_13 : memref<128xi32, #tpu.memory_space<vmem>>) semaphore(%arg12 : memref<!tpu.dma_semaphore, #tpu.memory_space<semaphore_mem>>)
    %scan3A = arith.constant 0 : i32
    %scan3A_17 = arith.constant 0 : i32
    %scan3A_18 = arith.constant 19 : i32
    %scan3A_19 = arith.addi %scan3A_17, %scan3A_18 : i32
    %scan3A_20 = arith.constant 1 : i32
    scf.for %scan3A_91 = %scan3A_17 to %scan3A_19 step %scan3A_20  : i32 {
      %mul3A_92 = arith.constant 2 : i32
      %mul3A_93 = arith.muli %mul3A_92, %scan3A_91 : i32
      %add3A_94 = arith.constant 1 : i32
      %add3A_95 = arith.addi %mul3A_93, %add3A_94 : i32
      %dma_start3A_96 = arith.constant 0 : i32
      %dma_start3A_97 = tpu.memref_slice %arg7[%add3A_95, %dma_start3A_96] : memref<40x128xi32, #tpu.memory_space<vmem>> -> memref<1x128xi32, #tpu.memory_space<vmem>>
      %dma_start3A_98 = tpu.memref_squeeze %dma_start3A_97 : memref<1x128xi32, #tpu.memory_space<vmem>> -> memref<128xi32, #tpu.memory_space<vmem>>
      %dma_start3A_99 = arith.constant 0 : i32
      %dma_start3A_100 = arith.constant 0 : i32
      %dma_start3A_101 = tpu.memref_slice %arg2[%dma_start3A_99, %dma_start3A_100] : memref<10240x128xf32, #tpu.memory_space<hbm>> -> memref<10240x128xf32, #tpu.memory_space<hbm>>
      tpu.enqueue_indirect_dma source(%dma_start3A_101 : memref<10240x128xf32, #tpu.memory_space<hbm>>) target(%arg10 : memref<128x128xf32, #tpu.memory_space<vmem>>) offsets(%dma_start3A_98 : memref<128xi32, #tpu.memory_space<vmem>>) semaphore(%arg13 : memref<!tpu.dma_semaphore, #tpu.memory_space<semaphore_mem>>)
      %dma_wait3A_102 = arith.constant 0 : i32
      %dma_wait3A_103 = arith.constant 0 : i32
      %dma_wait3A_104 = tpu.memref_slice %arg2[%dma_wait3A_102, %dma_wait3A_103] : memref<10240x128xf32, #tpu.memory_space<hbm>> -> memref<128x128xf32, #tpu.memory_space<hbm>>
      %dma_wait3A_105 = arith.constant 0 : i32
      %dma_wait3A_106 = arith.constant 0 : i32
      %dma_wait3A_107 = tpu.memref_slice %arg2[%dma_wait3A_105, %dma_wait3A_106] : memref<10240x128xf32, #tpu.memory_space<hbm>> -> memref<128x128xf32, #tpu.memory_space<hbm>>
      tpu.wait_dma2 semaphore(%arg12 : memref<!tpu.dma_semaphore, #tpu.memory_space<semaphore_mem>>) src(%dma_wait3A_107 : memref<128x128xf32, #tpu.memory_space<hbm>>) dst(%arg9 : memref<128x128xf32, #tpu.memory_space<vmem>>)
      "tpu.region"() ({
        %run_scoped3A_124 = tpu.sem_alloc : memref<!tpu.dma_semaphore, #tpu.memory_space<semaphore_mem>>
        %dma_start3A_125 = arith.constant 0 : i32
        %dma_start3A_126 = tpu.memref_slice %arg8[%mul3A_93, %dma_start3A_125] : memref<40x128xi32, #tpu.memory_space<vmem>> -> memref<1x128xi32, #tpu.memory_space<vmem>>
        %dma_start3A_127 = tpu.memref_squeeze %dma_start3A_126 : memref<1x128xi32, #tpu.memory_space<vmem>> -> memref<128xi32, #tpu.memory_space<vmem>>
        %dma_start3A_128 = arith.constant 0 : i32
        %dma_start3A_129 = arith.constant 0 : i32
        %dma_start3A_130 = tpu.memref_slice %arg11[%dma_start3A_128, %dma_start3A_129] : memref<10240x128xf32, #tpu.memory_space<vmem_shared>> -> memref<10240x128xf32, #tpu.memory_space<vmem_shared>>
        tpu.enqueue_indirect_dma source(%arg9 : memref<128x128xf32, #tpu.memory_space<vmem>>) target(%dma_start3A_130 : memref<10240x128xf32, #tpu.memory_space<vmem_shared>>) offsets(%dma_start3A_127 : memref<128xi32, #tpu.memory_space<vmem>>) semaphore(%run_scoped3A_124 : memref<!tpu.dma_semaphore, #tpu.memory_space<semaphore_mem>>) {add = true}
        %dma_wait3A_131 = arith.constant 0 : i32
        %dma_wait3A_132 = tpu.memref_slice %arg8[%mul3A_93, %dma_wait3A_131] : memref<40x128xi32, #tpu.memory_space<vmem>> -> memref<1x128xi32, #tpu.memory_space<vmem>>
        %dma_wait3A_133 = tpu.memref_squeeze %dma_wait3A_132 : memref<1x128xi32, #tpu.memory_space<vmem>> -> memref<128xi32, #tpu.memory_space<vmem>>
        %dma_wait3A_134 = arith.constant 0 : i32
        %dma_wait3A_135 = arith.constant 0 : i32
        %dma_wait3A_136 = tpu.memref_slice %arg11[%dma_wait3A_134, %dma_wait3A_135] : memref<10240x128xf32, #tpu.memory_space<vmem_shared>> -> memref<10240x128xf32, #tpu.memory_space<vmem_shared>>
        tpu.wait_indirect_dma semaphore(%run_scoped3A_124 : memref<!tpu.dma_semaphore, #tpu.memory_space<semaphore_mem>>) src(%arg9 : memref<128x128xf32, #tpu.memory_space<vmem>>) dst(%dma_wait3A_136 : memref<10240x128xf32, #tpu.memory_space<vmem_shared>>)
        tpu.yield
      }) : () -> ()
      %add3A_108 = arith.constant 2 : i32
      %add3A_109 = arith.addi %mul3A_93, %add3A_108 : i32
      %dma_start3A_110 = arith.constant 0 : i32
      %dma_start3A_111 = tpu.memref_slice %arg7[%add3A_109, %dma_start3A_110] : memref<40x128xi32, #tpu.memory_space<vmem>> -> memref<1x128xi32, #tpu.memory_space<vmem>>
      %dma_start3A_112 = tpu.memref_squeeze %dma_start3A_111 : memref<1x128xi32, #tpu.memory_space<vmem>> -> memref<128xi32, #tpu.memory_space<vmem>>
      %dma_start3A_113 = arith.constant 0 : i32
      %dma_start3A_114 = arith.constant 0 : i32
      %dma_start3A_115 = tpu.memref_slice %arg2[%dma_start3A_113, %dma_start3A_114] : memref<10240x128xf32, #tpu.memory_space<hbm>> -> memref<10240x128xf32, #tpu.memory_space<hbm>>
      tpu.enqueue_indirect_dma source(%dma_start3A_115 : memref<10240x128xf32, #tpu.memory_space<hbm>>) target(%arg9 : memref<128x128xf32, #tpu.memory_space<vmem>>) offsets(%dma_start3A_112 : memref<128xi32, #tpu.memory_space<vmem>>) semaphore(%arg12 : memref<!tpu.dma_semaphore, #tpu.memory_space<semaphore_mem>>)
      %dma_wait3A_116 = arith.constant 0 : i32
      %dma_wait3A_117 = arith.constant 0 : i32
      %dma_wait3A_118 = tpu.memref_slice %arg2[%dma_wait3A_116, %dma_wait3A_117] : memref<10240x128xf32, #tpu.memory_space<hbm>> -> memref<128x128xf32, #tpu.memory_space<hbm>>
      %dma_wait3A_119 = arith.constant 0 : i32
      %dma_wait3A_120 = arith.constant 0 : i32
      %dma_wait3A_121 = tpu.memref_slice %arg2[%dma_wait3A_119, %dma_wait3A_120] : memref<10240x128xf32, #tpu.memory_space<hbm>> -> memref<128x128xf32, #tpu.memory_space<hbm>>
      tpu.wait_dma2 semaphore(%arg13 : memref<!tpu.dma_semaphore, #tpu.memory_space<semaphore_mem>>) src(%dma_wait3A_121 : memref<128x128xf32, #tpu.memory_space<hbm>>) dst(%arg10 : memref<128x128xf32, #tpu.memory_space<vmem>>)
      %add3A_122 = arith.constant 1 : i32
      %add3A_123 = arith.addi %mul3A_93, %add3A_122 : i32
      "tpu.region"() ({
        %run_scoped3A_124 = tpu.sem_alloc : memref<!tpu.dma_semaphore, #tpu.memory_space<semaphore_mem>>
        %dma_start3A_125 = arith.constant 0 : i32
        %dma_start3A_126 = tpu.memref_slice %arg8[%add3A_123, %dma_start3A_125] : memref<40x128xi32, #tpu.memory_space<vmem>> -> memref<1x128xi32, #tpu.memory_space<vmem>>
        %dma_start3A_127 = tpu.memref_squeeze %dma_start3A_126 : memref<1x128xi32, #tpu.memory_space<vmem>> -> memref<128xi32, #tpu.memory_space<vmem>>
        %dma_start3A_128 = arith.constant 0 : i32
        %dma_start3A_129 = arith.constant 0 : i32
        %dma_start3A_130 = tpu.memref_slice %arg11[%dma_start3A_128, %dma_start3A_129] : memref<10240x128xf32, #tpu.memory_space<vmem_shared>> -> memref<10240x128xf32, #tpu.memory_space<vmem_shared>>
        tpu.enqueue_indirect_dma source(%arg10 : memref<128x128xf32, #tpu.memory_space<vmem>>) target(%dma_start3A_130 : memref<10240x128xf32, #tpu.memory_space<vmem_shared>>) offsets(%dma_start3A_127 : memref<128xi32, #tpu.memory_space<vmem>>) semaphore(%run_scoped3A_124 : memref<!tpu.dma_semaphore, #tpu.memory_space<semaphore_mem>>) {add = true}
        %dma_wait3A_131 = arith.constant 0 : i32
        %dma_wait3A_132 = tpu.memref_slice %arg8[%add3A_123, %dma_wait3A_131] : memref<40x128xi32, #tpu.memory_space<vmem>> -> memref<1x128xi32, #tpu.memory_space<vmem>>
        %dma_wait3A_133 = tpu.memref_squeeze %dma_wait3A_132 : memref<1x128xi32, #tpu.memory_space<vmem>> -> memref<128xi32, #tpu.memory_space<vmem>>
        %dma_wait3A_134 = arith.constant 0 : i32
        %dma_wait3A_135 = arith.constant 0 : i32
        %dma_wait3A_136 = tpu.memref_slice %arg11[%dma_wait3A_134, %dma_wait3A_135] : memref<10240x128xf32, #tpu.memory_space<vmem_shared>> -> memref<10240x128xf32, #tpu.memory_space<vmem_shared>>
        tpu.wait_indirect_dma semaphore(%run_scoped3A_124 : memref<!tpu.dma_semaphore, #tpu.memory_space<semaphore_mem>>) src(%arg10 : memref<128x128xf32, #tpu.memory_space<vmem>>) dst(%dma_wait3A_136 : memref<10240x128xf32, #tpu.memory_space<vmem_shared>>)
        tpu.yield
      }) : () -> ()
    }
    %scan3A_21 = arith.constant 19 : i32
    %dma_start3A_22 = arith.constant 39 : i32
    %dma_start3A_23 = arith.constant 0 : i32
    %dma_start3A_24 = tpu.memref_slice %arg7[%dma_start3A_22, %dma_start3A_23] : memref<40x128xi32, #tpu.memory_space<vmem>> -> memref<1x128xi32, #tpu.memory_space<vmem>>
    %dma_start3A_25 = tpu.memref_squeeze %dma_start3A_24 : memref<1x128xi32, #tpu.memory_space<vmem>> -> memref<128xi32, #tpu.memory_space<vmem>>
    %dma_start3A_26 = arith.constant 0 : i32
    %dma_start3A_27 = arith.constant 0 : i32
    %dma_start3A_28 = tpu.memref_slice %arg2[%dma_start3A_26, %dma_start3A_27] : memref<10240x128xf32, #tpu.memory_space<hbm>> -> memref<10240x128xf32, #tpu.memory_space<hbm>>
    tpu.enqueue_indirect_dma source(%dma_start3A_28 : memref<10240x128xf32, #tpu.memory_space<hbm>>) target(%arg10 : memref<128x128xf32, #tpu.memory_space<vmem>>) offsets(%dma_start3A_25 : memref<128xi32, #tpu.memory_space<vmem>>) semaphore(%arg13 : memref<!tpu.dma_semaphore, #tpu.memory_space<semaphore_mem>>)
    %dma_wait3A = arith.constant 0 : i32
    %dma_wait3A_29 = arith.constant 0 : i32
    %dma_wait3A_30 = tpu.memref_slice %arg2[%dma_wait3A, %dma_wait3A_29] : memref<10240x128xf32, #tpu.memory_space<hbm>> -> memref<128x128xf32, #tpu.memory_space<hbm>>
    %dma_wait3A_31 = arith.constant 0 : i32
    %dma_wait3A_32 = arith.constant 0 : i32
    %dma_wait3A_33 = tpu.memref_slice %arg2[%dma_wait3A_31, %dma_wait3A_32] : memref<10240x128xf32, #tpu.memory_space<hbm>> -> memref<128x128xf32, #tpu.memory_space<hbm>>
    tpu.wait_dma2 semaphore(%arg12 : memref<!tpu.dma_semaphore, #tpu.memory_space<semaphore_mem>>) src(%dma_wait3A_33 : memref<128x128xf32, #tpu.memory_space<hbm>>) dst(%arg9 : memref<128x128xf32, #tpu.memory_space<vmem>>)
    %run_scoped3A = arith.constant 38 : i32
    "tpu.region"() ({
      %run_scoped3A_91 = tpu.sem_alloc : memref<!tpu.dma_semaphore, #tpu.memory_space<semaphore_mem>>
      %dma_start3A_92 = arith.constant 0 : i32
      %dma_start3A_93 = tpu.memref_slice %arg8[%run_scoped3A, %dma_start3A_92] : memref<40x128xi32, #tpu.memory_space<vmem>> -> memref<1x128xi32, #tpu.memory_space<vmem>>
      %dma_start3A_94 = tpu.memref_squeeze %dma_start3A_93 : memref<1x128xi32, #tpu.memory_space<vmem>> -> memref<128xi32, #tpu.memory_space<vmem>>
      %dma_start3A_95 = arith.constant 0 : i32
      %dma_start3A_96 = arith.constant 0 : i32
      %dma_start3A_97 = tpu.memref_slice %arg11[%dma_start3A_95, %dma_start3A_96] : memref<10240x128xf32, #tpu.memory_space<vmem_shared>> -> memref<10240x128xf32, #tpu.memory_space<vmem_shared>>
      tpu.enqueue_indirect_dma source(%arg9 : memref<128x128xf32, #tpu.memory_space<vmem>>) target(%dma_start3A_97 : memref<10240x128xf32, #tpu.memory_space<vmem_shared>>) offsets(%dma_start3A_94 : memref<128xi32, #tpu.memory_space<vmem>>) semaphore(%run_scoped3A_91 : memref<!tpu.dma_semaphore, #tpu.memory_space<semaphore_mem>>) {add = true}
      %dma_wait3A_98 = arith.constant 0 : i32
      %dma_wait3A_99 = tpu.memref_slice %arg8[%run_scoped3A, %dma_wait3A_98] : memref<40x128xi32, #tpu.memory_space<vmem>> -> memref<1x128xi32, #tpu.memory_space<vmem>>
      %dma_wait3A_100 = tpu.memref_squeeze %dma_wait3A_99 : memref<1x128xi32, #tpu.memory_space<vmem>> -> memref<128xi32, #tpu.memory_space<vmem>>
      %dma_wait3A_101 = arith.constant 0 : i32
      %dma_wait3A_102 = arith.constant 0 : i32
      %dma_wait3A_103 = tpu.memref_slice %arg11[%dma_wait3A_101, %dma_wait3A_102] : memref<10240x128xf32, #tpu.memory_space<vmem_shared>> -> memref<10240x128xf32, #tpu.memory_space<vmem_shared>>
      tpu.wait_indirect_dma semaphore(%run_scoped3A_91 : memref<!tpu.dma_semaphore, #tpu.memory_space<semaphore_mem>>) src(%arg9 : memref<128x128xf32, #tpu.memory_space<vmem>>) dst(%dma_wait3A_103 : memref<10240x128xf32, #tpu.memory_space<vmem_shared>>)
      tpu.yield
    }) : () -> ()
    %dma_wait3A_34 = arith.constant 0 : i32
    %dma_wait3A_35 = arith.constant 0 : i32
    %dma_wait3A_36 = tpu.memref_slice %arg2[%dma_wait3A_34, %dma_wait3A_35] : memref<10240x128xf32, #tpu.memory_space<hbm>> -> memref<128x128xf32, #tpu.memory_space<hbm>>
    %dma_wait3A_37 = arith.constant 0 : i32
    %dma_wait3A_38 = arith.constant 0 : i32
    %dma_wait3A_39 = tpu.memref_slice %arg2[%dma_wait3A_37, %dma_wait3A_38] : memref<10240x128xf32, #tpu.memory_space<hbm>> -> memref<128x128xf32, #tpu.memory_space<hbm>>
    tpu.wait_dma2 semaphore(%arg13 : memref<!tpu.dma_semaphore, #tpu.memory_space<semaphore_mem>>) src(%dma_wait3A_39 : memref<128x128xf32, #tpu.memory_space<hbm>>) dst(%arg10 : memref<128x128xf32, #tpu.memory_space<vmem>>)
    %run_scoped3A_40 = arith.constant 39 : i32
    "tpu.region"() ({
      %run_scoped3A_91 = tpu.sem_alloc : memref<!tpu.dma_semaphore, #tpu.memory_space<semaphore_mem>>
      %dma_start3A_92 = arith.constant 0 : i32
      %dma_start3A_93 = tpu.memref_slice %arg8[%run_scoped3A_40, %dma_start3A_92] : memref<40x128xi32, #tpu.memory_space<vmem>> -> memref<1x128xi32, #tpu.memory_space<vmem>>
      %dma_start3A_94 = tpu.memref_squeeze %dma_start3A_93 : memref<1x128xi32, #tpu.memory_space<vmem>> -> memref<128xi32, #tpu.memory_space<vmem>>
      %dma_start3A_95 = arith.constant 0 : i32
      %dma_start3A_96 = arith.constant 0 : i32
      %dma_start3A_97 = tpu.memref_slice %arg11[%dma_start3A_95, %dma_start3A_96] : memref<10240x128xf32, #tpu.memory_space<vmem_shared>> -> memref<10240x128xf32, #tpu.memory_space<vmem_shared>>
      tpu.enqueue_indirect_dma source(%arg10 : memref<128x128xf32, #tpu.memory_space<vmem>>) target(%dma_start3A_97 : memref<10240x128xf32, #tpu.memory_space<vmem_shared>>) offsets(%dma_start3A_94 : memref<128xi32, #tpu.memory_space<vmem>>) semaphore(%run_scoped3A_91 : memref<!tpu.dma_semaphore, #tpu.memory_space<semaphore_mem>>) {add = true}
      %dma_wait3A_98 = arith.constant 0 : i32
      %dma_wait3A_99 = tpu.memref_slice %arg8[%run_scoped3A_40, %dma_wait3A_98] : memref<40x128xi32, #tpu.memory_space<vmem>> -> memref<1x128xi32, #tpu.memory_space<vmem>>
      %dma_wait3A_100 = tpu.memref_squeeze %dma_wait3A_99 : memref<1x128xi32, #tpu.memory_space<vmem>> -> memref<128xi32, #tpu.memory_space<vmem>>
      %dma_wait3A_101 = arith.constant 0 : i32
      %dma_wait3A_102 = arith.constant 0 : i32
      %dma_wait3A_103 = tpu.memref_slice %arg11[%dma_wait3A_101, %dma_wait3A_102] : memref<10240x128xf32, #tpu.memory_space<vmem_shared>> -> memref<10240x128xf32, #tpu.memory_space<vmem_shared>>
      tpu.wait_indirect_dma semaphore(%run_scoped3A_91 : memref<!tpu.dma_semaphore, #tpu.memory_space<semaphore_mem>>) src(%arg10 : memref<128x128xf32, #tpu.memory_space<vmem>>) dst(%dma_wait3A_103 : memref<10240x128xf32, #tpu.memory_space<vmem_shared>>)
      tpu.yield
    }) : () -> ()
    %mul3A_41 = arith.constant 80 : i32
    %mul3A_42 = arith.muli %add3A, %mul3A_41 : i32
    %add3A_43 = arith.constant 40 : i32
    %add3A_44 = arith.addi %mul3A_42, %add3A_43 : i32
    "tpu.region"() ({
      %run_scoped3A_91 = tpu.sem_alloc : memref<!tpu.dma_semaphore, #tpu.memory_space<semaphore_mem>>
      %dma_start3A_92 = arith.constant 0 : i32
      %dma_start3A_93 = tpu.memref_slice %arg3[%add3A_44, %dma_start3A_92] : memref<2560x128xi32, #tpu.memory_space<hbm>> -> memref<40x128xi32, #tpu.memory_space<hbm>>
      %dma_start3A_94 = arith.constant 0 : i32
      %dma_start3A_95 = tpu.memref_slice %arg3[%add3A_44, %dma_start3A_94] : memref<2560x128xi32, #tpu.memory_space<hbm>> -> memref<40x128xi32, #tpu.memory_space<hbm>>
      tpu.enqueue_dma source(%dma_start3A_95 : memref<40x128xi32, #tpu.memory_space<hbm>>) target(%arg7 : memref<40x128xi32, #tpu.memory_space<vmem>>) target_semaphore(%run_scoped3A_91 : memref<!tpu.dma_semaphore, #tpu.memory_space<semaphore_mem>>)
      %dma_wait3A_96 = arith.constant 0 : i32
      %dma_wait3A_97 = tpu.memref_slice %arg3[%add3A_44, %dma_wait3A_96] : memref<2560x128xi32, #tpu.memory_space<hbm>> -> memref<40x128xi32, #tpu.memory_space<hbm>>
      %dma_wait3A_98 = arith.constant 0 : i32
      %dma_wait3A_99 = tpu.memref_slice %arg3[%add3A_44, %dma_wait3A_98] : memref<2560x128xi32, #tpu.memory_space<hbm>> -> memref<40x128xi32, #tpu.memory_space<hbm>>
      tpu.wait_dma2 semaphore(%run_scoped3A_91 : memref<!tpu.dma_semaphore, #tpu.memory_space<semaphore_mem>>) src(%dma_wait3A_99 : memref<40x128xi32, #tpu.memory_space<hbm>>) dst(%arg7 : memref<40x128xi32, #tpu.memory_space<vmem>>)
      tpu.yield
    }) : () -> ()
    %mul3A_45 = arith.constant 80 : i32
    %mul3A_46 = arith.muli %add3A, %mul3A_45 : i32
    %add3A_47 = arith.constant 40 : i32
    %add3A_48 = arith.addi %mul3A_46, %add3A_47 : i32
    "tpu.region"() ({
      %run_scoped3A_91 = tpu.sem_alloc : memref<!tpu.dma_semaphore, #tpu.memory_space<semaphore_mem>>
      %dma_start3A_92 = arith.constant 0 : i32
      %dma_start3A_93 = tpu.memref_slice %arg4[%add3A_48, %dma_start3A_92] : memref<2560x128xi32, #tpu.memory_space<hbm>> -> memref<40x128xi32, #tpu.memory_space<hbm>>
      %dma_start3A_94 = arith.constant 0 : i32
      %dma_start3A_95 = tpu.memref_slice %arg4[%add3A_48, %dma_start3A_94] : memref<2560x128xi32, #tpu.memory_space<hbm>> -> memref<40x128xi32, #tpu.memory_space<hbm>>
      tpu.enqueue_dma source(%dma_start3A_95 : memref<40x128xi32, #tpu.memory_space<hbm>>) target(%arg8 : memref<40x128xi32, #tpu.memory_space<vmem>>) target_semaphore(%run_scoped3A_91 : memref<!tpu.dma_semaphore, #tpu.memory_space<semaphore_mem>>)
      %dma_wait3A_96 = arith.constant 0 : i32
      %dma_wait3A_97 = tpu.memref_slice %arg4[%add3A_48, %dma_wait3A_96] : memref<2560x128xi32, #tpu.memory_space<hbm>> -> memref<40x128xi32, #tpu.memory_space<hbm>>
      %dma_wait3A_98 = arith.constant 0 : i32
      %dma_wait3A_99 = tpu.memref_slice %arg4[%add3A_48, %dma_wait3A_98] : memref<2560x128xi32, #tpu.memory_space<hbm>> -> memref<40x128xi32, #tpu.memory_space<hbm>>
      tpu.wait_dma2 semaphore(%run_scoped3A_91 : memref<!tpu.dma_semaphore, #tpu.memory_space<semaphore_mem>>) src(%dma_wait3A_99 : memref<40x128xi32, #tpu.memory_space<hbm>>) dst(%arg8 : memref<40x128xi32, #tpu.memory_space<vmem>>)
      tpu.yield
    }) : () -> ()
    %dma_start3A_49 = arith.constant 0 : i32
    %dma_start3A_50 = arith.constant 0 : i32
    %dma_start3A_51 = tpu.memref_slice %arg7[%dma_start3A_49, %dma_start3A_50] : memref<40x128xi32, #tpu.memory_space<vmem>> -> memref<1x128xi32, #tpu.memory_space<vmem>>
    %dma_start3A_52 = tpu.memref_squeeze %dma_start3A_51 : memref<1x128xi32, #tpu.memory_space<vmem>> -> memref<128xi32, #tpu.memory_space<vmem>>
    %dma_start3A_53 = arith.constant 0 : i32
    %dma_start3A_54 = arith.constant 0 : i32
    %dma_start3A_55 = tpu.memref_slice %arg2[%dma_start3A_53, %dma_start3A_54] : memref<10240x128xf32, #tpu.memory_space<hbm>> -> memref<10240x128xf32, #tpu.memory_space<hbm>>
    tpu.enqueue_indirect_dma source(%dma_start3A_55 : memref<10240x128xf32, #tpu.memory_space<hbm>>) target(%arg9 : memref<128x128xf32, #tpu.memory_space<vmem>>) offsets(%dma_start3A_52 : memref<128xi32, #tpu.memory_space<vmem>>) semaphore(%arg12 : memref<!tpu.dma_semaphore, #tpu.memory_space<semaphore_mem>>)
    %scan3A_56 = arith.constant 0 : i32
    %scan3A_57 = arith.constant 0 : i32
    %scan3A_58 = arith.constant 19 : i32
    %scan3A_59 = arith.addi %scan3A_57, %scan3A_58 : i32
    %scan3A_60 = arith.constant 1 : i32
    scf.for %scan3A_91 = %scan3A_57 to %scan3A_59 step %scan3A_60  : i32 {
      %mul3A_92 = arith.constant 2 : i32
      %mul3A_93 = arith.muli %mul3A_92, %scan3A_91 : i32
      %add3A_94 = arith.constant 1 : i32
      %add3A_95 = arith.addi %mul3A_93, %add3A_94 : i32
      %dma_start3A_96 = arith.constant 0 : i32
      %dma_start3A_97 = tpu.memref_slice %arg7[%add3A_95, %dma_start3A_96] : memref<40x128xi32, #tpu.memory_space<vmem>> -> memref<1x128xi32, #tpu.memory_space<vmem>>
      %dma_start3A_98 = tpu.memref_squeeze %dma_start3A_97 : memref<1x128xi32, #tpu.memory_space<vmem>> -> memref<128xi32, #tpu.memory_space<vmem>>
      %dma_start3A_99 = arith.constant 0 : i32
      %dma_start3A_100 = arith.constant 0 : i32
      %dma_start3A_101 = tpu.memref_slice %arg2[%dma_start3A_99, %dma_start3A_100] : memref<10240x128xf32, #tpu.memory_space<hbm>> -> memref<10240x128xf32, #tpu.memory_space<hbm>>
      tpu.enqueue_indirect_dma source(%dma_start3A_101 : memref<10240x128xf32, #tpu.memory_space<hbm>>) target(%arg10 : memref<128x128xf32, #tpu.memory_space<vmem>>) offsets(%dma_start3A_98 : memref<128xi32, #tpu.memory_space<vmem>>) semaphore(%arg13 : memref<!tpu.dma_semaphore, #tpu.memory_space<semaphore_mem>>)
      %dma_wait3A_102 = arith.constant 0 : i32
      %dma_wait3A_103 = arith.constant 0 : i32
      %dma_wait3A_104 = tpu.memref_slice %arg2[%dma_wait3A_102, %dma_wait3A_103] : memref<10240x128xf32, #tpu.memory_space<hbm>> -> memref<128x128xf32, #tpu.memory_space<hbm>>
      %dma_wait3A_105 = arith.constant 0 : i32
      %dma_wait3A_106 = arith.constant 0 : i32
      %dma_wait3A_107 = tpu.memref_slice %arg2[%dma_wait3A_105, %dma_wait3A_106] : memref<10240x128xf32, #tpu.memory_space<hbm>> -> memref<128x128xf32, #tpu.memory_space<hbm>>
      tpu.wait_dma2 semaphore(%arg12 : memref<!tpu.dma_semaphore, #tpu.memory_space<semaphore_mem>>) src(%dma_wait3A_107 : memref<128x128xf32, #tpu.memory_space<hbm>>) dst(%arg9 : memref<128x128xf32, #tpu.memory_space<vmem>>)
      "tpu.region"() ({
        %run_scoped3A_124 = tpu.sem_alloc : memref<!tpu.dma_semaphore, #tpu.memory_space<semaphore_mem>>
        %dma_start3A_125 = arith.constant 0 : i32
        %dma_start3A_126 = tpu.memref_slice %arg8[%mul3A_93, %dma_start3A_125] : memref<40x128xi32, #tpu.memory_space<vmem>> -> memref<1x128xi32, #tpu.memory_space<vmem>>
        %dma_start3A_127 = tpu.memref_squeeze %dma_start3A_126 : memref<1x128xi32, #tpu.memory_space<vmem>> -> memref<128xi32, #tpu.memory_space<vmem>>
        %dma_start3A_128 = arith.constant 0 : i32
        %dma_start3A_129 = arith.constant 0 : i32
        %dma_start3A_130 = tpu.memref_slice %arg11[%dma_start3A_128, %dma_start3A_129] : memref<10240x128xf32, #tpu.memory_space<vmem_shared>> -> memref<10240x128xf32, #tpu.memory_space<vmem_shared>>
        tpu.enqueue_indirect_dma source(%arg9 : memref<128x128xf32, #tpu.memory_space<vmem>>) target(%dma_start3A_130 : memref<10240x128xf32, #tpu.memory_space<vmem_shared>>) offsets(%dma_start3A_127 : memref<128xi32, #tpu.memory_space<vmem>>) semaphore(%run_scoped3A_124 : memref<!tpu.dma_semaphore, #tpu.memory_space<semaphore_mem>>) {add = true}
        %dma_wait3A_131 = arith.constant 0 : i32
        %dma_wait3A_132 = tpu.memref_slice %arg8[%mul3A_93, %dma_wait3A_131] : memref<40x128xi32, #tpu.memory_space<vmem>> -> memref<1x128xi32, #tpu.memory_space<vmem>>
        %dma_wait3A_133 = tpu.memref_squeeze %dma_wait3A_132 : memref<1x128xi32, #tpu.memory_space<vmem>> -> memref<128xi32, #tpu.memory_space<vmem>>
        %dma_wait3A_134 = arith.constant 0 : i32
        %dma_wait3A_135 = arith.constant 0 : i32
        %dma_wait3A_136 = tpu.memref_slice %arg11[%dma_wait3A_134, %dma_wait3A_135] : memref<10240x128xf32, #tpu.memory_space<vmem_shared>> -> memref<10240x128xf32, #tpu.memory_space<vmem_shared>>
        tpu.wait_indirect_dma semaphore(%run_scoped3A_124 : memref<!tpu.dma_semaphore, #tpu.memory_space<semaphore_mem>>) src(%arg9 : memref<128x128xf32, #tpu.memory_space<vmem>>) dst(%dma_wait3A_136 : memref<10240x128xf32, #tpu.memory_space<vmem_shared>>)
        tpu.yield
      }) : () -> ()
      %add3A_108 = arith.constant 2 : i32
      %add3A_109 = arith.addi %mul3A_93, %add3A_108 : i32
      %dma_start3A_110 = arith.constant 0 : i32
      %dma_start3A_111 = tpu.memref_slice %arg7[%add3A_109, %dma_start3A_110] : memref<40x128xi32, #tpu.memory_space<vmem>> -> memref<1x128xi32, #tpu.memory_space<vmem>>
      %dma_start3A_112 = tpu.memref_squeeze %dma_start3A_111 : memref<1x128xi32, #tpu.memory_space<vmem>> -> memref<128xi32, #tpu.memory_space<vmem>>
      %dma_start3A_113 = arith.constant 0 : i32
      %dma_start3A_114 = arith.constant 0 : i32
      %dma_start3A_115 = tpu.memref_slice %arg2[%dma_start3A_113, %dma_start3A_114] : memref<10240x128xf32, #tpu.memory_space<hbm>> -> memref<10240x128xf32, #tpu.memory_space<hbm>>
      tpu.enqueue_indirect_dma source(%dma_start3A_115 : memref<10240x128xf32, #tpu.memory_space<hbm>>) target(%arg9 : memref<128x128xf32, #tpu.memory_space<vmem>>) offsets(%dma_start3A_112 : memref<128xi32, #tpu.memory_space<vmem>>) semaphore(%arg12 : memref<!tpu.dma_semaphore, #tpu.memory_space<semaphore_mem>>)
      %dma_wait3A_116 = arith.constant 0 : i32
      %dma_wait3A_117 = arith.constant 0 : i32
      %dma_wait3A_118 = tpu.memref_slice %arg2[%dma_wait3A_116, %dma_wait3A_117] : memref<10240x128xf32, #tpu.memory_space<hbm>> -> memref<128x128xf32, #tpu.memory_space<hbm>>
      %dma_wait3A_119 = arith.constant 0 : i32
      %dma_wait3A_120 = arith.constant 0 : i32
      %dma_wait3A_121 = tpu.memref_slice %arg2[%dma_wait3A_119, %dma_wait3A_120] : memref<10240x128xf32, #tpu.memory_space<hbm>> -> memref<128x128xf32, #tpu.memory_space<hbm>>
      tpu.wait_dma2 semaphore(%arg13 : memref<!tpu.dma_semaphore, #tpu.memory_space<semaphore_mem>>) src(%dma_wait3A_121 : memref<128x128xf32, #tpu.memory_space<hbm>>) dst(%arg10 : memref<128x128xf32, #tpu.memory_space<vmem>>)
      %add3A_122 = arith.constant 1 : i32
      %add3A_123 = arith.addi %mul3A_93, %add3A_122 : i32
      "tpu.region"() ({
        %run_scoped3A_124 = tpu.sem_alloc : memref<!tpu.dma_semaphore, #tpu.memory_space<semaphore_mem>>
        %dma_start3A_125 = arith.constant 0 : i32
        %dma_start3A_126 = tpu.memref_slice %arg8[%add3A_123, %dma_start3A_125] : memref<40x128xi32, #tpu.memory_space<vmem>> -> memref<1x128xi32, #tpu.memory_space<vmem>>
        %dma_start3A_127 = tpu.memref_squeeze %dma_start3A_126 : memref<1x128xi32, #tpu.memory_space<vmem>> -> memref<128xi32, #tpu.memory_space<vmem>>
        %dma_start3A_128 = arith.constant 0 : i32
        %dma_start3A_129 = arith.constant 0 : i32
        %dma_start3A_130 = tpu.memref_slice %arg11[%dma_start3A_128, %dma_start3A_129] : memref<10240x128xf32, #tpu.memory_space<vmem_shared>> -> memref<10240x128xf32, #tpu.memory_space<vmem_shared>>
        tpu.enqueue_indirect_dma source(%arg10 : memref<128x128xf32, #tpu.memory_space<vmem>>) target(%dma_start3A_130 : memref<10240x128xf32, #tpu.memory_space<vmem_shared>>) offsets(%dma_start3A_127 : memref<128xi32, #tpu.memory_space<vmem>>) semaphore(%run_scoped3A_124 : memref<!tpu.dma_semaphore, #tpu.memory_space<semaphore_mem>>) {add = true}
        %dma_wait3A_131 = arith.constant 0 : i32
        %dma_wait3A_132 = tpu.memref_slice %arg8[%add3A_123, %dma_wait3A_131] : memref<40x128xi32, #tpu.memory_space<vmem>> -> memref<1x128xi32, #tpu.memory_space<vmem>>
        %dma_wait3A_133 = tpu.memref_squeeze %dma_wait3A_132 : memref<1x128xi32, #tpu.memory_space<vmem>> -> memref<128xi32, #tpu.memory_space<vmem>>
        %dma_wait3A_134 = arith.constant 0 : i32
        %dma_wait3A_135 = arith.constant 0 : i32
        %dma_wait3A_136 = tpu.memref_slice %arg11[%dma_wait3A_134, %dma_wait3A_135] : memref<10240x128xf32, #tpu.memory_space<vmem_shared>> -> memref<10240x128xf32, #tpu.memory_space<vmem_shared>>
        tpu.wait_indirect_dma semaphore(%run_scoped3A_124 : memref<!tpu.dma_semaphore, #tpu.memory_space<semaphore_mem>>) src(%arg10 : memref<128x128xf32, #tpu.memory_space<vmem>>) dst(%dma_wait3A_136 : memref<10240x128xf32, #tpu.memory_space<vmem_shared>>)
        tpu.yield
      }) : () -> ()
    }
    %scan3A_61 = arith.constant 19 : i32
    %dma_start3A_62 = arith.constant 39 : i32
    %dma_start3A_63 = arith.constant 0 : i32
    %dma_start3A_64 = tpu.memref_slice %arg7[%dma_start3A_62, %dma_start3A_63] : memref<40x128xi32, #tpu.memory_space<vmem>> -> memref<1x128xi32, #tpu.memory_space<vmem>>
    %dma_start3A_65 = tpu.memref_squeeze %dma_start3A_64 : memref<1x128xi32, #tpu.memory_space<vmem>> -> memref<128xi32, #tpu.memory_space<vmem>>
    %dma_start3A_66 = arith.constant 0 : i32
    %dma_start3A_67 = arith.constant 0 : i32
    %dma_start3A_68 = tpu.memref_slice %arg2[%dma_start3A_66, %dma_start3A_67] : memref<10240x128xf32, #tpu.memory_space<hbm>> -> memref<10240x128xf32, #tpu.memory_space<hbm>>
    tpu.enqueue_indirect_dma source(%dma_start3A_68 : memref<10240x128xf32, #tpu.memory_space<hbm>>) target(%arg10 : memref<128x128xf32, #tpu.memory_space<vmem>>) offsets(%dma_start3A_65 : memref<128xi32, #tpu.memory_space<vmem>>) semaphore(%arg13 : memref<!tpu.dma_semaphore, #tpu.memory_space<semaphore_mem>>)
    %dma_wait3A_69 = arith.constant 0 : i32
    %dma_wait3A_70 = arith.constant 0 : i32
    %dma_wait3A_71 = tpu.memref_slice %arg2[%dma_wait3A_69, %dma_wait3A_70] : memref<10240x128xf32, #tpu.memory_space<hbm>> -> memref<128x128xf32, #tpu.memory_space<hbm>>
    %dma_wait3A_72 = arith.constant 0 : i32
    %dma_wait3A_73 = arith.constant 0 : i32
    %dma_wait3A_74 = tpu.memref_slice %arg2[%dma_wait3A_72, %dma_wait3A_73] : memref<10240x128xf32, #tpu.memory_space<hbm>> -> memref<128x128xf32, #tpu.memory_space<hbm>>
    tpu.wait_dma2 semaphore(%arg12 : memref<!tpu.dma_semaphore, #tpu.memory_space<semaphore_mem>>) src(%dma_wait3A_74 : memref<128x128xf32, #tpu.memory_space<hbm>>) dst(%arg9 : memref<128x128xf32, #tpu.memory_space<vmem>>)
    %run_scoped3A_75 = arith.constant 38 : i32
    "tpu.region"() ({
      %run_scoped3A_91 = tpu.sem_alloc : memref<!tpu.dma_semaphore, #tpu.memory_space<semaphore_mem>>
      %dma_start3A_92 = arith.constant 0 : i32
      %dma_start3A_93 = tpu.memref_slice %arg8[%run_scoped3A_75, %dma_start3A_92] : memref<40x128xi32, #tpu.memory_space<vmem>> -> memref<1x128xi32, #tpu.memory_space<vmem>>
      %dma_start3A_94 = tpu.memref_squeeze %dma_start3A_93 : memref<1x128xi32, #tpu.memory_space<vmem>> -> memref<128xi32, #tpu.memory_space<vmem>>
      %dma_start3A_95 = arith.constant 0 : i32
      %dma_start3A_96 = arith.constant 0 : i32
      %dma_start3A_97 = tpu.memref_slice %arg11[%dma_start3A_95, %dma_start3A_96] : memref<10240x128xf32, #tpu.memory_space<vmem_shared>> -> memref<10240x128xf32, #tpu.memory_space<vmem_shared>>
      tpu.enqueue_indirect_dma source(%arg9 : memref<128x128xf32, #tpu.memory_space<vmem>>) target(%dma_start3A_97 : memref<10240x128xf32, #tpu.memory_space<vmem_shared>>) offsets(%dma_start3A_94 : memref<128xi32, #tpu.memory_space<vmem>>) semaphore(%run_scoped3A_91 : memref<!tpu.dma_semaphore, #tpu.memory_space<semaphore_mem>>) {add = true}
      %dma_wait3A_98 = arith.constant 0 : i32
      %dma_wait3A_99 = tpu.memref_slice %arg8[%run_scoped3A_75, %dma_wait3A_98] : memref<40x128xi32, #tpu.memory_space<vmem>> -> memref<1x128xi32, #tpu.memory_space<vmem>>
      %dma_wait3A_100 = tpu.memref_squeeze %dma_wait3A_99 : memref<1x128xi32, #tpu.memory_space<vmem>> -> memref<128xi32, #tpu.memory_space<vmem>>
      %dma_wait3A_101 = arith.constant 0 : i32
      %dma_wait3A_102 = arith.constant 0 : i32
      %dma_wait3A_103 = tpu.memref_slice %arg11[%dma_wait3A_101, %dma_wait3A_102] : memref<10240x128xf32, #tpu.memory_space<vmem_shared>> -> memref<10240x128xf32, #tpu.memory_space<vmem_shared>>
      tpu.wait_indirect_dma semaphore(%run_scoped3A_91 : memref<!tpu.dma_semaphore, #tpu.memory_space<semaphore_mem>>) src(%arg9 : memref<128x128xf32, #tpu.memory_space<vmem>>) dst(%dma_wait3A_103 : memref<10240x128xf32, #tpu.memory_space<vmem_shared>>)
      tpu.yield
    }) : () -> ()
    %dma_wait3A_76 = arith.constant 0 : i32
    %dma_wait3A_77 = arith.constant 0 : i32
    %dma_wait3A_78 = tpu.memref_slice %arg2[%dma_wait3A_76, %dma_wait3A_77] : memref<10240x128xf32, #tpu.memory_space<hbm>> -> memref<128x128xf32, #tpu.memory_space<hbm>>
    %dma_wait3A_79 = arith.constant 0 : i32
    %dma_wait3A_80 = arith.constant 0 : i32
    %dma_wait3A_81 = tpu.memref_slice %arg2[%dma_wait3A_79, %dma_wait3A_80] : memref<10240x128xf32, #tpu.memory_space<hbm>> -> memref<128x128xf32, #tpu.memory_space<hbm>>
    tpu.wait_dma2 semaphore(%arg13 : memref<!tpu.dma_semaphore, #tpu.memory_space<semaphore_mem>>) src(%dma_wait3A_81 : memref<128x128xf32, #tpu.memory_space<hbm>>) dst(%arg10 : memref<128x128xf32, #tpu.memory_space<vmem>>)
    %run_scoped3A_82 = arith.constant 39 : i32
    "tpu.region"() ({
      %run_scoped3A_91 = tpu.sem_alloc : memref<!tpu.dma_semaphore, #tpu.memory_space<semaphore_mem>>
      %dma_start3A_92 = arith.constant 0 : i32
      %dma_start3A_93 = tpu.memref_slice %arg8[%run_scoped3A_82, %dma_start3A_92] : memref<40x128xi32, #tpu.memory_space<vmem>> -> memref<1x128xi32, #tpu.memory_space<vmem>>
      %dma_start3A_94 = tpu.memref_squeeze %dma_start3A_93 : memref<1x128xi32, #tpu.memory_space<vmem>> -> memref<128xi32, #tpu.memory_space<vmem>>
      %dma_start3A_95 = arith.constant 0 : i32
      %dma_start3A_96 = arith.constant 0 : i32
      %dma_start3A_97 = tpu.memref_slice %arg11[%dma_start3A_95, %dma_start3A_96] : memref<10240x128xf32, #tpu.memory_space<vmem_shared>> -> memref<10240x128xf32, #tpu.memory_space<vmem_shared>>
      tpu.enqueue_indirect_dma source(%arg10 : memref<128x128xf32, #tpu.memory_space<vmem>>) target(%dma_start3A_97 : memref<10240x128xf32, #tpu.memory_space<vmem_shared>>) offsets(%dma_start3A_94 : memref<128xi32, #tpu.memory_space<vmem>>) semaphore(%run_scoped3A_91 : memref<!tpu.dma_semaphore, #tpu.memory_space<semaphore_mem>>) {add = true}
      %dma_wait3A_98 = arith.constant 0 : i32
      %dma_wait3A_99 = tpu.memref_slice %arg8[%run_scoped3A_82, %dma_wait3A_98] : memref<40x128xi32, #tpu.memory_space<vmem>> -> memref<1x128xi32, #tpu.memory_space<vmem>>
      %dma_wait3A_100 = tpu.memref_squeeze %dma_wait3A_99 : memref<1x128xi32, #tpu.memory_space<vmem>> -> memref<128xi32, #tpu.memory_space<vmem>>
      %dma_wait3A_101 = arith.constant 0 : i32
      %dma_wait3A_102 = arith.constant 0 : i32
      %dma_wait3A_103 = tpu.memref_slice %arg11[%dma_wait3A_101, %dma_wait3A_102] : memref<10240x128xf32, #tpu.memory_space<vmem_shared>> -> memref<10240x128xf32, #tpu.memory_space<vmem_shared>>
      tpu.wait_indirect_dma semaphore(%run_scoped3A_91 : memref<!tpu.dma_semaphore, #tpu.memory_space<semaphore_mem>>) src(%arg10 : memref<128x128xf32, #tpu.memory_space<vmem>>) dst(%dma_wait3A_103 : memref<10240x128xf32, #tpu.memory_space<vmem_shared>>)
      tpu.yield
    }) : () -> ()
    %barrier3A_83 = arith.constant 0 : index
    tpu.barrier barrier_id(%barrier3A_83)
    %eq3A = arith.constant 0 : i32
    %eq3A_84 = arith.cmpi eq, %arg0, %eq3A : i32
    %convert_element_type3A = arith.extui %eq3A_84 : i1 to i32
    %cond3A = arith.constant 0 : i32
    %cond3A_85 = arith.cmpi ne, %convert_element_type3A, %cond3A : i32
    scf.if %cond3A_85 {
      "tpu.region"() ({
        %run_scoped3A_91 = tpu.sem_alloc : memref<!tpu.dma_semaphore, #tpu.memory_space<semaphore_mem>>
        %dma_start3A_92 = arith.constant 0 : i32
        %dma_start3A_93 = tpu.memref_slice %arg5[%mul3A_2, %dma_start3A_92] : memref<10240x128xf32, #tpu.memory_space<hbm>> -> memref<640x128xf32, #tpu.memory_space<hbm>>
        %dma_start3A_94 = arith.constant 0 : i32
        %dma_start3A_95 = tpu.memref_slice %arg11[%mul3A_2, %dma_start3A_94] : memref<10240x128xf32, #tpu.memory_space<vmem_shared>> -> memref<640x128xf32, #tpu.memory_space<vmem_shared>>
        tpu.enqueue_dma source(%dma_start3A_95 : memref<640x128xf32, #tpu.memory_space<vmem_shared>>) target(%dma_start3A_93 : memref<640x128xf32, #tpu.memory_space<hbm>>) target_semaphore(%run_scoped3A_91 : memref<!tpu.dma_semaphore, #tpu.memory_space<semaphore_mem>>)
        %dma_wait3A_96 = arith.constant 0 : i32
        %dma_wait3A_97 = tpu.memref_slice %arg5[%mul3A_2, %dma_wait3A_96] : memref<10240x128xf32, #tpu.memory_space<hbm>> -> memref<640x128xf32, #tpu.memory_space<hbm>>
        %dma_wait3A_98 = arith.constant 0 : i32
        %dma_wait3A_99 = tpu.memref_slice %arg11[%mul3A_2, %dma_wait3A_98] : memref<10240x128xf32, #tpu.memory_space<vmem_shared>> -> memref<640x128xf32, #tpu.memory_space<vmem_shared>>
        tpu.wait_dma2 semaphore(%run_scoped3A_91 : memref<!tpu.dma_semaphore, #tpu.memory_space<semaphore_mem>>) src(%dma_wait3A_99 : memref<640x128xf32, #tpu.memory_space<vmem_shared>>) dst(%dma_wait3A_97 : memref<640x128xf32, #tpu.memory_space<hbm>>)
        tpu.yield
      }) : () -> ()
    } else {
    }
    %eq3A_86 = arith.constant 1 : i32
    %eq3A_87 = arith.cmpi eq, %arg0, %eq3A_86 : i32
    %convert_element_type3A_88 = arith.extui %eq3A_87 : i1 to i32
    %cond3A_89 = arith.constant 0 : i32
    %cond3A_90 = arith.cmpi ne, %convert_element_type3A_88, %cond3A_89 : i32
    scf.if %cond3A_90 {
      "tpu.region"() ({
        %run_scoped3A_91 = tpu.sem_alloc : memref<!tpu.dma_semaphore, #tpu.memory_space<semaphore_mem>>
        %dma_start3A_92 = arith.constant 0 : i32
        %dma_start3A_93 = tpu.memref_slice %arg6[%mul3A_2, %dma_start3A_92] : memref<10240x128xf32, #tpu.memory_space<hbm>> -> memref<640x128xf32, #tpu.memory_space<hbm>>
        %dma_start3A_94 = arith.constant 0 : i32
        %dma_start3A_95 = tpu.memref_slice %arg11[%mul3A_2, %dma_start3A_94] : memref<10240x128xf32, #tpu.memory_space<vmem_shared>> -> memref<640x128xf32, #tpu.memory_space<vmem_shared>>
        tpu.enqueue_dma source(%dma_start3A_95 : memref<640x128xf32, #tpu.memory_space<vmem_shared>>) target(%dma_start3A_93 : memref<640x128xf32, #tpu.memory_space<hbm>>) target_semaphore(%run_scoped3A_91 : memref<!tpu.dma_semaphore, #tpu.memory_space<semaphore_mem>>)
        %dma_wait3A_96 = arith.constant 0 : i32
        %dma_wait3A_97 = tpu.memref_slice %arg6[%mul3A_2, %dma_wait3A_96] : memref<10240x128xf32, #tpu.memory_space<hbm>> -> memref<640x128xf32, #tpu.memory_space<hbm>>
        %dma_wait3A_98 = arith.constant 0 : i32
        %dma_wait3A_99 = tpu.memref_slice %arg11[%mul3A_2, %dma_wait3A_98] : memref<10240x128xf32, #tpu.memory_space<vmem_shared>> -> memref<640x128xf32, #tpu.memory_space<vmem_shared>>
        tpu.wait_dma2 semaphore(%run_scoped3A_91 : memref<!tpu.dma_semaphore, #tpu.memory_space<semaphore_mem>>) src(%dma_wait3A_99 : memref<640x128xf32, #tpu.memory_space<vmem_shared>>) dst(%dma_wait3A_97 : memref<640x128xf32, #tpu.memory_space<hbm>>)
        tpu.yield
      }) : () -> ()
    } else {
    }
    return
  }
}

#map = affine_map<(d0, d1) -> (0, 0)>
module attributes {stable_mosaic.version = 14 : i64} {
  func.func @agg(%arg0: i32, %arg1: i32, %arg2: memref<10240x128xf32, #tpu.memory_space<hbm>>, %arg3: memref<2560x128xi32, #tpu.memory_space<hbm>>, %arg4: memref<2560x128xi32, #tpu.memory_space<hbm>>, %arg5: memref<10240x128xf32, #tpu.memory_space<hbm>>, %arg6: memref<10240x128xf32, #tpu.memory_space<hbm>>, %arg7: memref<40x128xi32, #tpu.memory_space<vmem>>, %arg8: memref<40x128xi32, #tpu.memory_space<vmem>>, %arg9: memref<128x128xf32, #tpu.memory_space<vmem>>, %arg10: memref<128x128xf32, #tpu.memory_space<vmem>>, %arg11: memref<10240x128xf32, #tpu.memory_space<vmem_shared>>, %arg12: memref<!tpu.dma_semaphore, #tpu.memory_space<semaphore_mem>>, %arg13: memref<!tpu.dma_semaphore, #tpu.memory_space<semaphore_mem>>) attributes {dimension_semantics = [#tpu.dimension_semantics<core_parallel>, #tpu.dimension_semantics<subcore_parallel>], iteration_bounds = array<i64: 2, 16>, scalar_prefetch = 0 : i64, scratch_operands = 7 : i64, tpu.core_type = #tpu.core_type<sc_vector_subcore>, window_params = [{transform_indices = #map}, {transform_indices = #map}, {transform_indices = #map}, {transform_indices = #map}, {transform_indices = #map}]} {
    %mul3A = arith.constant 16 : i32
    %mul3A_0 = arith.muli %arg0, %mul3A : i32
    %add3A = arith.addi %mul3A_0, %arg1 : i32
    %mul3A_1 = arith.constant 640 : i32
    %mul3A_2 = arith.muli %arg1, %mul3A_1 : i32
    "tpu.region"() ({
      %run_scoped3A_91 = tpu.sem_alloc : memref<!tpu.dma_semaphore, #tpu.memory_space<semaphore_mem>>
      %dma_start3A_92 = arith.constant 0 : i32
      %dma_start3A_93 = tpu.memref_slice %arg11[%mul3A_2, %dma_start3A_92] : memref<10240x128xf32, #tpu.memory_space<vmem_shared>> -> memref<640x128xf32, #tpu.memory_space<vmem_shared>>
      %dma_start3A_94 = arith.constant 0 : i32
      %dma_start3A_95 = tpu.memref_slice %arg2[%mul3A_2, %dma_start3A_94] : memref<10240x128xf32, #tpu.memory_space<hbm>> -> memref<640x128xf32, #tpu.memory_space<hbm>>
      tpu.enqueue_dma source(%dma_start3A_95 : memref<640x128xf32, #tpu.memory_space<hbm>>) target(%dma_start3A_93 : memref<640x128xf32, #tpu.memory_space<vmem_shared>>) target_semaphore(%run_scoped3A_91 : memref<!tpu.dma_semaphore, #tpu.memory_space<semaphore_mem>>)
      %dma_wait3A_96 = arith.constant 0 : i32
      %dma_wait3A_97 = tpu.memref_slice %arg11[%mul3A_2, %dma_wait3A_96] : memref<10240x128xf32, #tpu.memory_space<vmem_shared>> -> memref<640x128xf32, #tpu.memory_space<vmem_shared>>
      %dma_wait3A_98 = arith.constant 0 : i32
      %dma_wait3A_99 = tpu.memref_slice %arg2[%mul3A_2, %dma_wait3A_98] : memref<10240x128xf32, #tpu.memory_space<hbm>> -> memref<640x128xf32, #tpu.memory_space<hbm>>
      tpu.wait_dma2 semaphore(%run_scoped3A_91 : memref<!tpu.dma_semaphore, #tpu.memory_space<semaphore_mem>>) src(%dma_wait3A_99 : memref<640x128xf32, #tpu.memory_space<hbm>>) dst(%dma_wait3A_97 : memref<640x128xf32, #tpu.memory_space<vmem_shared>>)
      tpu.yield
    }) : () -> ()
    %barrier3A = arith.constant 0 : index
    tpu.barrier barrier_id(%barrier3A)
    %mul3A_3 = arith.constant 80 : i32
    %mul3A_4 = arith.muli %add3A, %mul3A_3 : i32
    %add3A_5 = arith.constant 0 : i32
    %add3A_6 = arith.addi %mul3A_4, %add3A_5 : i32
    "tpu.region"() ({
      %run_scoped3A_91 = tpu.sem_alloc : memref<!tpu.dma_semaphore, #tpu.memory_space<semaphore_mem>>
      %dma_start3A_92 = arith.constant 0 : i32
      %dma_start3A_93 = tpu.memref_slice %arg3[%add3A_6, %dma_start3A_92] : memref<2560x128xi32, #tpu.memory_space<hbm>> -> memref<40x128xi32, #tpu.memory_space<hbm>>
      %dma_start3A_94 = arith.constant 0 : i32
      %dma_start3A_95 = tpu.memref_slice %arg3[%add3A_6, %dma_start3A_94] : memref<2560x128xi32, #tpu.memory_space<hbm>> -> memref<40x128xi32, #tpu.memory_space<hbm>>
      tpu.enqueue_dma source(%dma_start3A_95 : memref<40x128xi32, #tpu.memory_space<hbm>>) target(%arg7 : memref<40x128xi32, #tpu.memory_space<vmem>>) target_semaphore(%run_scoped3A_91 : memref<!tpu.dma_semaphore, #tpu.memory_space<semaphore_mem>>)
      %dma_wait3A_96 = arith.constant 0 : i32
      %dma_wait3A_97 = tpu.memref_slice %arg3[%add3A_6, %dma_wait3A_96] : memref<2560x128xi32, #tpu.memory_space<hbm>> -> memref<40x128xi32, #tpu.memory_space<hbm>>
      %dma_wait3A_98 = arith.constant 0 : i32
      %dma_wait3A_99 = tpu.memref_slice %arg3[%add3A_6, %dma_wait3A_98] : memref<2560x128xi32, #tpu.memory_space<hbm>> -> memref<40x128xi32, #tpu.memory_space<hbm>>
      tpu.wait_dma2 semaphore(%run_scoped3A_91 : memref<!tpu.dma_semaphore, #tpu.memory_space<semaphore_mem>>) src(%dma_wait3A_99 : memref<40x128xi32, #tpu.memory_space<hbm>>) dst(%arg7 : memref<40x128xi32, #tpu.memory_space<vmem>>)
      tpu.yield
    }) : () -> ()
    %mul3A_7 = arith.constant 80 : i32
    %mul3A_8 = arith.muli %add3A, %mul3A_7 : i32
    %add3A_9 = arith.constant 0 : i32
    %add3A_10 = arith.addi %mul3A_8, %add3A_9 : i32
    "tpu.region"() ({
      %run_scoped3A_91 = tpu.sem_alloc : memref<!tpu.dma_semaphore, #tpu.memory_space<semaphore_mem>>
      %dma_start3A_92 = arith.constant 0 : i32
      %dma_start3A_93 = tpu.memref_slice %arg4[%add3A_10, %dma_start3A_92] : memref<2560x128xi32, #tpu.memory_space<hbm>> -> memref<40x128xi32, #tpu.memory_space<hbm>>
      %dma_start3A_94 = arith.constant 0 : i32
      %dma_start3A_95 = tpu.memref_slice %arg4[%add3A_10, %dma_start3A_94] : memref<2560x128xi32, #tpu.memory_space<hbm>> -> memref<40x128xi32, #tpu.memory_space<hbm>>
      tpu.enqueue_dma source(%dma_start3A_95 : memref<40x128xi32, #tpu.memory_space<hbm>>) target(%arg8 : memref<40x128xi32, #tpu.memory_space<vmem>>) target_semaphore(%run_scoped3A_91 : memref<!tpu.dma_semaphore, #tpu.memory_space<semaphore_mem>>)
      %dma_wait3A_96 = arith.constant 0 : i32
      %dma_wait3A_97 = tpu.memref_slice %arg4[%add3A_10, %dma_wait3A_96] : memref<2560x128xi32, #tpu.memory_space<hbm>> -> memref<40x128xi32, #tpu.memory_space<hbm>>
      %dma_wait3A_98 = arith.constant 0 : i32
      %dma_wait3A_99 = tpu.memref_slice %arg4[%add3A_10, %dma_wait3A_98] : memref<2560x128xi32, #tpu.memory_space<hbm>> -> memref<40x128xi32, #tpu.memory_space<hbm>>
      tpu.wait_dma2 semaphore(%run_scoped3A_91 : memref<!tpu.dma_semaphore, #tpu.memory_space<semaphore_mem>>) src(%dma_wait3A_99 : memref<40x128xi32, #tpu.memory_space<hbm>>) dst(%arg8 : memref<40x128xi32, #tpu.memory_space<vmem>>)
      tpu.yield
    }) : () -> ()
    %dma_start3A = arith.constant 0 : i32
    %dma_start3A_11 = arith.constant 0 : i32
    %dma_start3A_12 = tpu.memref_slice %arg7[%dma_start3A, %dma_start3A_11] : memref<40x128xi32, #tpu.memory_space<vmem>> -> memref<1x128xi32, #tpu.memory_space<vmem>>
    %dma_start3A_13 = tpu.memref_squeeze %dma_start3A_12 : memref<1x128xi32, #tpu.memory_space<vmem>> -> memref<128xi32, #tpu.memory_space<vmem>>
    %dma_start3A_14 = arith.constant 0 : i32
    %dma_start3A_15 = arith.constant 0 : i32
    %dma_start3A_16 = tpu.memref_slice %arg2[%dma_start3A_14, %dma_start3A_15] : memref<10240x128xf32, #tpu.memory_space<hbm>> -> memref<10240x128xf32, #tpu.memory_space<hbm>>
    tpu.enqueue_indirect_dma source(%dma_start3A_16 : memref<10240x128xf32, #tpu.memory_space<hbm>>) target(%arg9 : memref<128x128xf32, #tpu.memory_space<vmem>>) offsets(%dma_start3A_13 : memref<128xi32, #tpu.memory_space<vmem>>) semaphore(%arg12 : memref<!tpu.dma_semaphore, #tpu.memory_space<semaphore_mem>>)
    %scan3A = arith.constant 0 : i32
    %scan3A_17 = arith.constant 0 : i32
    %scan3A_18 = arith.constant 19 : i32
    %scan3A_19 = arith.addi %scan3A_17, %scan3A_18 : i32
    %scan3A_20 = arith.constant 1 : i32
    scf.for %scan3A_91 = %scan3A_17 to %scan3A_19 step %scan3A_20  : i32 {
      %mul3A_92 = arith.constant 2 : i32
      %mul3A_93 = arith.muli %mul3A_92, %scan3A_91 : i32
      %add3A_94 = arith.constant 1 : i32
      %add3A_95 = arith.addi %mul3A_93, %add3A_94 : i32
      %dma_start3A_96 = arith.constant 0 : i32
      %dma_start3A_97 = tpu.memref_slice %arg7[%add3A_95, %dma_start3A_96] : memref<40x128xi32, #tpu.memory_space<vmem>> -> memref<1x128xi32, #tpu.memory_space<vmem>>
      %dma_start3A_98 = tpu.memref_squeeze %dma_start3A_97 : memref<1x128xi32, #tpu.memory_space<vmem>> -> memref<128xi32, #tpu.memory_space<vmem>>
      %dma_start3A_99 = arith.constant 0 : i32
      %dma_start3A_100 = arith.constant 0 : i32
      %dma_start3A_101 = tpu.memref_slice %arg2[%dma_start3A_99, %dma_start3A_100] : memref<10240x128xf32, #tpu.memory_space<hbm>> -> memref<10240x128xf32, #tpu.memory_space<hbm>>
      tpu.enqueue_indirect_dma source(%dma_start3A_101 : memref<10240x128xf32, #tpu.memory_space<hbm>>) target(%arg10 : memref<128x128xf32, #tpu.memory_space<vmem>>) offsets(%dma_start3A_98 : memref<128xi32, #tpu.memory_space<vmem>>) semaphore(%arg13 : memref<!tpu.dma_semaphore, #tpu.memory_space<semaphore_mem>>)
      %dma_wait3A_102 = arith.constant 0 : i32
      %dma_wait3A_103 = arith.constant 0 : i32
      %dma_wait3A_104 = tpu.memref_slice %arg2[%dma_wait3A_102, %dma_wait3A_103] : memref<10240x128xf32, #tpu.memory_space<hbm>> -> memref<128x128xf32, #tpu.memory_space<hbm>>
      %dma_wait3A_105 = arith.constant 0 : i32
      %dma_wait3A_106 = arith.constant 0 : i32
      %dma_wait3A_107 = tpu.memref_slice %arg2[%dma_wait3A_105, %dma_wait3A_106] : memref<10240x128xf32, #tpu.memory_space<hbm>> -> memref<128x128xf32, #tpu.memory_space<hbm>>
      tpu.wait_dma2 semaphore(%arg12 : memref<!tpu.dma_semaphore, #tpu.memory_space<semaphore_mem>>) src(%dma_wait3A_107 : memref<128x128xf32, #tpu.memory_space<hbm>>) dst(%arg9 : memref<128x128xf32, #tpu.memory_space<vmem>>)
      "tpu.region"() ({
        %run_scoped3A_124 = tpu.sem_alloc : memref<!tpu.dma_semaphore, #tpu.memory_space<semaphore_mem>>
        %dma_start3A_125 = arith.constant 0 : i32
        %dma_start3A_126 = tpu.memref_slice %arg8[%mul3A_93, %dma_start3A_125] : memref<40x128xi32, #tpu.memory_space<vmem>> -> memref<1x128xi32, #tpu.memory_space<vmem>>
        %dma_start3A_127 = tpu.memref_squeeze %dma_start3A_126 : memref<1x128xi32, #tpu.memory_space<vmem>> -> memref<128xi32, #tpu.memory_space<vmem>>
        %dma_start3A_128 = arith.constant 0 : i32
        %dma_start3A_129 = arith.constant 0 : i32
        %dma_start3A_130 = tpu.memref_slice %arg11[%dma_start3A_128, %dma_start3A_129] : memref<10240x128xf32, #tpu.memory_space<vmem_shared>> -> memref<10240x128xf32, #tpu.memory_space<vmem_shared>>
        tpu.enqueue_indirect_dma source(%arg9 : memref<128x128xf32, #tpu.memory_space<vmem>>) target(%dma_start3A_130 : memref<10240x128xf32, #tpu.memory_space<vmem_shared>>) offsets(%dma_start3A_127 : memref<128xi32, #tpu.memory_space<vmem>>) semaphore(%run_scoped3A_124 : memref<!tpu.dma_semaphore, #tpu.memory_space<semaphore_mem>>) {add = true}
        %dma_wait3A_131 = arith.constant 0 : i32
        %dma_wait3A_132 = tpu.memref_slice %arg8[%mul3A_93, %dma_wait3A_131] : memref<40x128xi32, #tpu.memory_space<vmem>> -> memref<1x128xi32, #tpu.memory_space<vmem>>
        %dma_wait3A_133 = tpu.memref_squeeze %dma_wait3A_132 : memref<1x128xi32, #tpu.memory_space<vmem>> -> memref<128xi32, #tpu.memory_space<vmem>>
        %dma_wait3A_134 = arith.constant 0 : i32
        %dma_wait3A_135 = arith.constant 0 : i32
        %dma_wait3A_136 = tpu.memref_slice %arg11[%dma_wait3A_134, %dma_wait3A_135] : memref<10240x128xf32, #tpu.memory_space<vmem_shared>> -> memref<10240x128xf32, #tpu.memory_space<vmem_shared>>
        tpu.wait_indirect_dma semaphore(%run_scoped3A_124 : memref<!tpu.dma_semaphore, #tpu.memory_space<semaphore_mem>>) src(%arg9 : memref<128x128xf32, #tpu.memory_space<vmem>>) dst(%dma_wait3A_136 : memref<10240x128xf32, #tpu.memory_space<vmem_shared>>)
        tpu.yield
      }) : () -> ()
      %add3A_108 = arith.constant 2 : i32
      %add3A_109 = arith.addi %mul3A_93, %add3A_108 : i32
      %dma_start3A_110 = arith.constant 0 : i32
      %dma_start3A_111 = tpu.memref_slice %arg7[%add3A_109, %dma_start3A_110] : memref<40x128xi32, #tpu.memory_space<vmem>> -> memref<1x128xi32, #tpu.memory_space<vmem>>
      %dma_start3A_112 = tpu.memref_squeeze %dma_start3A_111 : memref<1x128xi32, #tpu.memory_space<vmem>> -> memref<128xi32, #tpu.memory_space<vmem>>
      %dma_start3A_113 = arith.constant 0 : i32
      %dma_start3A_114 = arith.constant 0 : i32
      %dma_start3A_115 = tpu.memref_slice %arg2[%dma_start3A_113, %dma_start3A_114] : memref<10240x128xf32, #tpu.memory_space<hbm>> -> memref<10240x128xf32, #tpu.memory_space<hbm>>
      tpu.enqueue_indirect_dma source(%dma_start3A_115 : memref<10240x128xf32, #tpu.memory_space<hbm>>) target(%arg9 : memref<128x128xf32, #tpu.memory_space<vmem>>) offsets(%dma_start3A_112 : memref<128xi32, #tpu.memory_space<vmem>>) semaphore(%arg12 : memref<!tpu.dma_semaphore, #tpu.memory_space<semaphore_mem>>)
      %dma_wait3A_116 = arith.constant 0 : i32
      %dma_wait3A_117 = arith.constant 0 : i32
      %dma_wait3A_118 = tpu.memref_slice %arg2[%dma_wait3A_116, %dma_wait3A_117] : memref<10240x128xf32, #tpu.memory_space<hbm>> -> memref<128x128xf32, #tpu.memory_space<hbm>>
      %dma_wait3A_119 = arith.constant 0 : i32
      %dma_wait3A_120 = arith.constant 0 : i32
      %dma_wait3A_121 = tpu.memref_slice %arg2[%dma_wait3A_119, %dma_wait3A_120] : memref<10240x128xf32, #tpu.memory_space<hbm>> -> memref<128x128xf32, #tpu.memory_space<hbm>>
      tpu.wait_dma2 semaphore(%arg13 : memref<!tpu.dma_semaphore, #tpu.memory_space<semaphore_mem>>) src(%dma_wait3A_121 : memref<128x128xf32, #tpu.memory_space<hbm>>) dst(%arg10 : memref<128x128xf32, #tpu.memory_space<vmem>>)
      %add3A_122 = arith.constant 1 : i32
      %add3A_123 = arith.addi %mul3A_93, %add3A_122 : i32
      "tpu.region"() ({
        %run_scoped3A_124 = tpu.sem_alloc : memref<!tpu.dma_semaphore, #tpu.memory_space<semaphore_mem>>
        %dma_start3A_125 = arith.constant 0 : i32
        %dma_start3A_126 = tpu.memref_slice %arg8[%add3A_123, %dma_start3A_125] : memref<40x128xi32, #tpu.memory_space<vmem>> -> memref<1x128xi32, #tpu.memory_space<vmem>>
        %dma_start3A_127 = tpu.memref_squeeze %dma_start3A_126 : memref<1x128xi32, #tpu.memory_space<vmem>> -> memref<128xi32, #tpu.memory_space<vmem>>
        %dma_start3A_128 = arith.constant 0 : i32
        %dma_start3A_129 = arith.constant 0 : i32
        %dma_start3A_130 = tpu.memref_slice %arg11[%dma_start3A_128, %dma_start3A_129] : memref<10240x128xf32, #tpu.memory_space<vmem_shared>> -> memref<10240x128xf32, #tpu.memory_space<vmem_shared>>
        tpu.enqueue_indirect_dma source(%arg10 : memref<128x128xf32, #tpu.memory_space<vmem>>) target(%dma_start3A_130 : memref<10240x128xf32, #tpu.memory_space<vmem_shared>>) offsets(%dma_start3A_127 : memref<128xi32, #tpu.memory_space<vmem>>) semaphore(%run_scoped3A_124 : memref<!tpu.dma_semaphore, #tpu.memory_space<semaphore_mem>>) {add = true}
        %dma_wait3A_131 = arith.constant 0 : i32
        %dma_wait3A_132 = tpu.memref_slice %arg8[%add3A_123, %dma_wait3A_131] : memref<40x128xi32, #tpu.memory_space<vmem>> -> memref<1x128xi32, #tpu.memory_space<vmem>>
        %dma_wait3A_133 = tpu.memref_squeeze %dma_wait3A_132 : memref<1x128xi32, #tpu.memory_space<vmem>> -> memref<128xi32, #tpu.memory_space<vmem>>
        %dma_wait3A_134 = arith.constant 0 : i32
        %dma_wait3A_135 = arith.constant 0 : i32
        %dma_wait3A_136 = tpu.memref_slice %arg11[%dma_wait3A_134, %dma_wait3A_135] : memref<10240x128xf32, #tpu.memory_space<vmem_shared>> -> memref<10240x128xf32, #tpu.memory_space<vmem_shared>>
        tpu.wait_indirect_dma semaphore(%run_scoped3A_124 : memref<!tpu.dma_semaphore, #tpu.memory_space<semaphore_mem>>) src(%arg10 : memref<128x128xf32, #tpu.memory_space<vmem>>) dst(%dma_wait3A_136 : memref<10240x128xf32, #tpu.memory_space<vmem_shared>>)
        tpu.yield
      }) : () -> ()
    }
    %scan3A_21 = arith.constant 19 : i32
    %dma_start3A_22 = arith.constant 39 : i32
    %dma_start3A_23 = arith.constant 0 : i32
    %dma_start3A_24 = tpu.memref_slice %arg7[%dma_start3A_22, %dma_start3A_23] : memref<40x128xi32, #tpu.memory_space<vmem>> -> memref<1x128xi32, #tpu.memory_space<vmem>>
    %dma_start3A_25 = tpu.memref_squeeze %dma_start3A_24 : memref<1x128xi32, #tpu.memory_space<vmem>> -> memref<128xi32, #tpu.memory_space<vmem>>
    %dma_start3A_26 = arith.constant 0 : i32
    %dma_start3A_27 = arith.constant 0 : i32
    %dma_start3A_28 = tpu.memref_slice %arg2[%dma_start3A_26, %dma_start3A_27] : memref<10240x128xf32, #tpu.memory_space<hbm>> -> memref<10240x128xf32, #tpu.memory_space<hbm>>
    tpu.enqueue_indirect_dma source(%dma_start3A_28 : memref<10240x128xf32, #tpu.memory_space<hbm>>) target(%arg10 : memref<128x128xf32, #tpu.memory_space<vmem>>) offsets(%dma_start3A_25 : memref<128xi32, #tpu.memory_space<vmem>>) semaphore(%arg13 : memref<!tpu.dma_semaphore, #tpu.memory_space<semaphore_mem>>)
    %dma_wait3A = arith.constant 0 : i32
    %dma_wait3A_29 = arith.constant 0 : i32
    %dma_wait3A_30 = tpu.memref_slice %arg2[%dma_wait3A, %dma_wait3A_29] : memref<10240x128xf32, #tpu.memory_space<hbm>> -> memref<128x128xf32, #tpu.memory_space<hbm>>
    %dma_wait3A_31 = arith.constant 0 : i32
    %dma_wait3A_32 = arith.constant 0 : i32
    %dma_wait3A_33 = tpu.memref_slice %arg2[%dma_wait3A_31, %dma_wait3A_32] : memref<10240x128xf32, #tpu.memory_space<hbm>> -> memref<128x128xf32, #tpu.memory_space<hbm>>
    tpu.wait_dma2 semaphore(%arg12 : memref<!tpu.dma_semaphore, #tpu.memory_space<semaphore_mem>>) src(%dma_wait3A_33 : memref<128x128xf32, #tpu.memory_space<hbm>>) dst(%arg9 : memref<128x128xf32, #tpu.memory_space<vmem>>)
    %run_scoped3A = arith.constant 38 : i32
    "tpu.region"() ({
      %run_scoped3A_91 = tpu.sem_alloc : memref<!tpu.dma_semaphore, #tpu.memory_space<semaphore_mem>>
      %dma_start3A_92 = arith.constant 0 : i32
      %dma_start3A_93 = tpu.memref_slice %arg8[%run_scoped3A, %dma_start3A_92] : memref<40x128xi32, #tpu.memory_space<vmem>> -> memref<1x128xi32, #tpu.memory_space<vmem>>
      %dma_start3A_94 = tpu.memref_squeeze %dma_start3A_93 : memref<1x128xi32, #tpu.memory_space<vmem>> -> memref<128xi32, #tpu.memory_space<vmem>>
      %dma_start3A_95 = arith.constant 0 : i32
      %dma_start3A_96 = arith.constant 0 : i32
      %dma_start3A_97 = tpu.memref_slice %arg11[%dma_start3A_95, %dma_start3A_96] : memref<10240x128xf32, #tpu.memory_space<vmem_shared>> -> memref<10240x128xf32, #tpu.memory_space<vmem_shared>>
      tpu.enqueue_indirect_dma source(%arg9 : memref<128x128xf32, #tpu.memory_space<vmem>>) target(%dma_start3A_97 : memref<10240x128xf32, #tpu.memory_space<vmem_shared>>) offsets(%dma_start3A_94 : memref<128xi32, #tpu.memory_space<vmem>>) semaphore(%run_scoped3A_91 : memref<!tpu.dma_semaphore, #tpu.memory_space<semaphore_mem>>) {add = true}
      %dma_wait3A_98 = arith.constant 0 : i32
      %dma_wait3A_99 = tpu.memref_slice %arg8[%run_scoped3A, %dma_wait3A_98] : memref<40x128xi32, #tpu.memory_space<vmem>> -> memref<1x128xi32, #tpu.memory_space<vmem>>
      %dma_wait3A_100 = tpu.memref_squeeze %dma_wait3A_99 : memref<1x128xi32, #tpu.memory_space<vmem>> -> memref<128xi32, #tpu.memory_space<vmem>>
      %dma_wait3A_101 = arith.constant 0 : i32
      %dma_wait3A_102 = arith.constant 0 : i32
      %dma_wait3A_103 = tpu.memref_slice %arg11[%dma_wait3A_101, %dma_wait3A_102] : memref<10240x128xf32, #tpu.memory_space<vmem_shared>> -> memref<10240x128xf32, #tpu.memory_space<vmem_shared>>
      tpu.wait_indirect_dma semaphore(%run_scoped3A_91 : memref<!tpu.dma_semaphore, #tpu.memory_space<semaphore_mem>>) src(%arg9 : memref<128x128xf32, #tpu.memory_space<vmem>>) dst(%dma_wait3A_103 : memref<10240x128xf32, #tpu.memory_space<vmem_shared>>)
      tpu.yield
    }) : () -> ()
    %dma_wait3A_34 = arith.constant 0 : i32
    %dma_wait3A_35 = arith.constant 0 : i32
    %dma_wait3A_36 = tpu.memref_slice %arg2[%dma_wait3A_34, %dma_wait3A_35] : memref<10240x128xf32, #tpu.memory_space<hbm>> -> memref<128x128xf32, #tpu.memory_space<hbm>>
    %dma_wait3A_37 = arith.constant 0 : i32
    %dma_wait3A_38 = arith.constant 0 : i32
    %dma_wait3A_39 = tpu.memref_slice %arg2[%dma_wait3A_37, %dma_wait3A_38] : memref<10240x128xf32, #tpu.memory_space<hbm>> -> memref<128x128xf32, #tpu.memory_space<hbm>>
    tpu.wait_dma2 semaphore(%arg13 : memref<!tpu.dma_semaphore, #tpu.memory_space<semaphore_mem>>) src(%dma_wait3A_39 : memref<128x128xf32, #tpu.memory_space<hbm>>) dst(%arg10 : memref<128x128xf32, #tpu.memory_space<vmem>>)
    %run_scoped3A_40 = arith.constant 39 : i32
    "tpu.region"() ({
      %run_scoped3A_91 = tpu.sem_alloc : memref<!tpu.dma_semaphore, #tpu.memory_space<semaphore_mem>>
      %dma_start3A_92 = arith.constant 0 : i32
      %dma_start3A_93 = tpu.memref_slice %arg8[%run_scoped3A_40, %dma_start3A_92] : memref<40x128xi32, #tpu.memory_space<vmem>> -> memref<1x128xi32, #tpu.memory_space<vmem>>
      %dma_start3A_94 = tpu.memref_squeeze %dma_start3A_93 : memref<1x128xi32, #tpu.memory_space<vmem>> -> memref<128xi32, #tpu.memory_space<vmem>>
      %dma_start3A_95 = arith.constant 0 : i32
      %dma_start3A_96 = arith.constant 0 : i32
      %dma_start3A_97 = tpu.memref_slice %arg11[%dma_start3A_95, %dma_start3A_96] : memref<10240x128xf32, #tpu.memory_space<vmem_shared>> -> memref<10240x128xf32, #tpu.memory_space<vmem_shared>>
      tpu.enqueue_indirect_dma source(%arg10 : memref<128x128xf32, #tpu.memory_space<vmem>>) target(%dma_start3A_97 : memref<10240x128xf32, #tpu.memory_space<vmem_shared>>) offsets(%dma_start3A_94 : memref<128xi32, #tpu.memory_space<vmem>>) semaphore(%run_scoped3A_91 : memref<!tpu.dma_semaphore, #tpu.memory_space<semaphore_mem>>) {add = true}
      %dma_wait3A_98 = arith.constant 0 : i32
      %dma_wait3A_99 = tpu.memref_slice %arg8[%run_scoped3A_40, %dma_wait3A_98] : memref<40x128xi32, #tpu.memory_space<vmem>> -> memref<1x128xi32, #tpu.memory_space<vmem>>
      %dma_wait3A_100 = tpu.memref_squeeze %dma_wait3A_99 : memref<1x128xi32, #tpu.memory_space<vmem>> -> memref<128xi32, #tpu.memory_space<vmem>>
      %dma_wait3A_101 = arith.constant 0 : i32
      %dma_wait3A_102 = arith.constant 0 : i32
      %dma_wait3A_103 = tpu.memref_slice %arg11[%dma_wait3A_101, %dma_wait3A_102] : memref<10240x128xf32, #tpu.memory_space<vmem_shared>> -> memref<10240x128xf32, #tpu.memory_space<vmem_shared>>
      tpu.wait_indirect_dma semaphore(%run_scoped3A_91 : memref<!tpu.dma_semaphore, #tpu.memory_space<semaphore_mem>>) src(%arg10 : memref<128x128xf32, #tpu.memory_space<vmem>>) dst(%dma_wait3A_103 : memref<10240x128xf32, #tpu.memory_space<vmem_shared>>)
      tpu.yield
    }) : () -> ()
    %mul3A_41 = arith.constant 80 : i32
    %mul3A_42 = arith.muli %add3A, %mul3A_41 : i32
    %add3A_43 = arith.constant 40 : i32
    %add3A_44 = arith.addi %mul3A_42, %add3A_43 : i32
    "tpu.region"() ({
      %run_scoped3A_91 = tpu.sem_alloc : memref<!tpu.dma_semaphore, #tpu.memory_space<semaphore_mem>>
      %dma_start3A_92 = arith.constant 0 : i32
      %dma_start3A_93 = tpu.memref_slice %arg3[%add3A_44, %dma_start3A_92] : memref<2560x128xi32, #tpu.memory_space<hbm>> -> memref<40x128xi32, #tpu.memory_space<hbm>>
      %dma_start3A_94 = arith.constant 0 : i32
      %dma_start3A_95 = tpu.memref_slice %arg3[%add3A_44, %dma_start3A_94] : memref<2560x128xi32, #tpu.memory_space<hbm>> -> memref<40x128xi32, #tpu.memory_space<hbm>>
      tpu.enqueue_dma source(%dma_start3A_95 : memref<40x128xi32, #tpu.memory_space<hbm>>) target(%arg7 : memref<40x128xi32, #tpu.memory_space<vmem>>) target_semaphore(%run_scoped3A_91 : memref<!tpu.dma_semaphore, #tpu.memory_space<semaphore_mem>>)
      %dma_wait3A_96 = arith.constant 0 : i32
      %dma_wait3A_97 = tpu.memref_slice %arg3[%add3A_44, %dma_wait3A_96] : memref<2560x128xi32, #tpu.memory_space<hbm>> -> memref<40x128xi32, #tpu.memory_space<hbm>>
      %dma_wait3A_98 = arith.constant 0 : i32
      %dma_wait3A_99 = tpu.memref_slice %arg3[%add3A_44, %dma_wait3A_98] : memref<2560x128xi32, #tpu.memory_space<hbm>> -> memref<40x128xi32, #tpu.memory_space<hbm>>
      tpu.wait_dma2 semaphore(%run_scoped3A_91 : memref<!tpu.dma_semaphore, #tpu.memory_space<semaphore_mem>>) src(%dma_wait3A_99 : memref<40x128xi32, #tpu.memory_space<hbm>>) dst(%arg7 : memref<40x128xi32, #tpu.memory_space<vmem>>)
      tpu.yield
    }) : () -> ()
    %mul3A_45 = arith.constant 80 : i32
    %mul3A_46 = arith.muli %add3A, %mul3A_45 : i32
    %add3A_47 = arith.constant 40 : i32
    %add3A_48 = arith.addi %mul3A_46, %add3A_47 : i32
    "tpu.region"() ({
      %run_scoped3A_91 = tpu.sem_alloc : memref<!tpu.dma_semaphore, #tpu.memory_space<semaphore_mem>>
      %dma_start3A_92 = arith.constant 0 : i32
      %dma_start3A_93 = tpu.memref_slice %arg4[%add3A_48, %dma_start3A_92] : memref<2560x128xi32, #tpu.memory_space<hbm>> -> memref<40x128xi32, #tpu.memory_space<hbm>>
      %dma_start3A_94 = arith.constant 0 : i32
      %dma_start3A_95 = tpu.memref_slice %arg4[%add3A_48, %dma_start3A_94] : memref<2560x128xi32, #tpu.memory_space<hbm>> -> memref<40x128xi32, #tpu.memory_space<hbm>>
      tpu.enqueue_dma source(%dma_start3A_95 : memref<40x128xi32, #tpu.memory_space<hbm>>) target(%arg8 : memref<40x128xi32, #tpu.memory_space<vmem>>) target_semaphore(%run_scoped3A_91 : memref<!tpu.dma_semaphore, #tpu.memory_space<semaphore_mem>>)
      %dma_wait3A_96 = arith.constant 0 : i32
      %dma_wait3A_97 = tpu.memref_slice %arg4[%add3A_48, %dma_wait3A_96] : memref<2560x128xi32, #tpu.memory_space<hbm>> -> memref<40x128xi32, #tpu.memory_space<hbm>>
      %dma_wait3A_98 = arith.constant 0 : i32
      %dma_wait3A_99 = tpu.memref_slice %arg4[%add3A_48, %dma_wait3A_98] : memref<2560x128xi32, #tpu.memory_space<hbm>> -> memref<40x128xi32, #tpu.memory_space<hbm>>
      tpu.wait_dma2 semaphore(%run_scoped3A_91 : memref<!tpu.dma_semaphore, #tpu.memory_space<semaphore_mem>>) src(%dma_wait3A_99 : memref<40x128xi32, #tpu.memory_space<hbm>>) dst(%arg8 : memref<40x128xi32, #tpu.memory_space<vmem>>)
      tpu.yield
    }) : () -> ()
    %dma_start3A_49 = arith.constant 0 : i32
    %dma_start3A_50 = arith.constant 0 : i32
    %dma_start3A_51 = tpu.memref_slice %arg7[%dma_start3A_49, %dma_start3A_50] : memref<40x128xi32, #tpu.memory_space<vmem>> -> memref<1x128xi32, #tpu.memory_space<vmem>>
    %dma_start3A_52 = tpu.memref_squeeze %dma_start3A_51 : memref<1x128xi32, #tpu.memory_space<vmem>> -> memref<128xi32, #tpu.memory_space<vmem>>
    %dma_start3A_53 = arith.constant 0 : i32
    %dma_start3A_54 = arith.constant 0 : i32
    %dma_start3A_55 = tpu.memref_slice %arg2[%dma_start3A_53, %dma_start3A_54] : memref<10240x128xf32, #tpu.memory_space<hbm>> -> memref<10240x128xf32, #tpu.memory_space<hbm>>
    tpu.enqueue_indirect_dma source(%dma_start3A_55 : memref<10240x128xf32, #tpu.memory_space<hbm>>) target(%arg9 : memref<128x128xf32, #tpu.memory_space<vmem>>) offsets(%dma_start3A_52 : memref<128xi32, #tpu.memory_space<vmem>>) semaphore(%arg12 : memref<!tpu.dma_semaphore, #tpu.memory_space<semaphore_mem>>)
    %scan3A_56 = arith.constant 0 : i32
    %scan3A_57 = arith.constant 0 : i32
    %scan3A_58 = arith.constant 19 : i32
    %scan3A_59 = arith.addi %scan3A_57, %scan3A_58 : i32
    %scan3A_60 = arith.constant 1 : i32
    scf.for %scan3A_91 = %scan3A_57 to %scan3A_59 step %scan3A_60  : i32 {
      %mul3A_92 = arith.constant 2 : i32
      %mul3A_93 = arith.muli %mul3A_92, %scan3A_91 : i32
      %add3A_94 = arith.constant 1 : i32
      %add3A_95 = arith.addi %mul3A_93, %add3A_94 : i32
      %dma_start3A_96 = arith.constant 0 : i32
      %dma_start3A_97 = tpu.memref_slice %arg7[%add3A_95, %dma_start3A_96] : memref<40x128xi32, #tpu.memory_space<vmem>> -> memref<1x128xi32, #tpu.memory_space<vmem>>
      %dma_start3A_98 = tpu.memref_squeeze %dma_start3A_97 : memref<1x128xi32, #tpu.memory_space<vmem>> -> memref<128xi32, #tpu.memory_space<vmem>>
      %dma_start3A_99 = arith.constant 0 : i32
      %dma_start3A_100 = arith.constant 0 : i32
      %dma_start3A_101 = tpu.memref_slice %arg2[%dma_start3A_99, %dma_start3A_100] : memref<10240x128xf32, #tpu.memory_space<hbm>> -> memref<10240x128xf32, #tpu.memory_space<hbm>>
      tpu.enqueue_indirect_dma source(%dma_start3A_101 : memref<10240x128xf32, #tpu.memory_space<hbm>>) target(%arg10 : memref<128x128xf32, #tpu.memory_space<vmem>>) offsets(%dma_start3A_98 : memref<128xi32, #tpu.memory_space<vmem>>) semaphore(%arg13 : memref<!tpu.dma_semaphore, #tpu.memory_space<semaphore_mem>>)
      %dma_wait3A_102 = arith.constant 0 : i32
      %dma_wait3A_103 = arith.constant 0 : i32
      %dma_wait3A_104 = tpu.memref_slice %arg2[%dma_wait3A_102, %dma_wait3A_103] : memref<10240x128xf32, #tpu.memory_space<hbm>> -> memref<128x128xf32, #tpu.memory_space<hbm>>
      %dma_wait3A_105 = arith.constant 0 : i32
      %dma_wait3A_106 = arith.constant 0 : i32
      %dma_wait3A_107 = tpu.memref_slice %arg2[%dma_wait3A_105, %dma_wait3A_106] : memref<10240x128xf32, #tpu.memory_space<hbm>> -> memref<128x128xf32, #tpu.memory_space<hbm>>
      tpu.wait_dma2 semaphore(%arg12 : memref<!tpu.dma_semaphore, #tpu.memory_space<semaphore_mem>>) src(%dma_wait3A_107 : memref<128x128xf32, #tpu.memory_space<hbm>>) dst(%arg9 : memref<128x128xf32, #tpu.memory_space<vmem>>)
      "tpu.region"() ({
        %run_scoped3A_124 = tpu.sem_alloc : memref<!tpu.dma_semaphore, #tpu.memory_space<semaphore_mem>>
        %dma_start3A_125 = arith.constant 0 : i32
        %dma_start3A_126 = tpu.memref_slice %arg8[%mul3A_93, %dma_start3A_125] : memref<40x128xi32, #tpu.memory_space<vmem>> -> memref<1x128xi32, #tpu.memory_space<vmem>>
        %dma_start3A_127 = tpu.memref_squeeze %dma_start3A_126 : memref<1x128xi32, #tpu.memory_space<vmem>> -> memref<128xi32, #tpu.memory_space<vmem>>
        %dma_start3A_128 = arith.constant 0 : i32
        %dma_start3A_129 = arith.constant 0 : i32
        %dma_start3A_130 = tpu.memref_slice %arg11[%dma_start3A_128, %dma_start3A_129] : memref<10240x128xf32, #tpu.memory_space<vmem_shared>> -> memref<10240x128xf32, #tpu.memory_space<vmem_shared>>
        tpu.enqueue_indirect_dma source(%arg9 : memref<128x128xf32, #tpu.memory_space<vmem>>) target(%dma_start3A_130 : memref<10240x128xf32, #tpu.memory_space<vmem_shared>>) offsets(%dma_start3A_127 : memref<128xi32, #tpu.memory_space<vmem>>) semaphore(%run_scoped3A_124 : memref<!tpu.dma_semaphore, #tpu.memory_space<semaphore_mem>>) {add = true}
        %dma_wait3A_131 = arith.constant 0 : i32
        %dma_wait3A_132 = tpu.memref_slice %arg8[%mul3A_93, %dma_wait3A_131] : memref<40x128xi32, #tpu.memory_space<vmem>> -> memref<1x128xi32, #tpu.memory_space<vmem>>
        %dma_wait3A_133 = tpu.memref_squeeze %dma_wait3A_132 : memref<1x128xi32, #tpu.memory_space<vmem>> -> memref<128xi32, #tpu.memory_space<vmem>>
        %dma_wait3A_134 = arith.constant 0 : i32
        %dma_wait3A_135 = arith.constant 0 : i32
        %dma_wait3A_136 = tpu.memref_slice %arg11[%dma_wait3A_134, %dma_wait3A_135] : memref<10240x128xf32, #tpu.memory_space<vmem_shared>> -> memref<10240x128xf32, #tpu.memory_space<vmem_shared>>
        tpu.wait_indirect_dma semaphore(%run_scoped3A_124 : memref<!tpu.dma_semaphore, #tpu.memory_space<semaphore_mem>>) src(%arg9 : memref<128x128xf32, #tpu.memory_space<vmem>>) dst(%dma_wait3A_136 : memref<10240x128xf32, #tpu.memory_space<vmem_shared>>)
        tpu.yield
      }) : () -> ()
      %add3A_108 = arith.constant 2 : i32
      %add3A_109 = arith.addi %mul3A_93, %add3A_108 : i32
      %dma_start3A_110 = arith.constant 0 : i32
      %dma_start3A_111 = tpu.memref_slice %arg7[%add3A_109, %dma_start3A_110] : memref<40x128xi32, #tpu.memory_space<vmem>> -> memref<1x128xi32, #tpu.memory_space<vmem>>
      %dma_start3A_112 = tpu.memref_squeeze %dma_start3A_111 : memref<1x128xi32, #tpu.memory_space<vmem>> -> memref<128xi32, #tpu.memory_space<vmem>>
      %dma_start3A_113 = arith.constant 0 : i32
      %dma_start3A_114 = arith.constant 0 : i32
      %dma_start3A_115 = tpu.memref_slice %arg2[%dma_start3A_113, %dma_start3A_114] : memref<10240x128xf32, #tpu.memory_space<hbm>> -> memref<10240x128xf32, #tpu.memory_space<hbm>>
      tpu.enqueue_indirect_dma source(%dma_start3A_115 : memref<10240x128xf32, #tpu.memory_space<hbm>>) target(%arg9 : memref<128x128xf32, #tpu.memory_space<vmem>>) offsets(%dma_start3A_112 : memref<128xi32, #tpu.memory_space<vmem>>) semaphore(%arg12 : memref<!tpu.dma_semaphore, #tpu.memory_space<semaphore_mem>>)
      %dma_wait3A_116 = arith.constant 0 : i32
      %dma_wait3A_117 = arith.constant 0 : i32
      %dma_wait3A_118 = tpu.memref_slice %arg2[%dma_wait3A_116, %dma_wait3A_117] : memref<10240x128xf32, #tpu.memory_space<hbm>> -> memref<128x128xf32, #tpu.memory_space<hbm>>
      %dma_wait3A_119 = arith.constant 0 : i32
      %dma_wait3A_120 = arith.constant 0 : i32
      %dma_wait3A_121 = tpu.memref_slice %arg2[%dma_wait3A_119, %dma_wait3A_120] : memref<10240x128xf32, #tpu.memory_space<hbm>> -> memref<128x128xf32, #tpu.memory_space<hbm>>
      tpu.wait_dma2 semaphore(%arg13 : memref<!tpu.dma_semaphore, #tpu.memory_space<semaphore_mem>>) src(%dma_wait3A_121 : memref<128x128xf32, #tpu.memory_space<hbm>>) dst(%arg10 : memref<128x128xf32, #tpu.memory_space<vmem>>)
      %add3A_122 = arith.constant 1 : i32
      %add3A_123 = arith.addi %mul3A_93, %add3A_122 : i32
      "tpu.region"() ({
        %run_scoped3A_124 = tpu.sem_alloc : memref<!tpu.dma_semaphore, #tpu.memory_space<semaphore_mem>>
        %dma_start3A_125 = arith.constant 0 : i32
        %dma_start3A_126 = tpu.memref_slice %arg8[%add3A_123, %dma_start3A_125] : memref<40x128xi32, #tpu.memory_space<vmem>> -> memref<1x128xi32, #tpu.memory_space<vmem>>
        %dma_start3A_127 = tpu.memref_squeeze %dma_start3A_126 : memref<1x128xi32, #tpu.memory_space<vmem>> -> memref<128xi32, #tpu.memory_space<vmem>>
        %dma_start3A_128 = arith.constant 0 : i32
        %dma_start3A_129 = arith.constant 0 : i32
        %dma_start3A_130 = tpu.memref_slice %arg11[%dma_start3A_128, %dma_start3A_129] : memref<10240x128xf32, #tpu.memory_space<vmem_shared>> -> memref<10240x128xf32, #tpu.memory_space<vmem_shared>>
        tpu.enqueue_indirect_dma source(%arg10 : memref<128x128xf32, #tpu.memory_space<vmem>>) target(%dma_start3A_130 : memref<10240x128xf32, #tpu.memory_space<vmem_shared>>) offsets(%dma_start3A_127 : memref<128xi32, #tpu.memory_space<vmem>>) semaphore(%run_scoped3A_124 : memref<!tpu.dma_semaphore, #tpu.memory_space<semaphore_mem>>) {add = true}
        %dma_wait3A_131 = arith.constant 0 : i32
        %dma_wait3A_132 = tpu.memref_slice %arg8[%add3A_123, %dma_wait3A_131] : memref<40x128xi32, #tpu.memory_space<vmem>> -> memref<1x128xi32, #tpu.memory_space<vmem>>
        %dma_wait3A_133 = tpu.memref_squeeze %dma_wait3A_132 : memref<1x128xi32, #tpu.memory_space<vmem>> -> memref<128xi32, #tpu.memory_space<vmem>>
        %dma_wait3A_134 = arith.constant 0 : i32
        %dma_wait3A_135 = arith.constant 0 : i32
        %dma_wait3A_136 = tpu.memref_slice %arg11[%dma_wait3A_134, %dma_wait3A_135] : memref<10240x128xf32, #tpu.memory_space<vmem_shared>> -> memref<10240x128xf32, #tpu.memory_space<vmem_shared>>
        tpu.wait_indirect_dma semaphore(%run_scoped3A_124 : memref<!tpu.dma_semaphore, #tpu.memory_space<semaphore_mem>>) src(%arg10 : memref<128x128xf32, #tpu.memory_space<vmem>>) dst(%dma_wait3A_136 : memref<10240x128xf32, #tpu.memory_space<vmem_shared>>)
        tpu.yield
      }) : () -> ()
    }
    %scan3A_61 = arith.constant 19 : i32
    %dma_start3A_62 = arith.constant 39 : i32
    %dma_start3A_63 = arith.constant 0 : i32
    %dma_start3A_64 = tpu.memref_slice %arg7[%dma_start3A_62, %dma_start3A_63] : memref<40x128xi32, #tpu.memory_space<vmem>> -> memref<1x128xi32, #tpu.memory_space<vmem>>
    %dma_start3A_65 = tpu.memref_squeeze %dma_start3A_64 : memref<1x128xi32, #tpu.memory_space<vmem>> -> memref<128xi32, #tpu.memory_space<vmem>>
    %dma_start3A_66 = arith.constant 0 : i32
    %dma_start3A_67 = arith.constant 0 : i32
    %dma_start3A_68 = tpu.memref_slice %arg2[%dma_start3A_66, %dma_start3A_67] : memref<10240x128xf32, #tpu.memory_space<hbm>> -> memref<10240x128xf32, #tpu.memory_space<hbm>>
    tpu.enqueue_indirect_dma source(%dma_start3A_68 : memref<10240x128xf32, #tpu.memory_space<hbm>>) target(%arg10 : memref<128x128xf32, #tpu.memory_space<vmem>>) offsets(%dma_start3A_65 : memref<128xi32, #tpu.memory_space<vmem>>) semaphore(%arg13 : memref<!tpu.dma_semaphore, #tpu.memory_space<semaphore_mem>>)
    %dma_wait3A_69 = arith.constant 0 : i32
    %dma_wait3A_70 = arith.constant 0 : i32
    %dma_wait3A_71 = tpu.memref_slice %arg2[%dma_wait3A_69, %dma_wait3A_70] : memref<10240x128xf32, #tpu.memory_space<hbm>> -> memref<128x128xf32, #tpu.memory_space<hbm>>
    %dma_wait3A_72 = arith.constant 0 : i32
    %dma_wait3A_73 = arith.constant 0 : i32
    %dma_wait3A_74 = tpu.memref_slice %arg2[%dma_wait3A_72, %dma_wait3A_73] : memref<10240x128xf32, #tpu.memory_space<hbm>> -> memref<128x128xf32, #tpu.memory_space<hbm>>
    tpu.wait_dma2 semaphore(%arg12 : memref<!tpu.dma_semaphore, #tpu.memory_space<semaphore_mem>>) src(%dma_wait3A_74 : memref<128x128xf32, #tpu.memory_space<hbm>>) dst(%arg9 : memref<128x128xf32, #tpu.memory_space<vmem>>)
    %run_scoped3A_75 = arith.constant 38 : i32
    "tpu.region"() ({
      %run_scoped3A_91 = tpu.sem_alloc : memref<!tpu.dma_semaphore, #tpu.memory_space<semaphore_mem>>
      %dma_start3A_92 = arith.constant 0 : i32
      %dma_start3A_93 = tpu.memref_slice %arg8[%run_scoped3A_75, %dma_start3A_92] : memref<40x128xi32, #tpu.memory_space<vmem>> -> memref<1x128xi32, #tpu.memory_space<vmem>>
      %dma_start3A_94 = tpu.memref_squeeze %dma_start3A_93 : memref<1x128xi32, #tpu.memory_space<vmem>> -> memref<128xi32, #tpu.memory_space<vmem>>
      %dma_start3A_95 = arith.constant 0 : i32
      %dma_start3A_96 = arith.constant 0 : i32
      %dma_start3A_97 = tpu.memref_slice %arg11[%dma_start3A_95, %dma_start3A_96] : memref<10240x128xf32, #tpu.memory_space<vmem_shared>> -> memref<10240x128xf32, #tpu.memory_space<vmem_shared>>
      tpu.enqueue_indirect_dma source(%arg9 : memref<128x128xf32, #tpu.memory_space<vmem>>) target(%dma_start3A_97 : memref<10240x128xf32, #tpu.memory_space<vmem_shared>>) offsets(%dma_start3A_94 : memref<128xi32, #tpu.memory_space<vmem>>) semaphore(%run_scoped3A_91 : memref<!tpu.dma_semaphore, #tpu.memory_space<semaphore_mem>>) {add = true}
      %dma_wait3A_98 = arith.constant 0 : i32
      %dma_wait3A_99 = tpu.memref_slice %arg8[%run_scoped3A_75, %dma_wait3A_98] : memref<40x128xi32, #tpu.memory_space<vmem>> -> memref<1x128xi32, #tpu.memory_space<vmem>>
      %dma_wait3A_100 = tpu.memref_squeeze %dma_wait3A_99 : memref<1x128xi32, #tpu.memory_space<vmem>> -> memref<128xi32, #tpu.memory_space<vmem>>
      %dma_wait3A_101 = arith.constant 0 : i32
      %dma_wait3A_102 = arith.constant 0 : i32
      %dma_wait3A_103 = tpu.memref_slice %arg11[%dma_wait3A_101, %dma_wait3A_102] : memref<10240x128xf32, #tpu.memory_space<vmem_shared>> -> memref<10240x128xf32, #tpu.memory_space<vmem_shared>>
      tpu.wait_indirect_dma semaphore(%run_scoped3A_91 : memref<!tpu.dma_semaphore, #tpu.memory_space<semaphore_mem>>) src(%arg9 : memref<128x128xf32, #tpu.memory_space<vmem>>) dst(%dma_wait3A_103 : memref<10240x128xf32, #tpu.memory_space<vmem_shared>>)
      tpu.yield
    }) : () -> ()
    %dma_wait3A_76 = arith.constant 0 : i32
    %dma_wait3A_77 = arith.constant 0 : i32
    %dma_wait3A_78 = tpu.memref_slice %arg2[%dma_wait3A_76, %dma_wait3A_77] : memref<10240x128xf32, #tpu.memory_space<hbm>> -> memref<128x128xf32, #tpu.memory_space<hbm>>
    %dma_wait3A_79 = arith.constant 0 : i32
    %dma_wait3A_80 = arith.constant 0 : i32
    %dma_wait3A_81 = tpu.memref_slice %arg2[%dma_wait3A_79, %dma_wait3A_80] : memref<10240x128xf32, #tpu.memory_space<hbm>> -> memref<128x128xf32, #tpu.memory_space<hbm>>
    tpu.wait_dma2 semaphore(%arg13 : memref<!tpu.dma_semaphore, #tpu.memory_space<semaphore_mem>>) src(%dma_wait3A_81 : memref<128x128xf32, #tpu.memory_space<hbm>>) dst(%arg10 : memref<128x128xf32, #tpu.memory_space<vmem>>)
    %run_scoped3A_82 = arith.constant 39 : i32
    "tpu.region"() ({
      %run_scoped3A_91 = tpu.sem_alloc : memref<!tpu.dma_semaphore, #tpu.memory_space<semaphore_mem>>
      %dma_start3A_92 = arith.constant 0 : i32
      %dma_start3A_93 = tpu.memref_slice %arg8[%run_scoped3A_82, %dma_start3A_92] : memref<40x128xi32, #tpu.memory_space<vmem>> -> memref<1x128xi32, #tpu.memory_space<vmem>>
      %dma_start3A_94 = tpu.memref_squeeze %dma_start3A_93 : memref<1x128xi32, #tpu.memory_space<vmem>> -> memref<128xi32, #tpu.memory_space<vmem>>
      %dma_start3A_95 = arith.constant 0 : i32
      %dma_start3A_96 = arith.constant 0 : i32
      %dma_start3A_97 = tpu.memref_slice %arg11[%dma_start3A_95, %dma_start3A_96] : memref<10240x128xf32, #tpu.memory_space<vmem_shared>> -> memref<10240x128xf32, #tpu.memory_space<vmem_shared>>
      tpu.enqueue_indirect_dma source(%arg10 : memref<128x128xf32, #tpu.memory_space<vmem>>) target(%dma_start3A_97 : memref<10240x128xf32, #tpu.memory_space<vmem_shared>>) offsets(%dma_start3A_94 : memref<128xi32, #tpu.memory_space<vmem>>) semaphore(%run_scoped3A_91 : memref<!tpu.dma_semaphore, #tpu.memory_space<semaphore_mem>>) {add = true}
      %dma_wait3A_98 = arith.constant 0 : i32
      %dma_wait3A_99 = tpu.memref_slice %arg8[%run_scoped3A_82, %dma_wait3A_98] : memref<40x128xi32, #tpu.memory_space<vmem>> -> memref<1x128xi32, #tpu.memory_space<vmem>>
      %dma_wait3A_100 = tpu.memref_squeeze %dma_wait3A_99 : memref<1x128xi32, #tpu.memory_space<vmem>> -> memref<128xi32, #tpu.memory_space<vmem>>
      %dma_wait3A_101 = arith.constant 0 : i32
      %dma_wait3A_102 = arith.constant 0 : i32
      %dma_wait3A_103 = tpu.memref_slice %arg11[%dma_wait3A_101, %dma_wait3A_102] : memref<10240x128xf32, #tpu.memory_space<vmem_shared>> -> memref<10240x128xf32, #tpu.memory_space<vmem_shared>>
      tpu.wait_indirect_dma semaphore(%run_scoped3A_91 : memref<!tpu.dma_semaphore, #tpu.memory_space<semaphore_mem>>) src(%arg10 : memref<128x128xf32, #tpu.memory_space<vmem>>) dst(%dma_wait3A_103 : memref<10240x128xf32, #tpu.memory_space<vmem_shared>>)
      tpu.yield
    }) : () -> ()
    %barrier3A_83 = arith.constant 0 : index
    tpu.barrier barrier_id(%barrier3A_83)
    %eq3A = arith.constant 0 : i32
    %eq3A_84 = arith.cmpi eq, %arg0, %eq3A : i32
    %convert_element_type3A = arith.extui %eq3A_84 : i1 to i32
    %cond3A = arith.constant 0 : i32
    %cond3A_85 = arith.cmpi ne, %convert_element_type3A, %cond3A : i32
    scf.if %cond3A_85 {
      "tpu.region"() ({
        %run_scoped3A_91 = tpu.sem_alloc : memref<!tpu.dma_semaphore, #tpu.memory_space<semaphore_mem>>
        %dma_start3A_92 = arith.constant 0 : i32
        %dma_start3A_93 = tpu.memref_slice %arg5[%mul3A_2, %dma_start3A_92] : memref<10240x128xf32, #tpu.memory_space<hbm>> -> memref<640x128xf32, #tpu.memory_space<hbm>>
        %dma_start3A_94 = arith.constant 0 : i32
        %dma_start3A_95 = tpu.memref_slice %arg11[%mul3A_2, %dma_start3A_94] : memref<10240x128xf32, #tpu.memory_space<vmem_shared>> -> memref<640x128xf32, #tpu.memory_space<vmem_shared>>
        tpu.enqueue_dma source(%dma_start3A_95 : memref<640x128xf32, #tpu.memory_space<vmem_shared>>) target(%dma_start3A_93 : memref<640x128xf32, #tpu.memory_space<hbm>>) target_semaphore(%run_scoped3A_91 : memref<!tpu.dma_semaphore, #tpu.memory_space<semaphore_mem>>)
        %dma_wait3A_96 = arith.constant 0 : i32
        %dma_wait3A_97 = tpu.memref_slice %arg5[%mul3A_2, %dma_wait3A_96] : memref<10240x128xf32, #tpu.memory_space<hbm>> -> memref<640x128xf32, #tpu.memory_space<hbm>>
        %dma_wait3A_98 = arith.constant 0 : i32
        %dma_wait3A_99 = tpu.memref_slice %arg11[%mul3A_2, %dma_wait3A_98] : memref<10240x128xf32, #tpu.memory_space<vmem_shared>> -> memref<640x128xf32, #tpu.memory_space<vmem_shared>>
        tpu.wait_dma2 semaphore(%run_scoped3A_91 : memref<!tpu.dma_semaphore, #tpu.memory_space<semaphore_mem>>) src(%dma_wait3A_99 : memref<640x128xf32, #tpu.memory_space<vmem_shared>>) dst(%dma_wait3A_97 : memref<640x128xf32, #tpu.memory_space<hbm>>)
        tpu.yield
      }) : () -> ()
    } else {
    }
    %eq3A_86 = arith.constant 1 : i32
    %eq3A_87 = arith.cmpi eq, %arg0, %eq3A_86 : i32
    %convert_element_type3A_88 = arith.extui %eq3A_87 : i1 to i32
    %cond3A_89 = arith.constant 0 : i32
    %cond3A_90 = arith.cmpi ne, %convert_element_type3A_88, %cond3A_89 : i32
    scf.if %cond3A_90 {
      "tpu.region"() ({
        %run_scoped3A_91 = tpu.sem_alloc : memref<!tpu.dma_semaphore, #tpu.memory_space<semaphore_mem>>
        %dma_start3A_92 = arith.constant 0 : i32
        %dma_start3A_93 = tpu.memref_slice %arg6[%mul3A_2, %dma_start3A_92] : memref<10240x128xf32, #tpu.memory_space<hbm>> -> memref<640x128xf32, #tpu.memory_space<hbm>>
        %dma_start3A_94 = arith.constant 0 : i32
        %dma_start3A_95 = tpu.memref_slice %arg11[%mul3A_2, %dma_start3A_94] : memref<10240x128xf32, #tpu.memory_space<vmem_shared>> -> memref<640x128xf32, #tpu.memory_space<vmem_shared>>
        tpu.enqueue_dma source(%dma_start3A_95 : memref<640x128xf32, #tpu.memory_space<vmem_shared>>) target(%dma_start3A_93 : memref<640x128xf32, #tpu.memory_space<hbm>>) target_semaphore(%run_scoped3A_91 : memref<!tpu.dma_semaphore, #tpu.memory_space<semaphore_mem>>)
        %dma_wait3A_96 = arith.constant 0 : i32
        %dma_wait3A_97 = tpu.memref_slice %arg6[%mul3A_2, %dma_wait3A_96] : memref<10240x128xf32, #tpu.memory_space<hbm>> -> memref<640x128xf32, #tpu.memory_space<hbm>>
        %dma_wait3A_98 = arith.constant 0 : i32
        %dma_wait3A_99 = tpu.memref_slice %arg11[%mul3A_2, %dma_wait3A_98] : memref<10240x128xf32, #tpu.memory_space<vmem_shared>> -> memref<640x128xf32, #tpu.memory_space<vmem_shared>>
        tpu.wait_dma2 semaphore(%run_scoped3A_91 : memref<!tpu.dma_semaphore, #tpu.memory_space<semaphore_mem>>) src(%dma_wait3A_99 : memref<640x128xf32, #tpu.memory_space<vmem_shared>>) dst(%dma_wait3A_97 : memref<640x128xf32, #tpu.memory_space<hbm>>)
        tpu.yield
      }) : () -> ()
    } else {
    }
    return
  }
}

module attributes {stable_mosaic.version = 14 : i64} {
  func.func @_stageA_body(%arg0: i32, %arg1: memref<1024x32xf32, #tpu.memory_space<vmem>>, %arg2: memref<1024x144xf32, #tpu.memory_space<vmem>>, %arg3: memref<144x144xf32, #tpu.memory_space<vmem>>, %arg4: memref<1024x1xf32, #tpu.memory_space<vmem>>, %arg5: memref<1024x128xf32, #tpu.memory_space<vmem>>, %arg6: memref<1024x128xf32, #tpu.memory_space<vmem>>) attributes {dimension_semantics = [#tpu.dimension_semantics<arbitrary>], iteration_bounds = array<i64: 10>, scalar_prefetch = 0 : i64, scratch_operands = 0 : i64, tpu.core_type = #tpu.core_type<tc>, window_params = [{transform_indices = @transform_0, window_bounds = array<i64: 1024, 32>}, {transform_indices = @transform_1, window_bounds = array<i64: 1024, 144>}, {pipeline_mode = #tpu.pipeline_mode<synchronous>, transform_indices = @transform_2, window_bounds = array<i64: 144, 144>}, {transform_indices = @transform_3, window_bounds = array<i64: 1024, 1>}, {transform_indices = @transform_4, window_bounds = array<i64: 1024, 128>}, {transform_indices = @transform_5, window_bounds = array<i64: 1024, 128>}]} {
    %get3A = arith.constant 0 : index
    %get3A_0 = arith.constant 0 : index
    %get3A_1 = vector.load %arg1[%get3A, %get3A_0] : memref<1024x32xf32, #tpu.memory_space<vmem>>, vector<1024x32xf32>
    %reduce_sum3A = arith.constant dense<0.000000e+00> : vector<1024xf32>
    %reduce_sum3A_2 = vector.multi_reduction <add>, %get3A_1, %reduce_sum3A [1] : vector<1024x32xf32> to vector<1024xf32>
    %broadcast_in_dim3A = vector.shape_cast %reduce_sum3A_2 : vector<1024xf32> to vector<1024x1xf32>
    %add3A = arith.constant 1.000000e+00 : f32
    %add3A_3 = vector.broadcast %add3A : f32 to vector<1024x1xf32>
    %add3A_4 = arith.addf %broadcast_in_dim3A, %add3A_3 : vector<1024x1xf32>
    %rsqrt3A = math.rsqrt %add3A_4 : vector<1024x1xf32>
    %swap3A = arith.constant 0 : index
    %swap3A_5 = arith.constant 0 : index
    %swap3A_6 = vector.load %arg4[%swap3A, %swap3A_5] : memref<1024x1xf32, #tpu.memory_space<vmem>>, vector<1024x1xf32>
    tpu.vector_store %arg4[%swap3A, %swap3A_5], %rsqrt3A {strides = array<i32>} : memref<1024x1xf32, #tpu.memory_space<vmem>>, vector<1024x1xf32>,
    %get3A_7 = arith.constant 0 : index
    %get3A_8 = arith.constant 0 : index
    %get3A_9 = vector.load %arg2[%get3A_7, %get3A_8] : memref<1024x144xf32, #tpu.memory_space<vmem>>, vector<1024x144xf32>
    %get3A_10 = arith.constant 0 : index
    %get3A_11 = arith.constant 0 : index
    %get3A_12 = vector.load %arg3[%get3A_10, %get3A_11] : memref<144x144xf32, #tpu.memory_space<vmem>>, vector<144x144xf32>
    %dot_general3A = arith.constant dense<0.000000e+00> : vector<1024x144xf32>
    %dot_general3A_13 = tpu.matmul %get3A_9, %get3A_12, %dot_general3A {dimension_numbers = #tpu.dot_dimension_numbers<[1], [0], [0], [1], [0, 0, 1, 1], [], []>, transpose_lhs_hint = false} : vector<1024x144xf32>, vector<144x144xf32>, vector<1024x144xf32> -> vector<1024x144xf32>
    %mul3A = vector.broadcast %rsqrt3A : vector<1024x1xf32> to vector<1024x144xf32>
    %mul3A_14 = arith.mulf %mul3A, %dot_general3A_13 : vector<1024x144xf32>
    %slice3A = vector.extract_strided_slice %mul3A_14 {offsets = [0, 0], sizes = [1024, 128], strides = [1, 1]} : vector<1024x144xf32> to vector<1024x128xf32>
    %swap3A_15 = arith.constant 0 : index
    %swap3A_16 = arith.constant 0 : index
    %swap3A_17 = vector.load %arg5[%swap3A_15, %swap3A_16] : memref<1024x128xf32, #tpu.memory_space<vmem>>, vector<1024x128xf32>
    tpu.vector_store %arg5[%swap3A_15, %swap3A_16], %slice3A {strides = array<i32>} : memref<1024x128xf32, #tpu.memory_space<vmem>>, vector<1024x128xf32>,
    %slice3A_18 = vector.extract_strided_slice %mul3A_14 {offsets = [0, 128], sizes = [1024, 16], strides = [1, 1]} : vector<1024x144xf32> to vector<1024x16xf32>
    %broadcast_in_dim3A_19 = arith.constant 0.000000e+00 : f32
    %broadcast_in_dim3A_20 = vector.broadcast %broadcast_in_dim3A_19 : f32 to vector<1024x112xf32>
    %concatenate3A = tpu.concatenate %slice3A_18, %broadcast_in_dim3A_20 in 1 : vector<1024x16xf32>, vector<1024x112xf32> -> vector<1024x128xf32>
    %swap3A_21 = arith.constant 0 : index
    %swap3A_22 = arith.constant 0 : index
    %swap3A_23 = vector.load %arg6[%swap3A_21, %swap3A_22] : memref<1024x128xf32, #tpu.memory_space<vmem>>, vector<1024x128xf32>
    tpu.vector_store %arg6[%swap3A_21, %swap3A_22], %concatenate3A {strides = array<i32>} : memref<1024x128xf32, #tpu.memory_space<vmem>>, vector<1024x128xf32>,
    return
  }
  func.func @transform_0(%arg0: i32) -> (i32, i32) {
    %c0_i32 = arith.constant 0 : i32
    %c0_i32_0 = arith.constant 0 : i32
    return %arg0, %c0_i32 : i32, i32
  }
  func.func @transform_1(%arg0: i32) -> (i32, i32) {
    %c0_i32 = arith.constant 0 : i32
    %c0_i32_0 = arith.constant 0 : i32
    return %arg0, %c0_i32 : i32, i32
  }
  func.func @transform_2(%arg0: i32) -> (i32, i32) {
    %c0_i32 = arith.constant 0 : i32
    %c0_i32_0 = arith.constant 0 : i32
    %c0_i32_1 = arith.constant 0 : i32
    return %c0_i32, %c0_i32_0 : i32, i32
  }
  func.func @transform_3(%arg0: i32) -> (i32, i32) {
    %c0_i32 = arith.constant 0 : i32
    %c0_i32_0 = arith.constant 0 : i32
    return %arg0, %c0_i32 : i32, i32
  }
  func.func @transform_4(%arg0: i32) -> (i32, i32) {
    %c0_i32 = arith.constant 0 : i32
    %c0_i32_0 = arith.constant 0 : i32
    return %arg0, %c0_i32 : i32, i32
  }
  func.func @transform_5(%arg0: i32) -> (i32, i32) {
    %c0_i32 = arith.constant 0 : i32
    %c0_i32_0 = arith.constant 0 : i32
    return %arg0, %c0_i32 : i32, i32
  }
}

module attributes {stable_mosaic.version = 14 : i64} {
  func.func @_stageB_body(%arg0: i32, %arg1: memref<1024x128xf32, #tpu.memory_space<vmem>>, %arg2: memref<1024x128xf32, #tpu.memory_space<vmem>>, %arg3: memref<1024x128xf32, #tpu.memory_space<vmem>>, %arg4: memref<1024x128xf32, #tpu.memory_space<vmem>>, %arg5: memref<1024x128xf32, #tpu.memory_space<vmem>>, %arg6: memref<1024x128xf32, #tpu.memory_space<vmem>>, %arg7: memref<1024x1xf32, #tpu.memory_space<vmem>>, %arg8: memref<96x96xf32, #tpu.memory_space<vmem>>, %arg9: memref<1x144xf32, #tpu.memory_space<vmem>>, %arg10: memref<1024x48xf32, #tpu.memory_space<vmem>>, %arg11: memref<1024x128xf32, #tpu.memory_space<vmem>>) attributes {dimension_semantics = [#tpu.dimension_semantics<arbitrary>], iteration_bounds = array<i64: 10>, scalar_prefetch = 0 : i64, scratch_operands = 0 : i64, tpu.core_type = #tpu.core_type<tc>, window_params = [{transform_indices = @transform_0, window_bounds = array<i64: 1024, 128>}, {transform_indices = @transform_1, window_bounds = array<i64: 1024, 128>}, {transform_indices = @transform_2, window_bounds = array<i64: 1024, 128>}, {transform_indices = @transform_3, window_bounds = array<i64: 1024, 128>}, {transform_indices = @transform_4, window_bounds = array<i64: 1024, 128>}, {transform_indices = @transform_5, window_bounds = array<i64: 1024, 128>}, {transform_indices = @transform_6, window_bounds = array<i64: 1024, 1>}, {pipeline_mode = #tpu.pipeline_mode<synchronous>, transform_indices = @transform_7, window_bounds = array<i64: 96, 96>}, {pipeline_mode = #tpu.pipeline_mode<synchronous>, transform_indices = @transform_8, window_bounds = array<i64: 1, 144>}, {transform_indices = @transform_9, window_bounds = array<i64: 1024, 48>}, {transform_indices = @transform_10, window_bounds = array<i64: 1024, 128>}]} {
    %get3A = arith.constant 0 : index
    %get3A_0 = arith.constant 0 : index
    %get3A_1 = vector.load %arg7[%get3A, %get3A_0] : memref<1024x1xf32, #tpu.memory_space<vmem>>, vector<1024x1xf32>
    %get3A_2 = arith.constant 0 : index
    %get3A_3 = arith.constant 0 : index
    %get3A_4 = vector.load %arg1[%get3A_2, %get3A_3] : memref<1024x128xf32, #tpu.memory_space<vmem>>, vector<1024x128xf32>
    %get3A_5 = arith.constant 0 : index
    %get3A_6 = arith.constant 0 : index
    %get3A_7 = vector.load %arg2[%get3A_5, %get3A_6] : memref<1024x128xf32, #tpu.memory_space<vmem>>, vector<1024x128xf32>
    %add3A = arith.addf %get3A_4, %get3A_7 : vector<1024x128xf32>
    %get3A_8 = arith.constant 0 : index
    %get3A_9 = arith.constant 0 : index
    %get3A_10 = vector.load %arg3[%get3A_8, %get3A_9] : memref<1024x128xf32, #tpu.memory_space<vmem>>, vector<1024x128xf32>
    %sub3A = arith.subf %add3A, %get3A_10 : vector<1024x128xf32>
    %get3A_11 = arith.constant 0 : index
    %get3A_12 = arith.constant 0 : index
    %get3A_13 = vector.load %arg4[%get3A_11, %get3A_12] : memref<1024x128xf32, #tpu.memory_space<vmem>>, vector<1024x128xf32>
    %get3A_14 = arith.constant 0 : index
    %get3A_15 = arith.constant 0 : index
    %get3A_16 = vector.load %arg5[%get3A_14, %get3A_15] : memref<1024x128xf32, #tpu.memory_space<vmem>>, vector<1024x128xf32>
    %add3A_17 = arith.addf %get3A_13, %get3A_16 : vector<1024x128xf32>
    %get3A_18 = arith.constant 0 : index
    %get3A_19 = arith.constant 0 : index
    %get3A_20 = vector.load %arg6[%get3A_18, %get3A_19] : memref<1024x128xf32, #tpu.memory_space<vmem>>, vector<1024x128xf32>
    %sub3A_21 = arith.subf %add3A_17, %get3A_20 : vector<1024x128xf32>
    %slice3A = vector.extract_strided_slice %sub3A_21 {offsets = [0, 0], sizes = [1024, 16], strides = [1, 1]} : vector<1024x128xf32> to vector<1024x16xf32>
    %concatenate3A = tpu.concatenate %sub3A, %slice3A in 1 : vector<1024x128xf32>, vector<1024x16xf32> -> vector<1024x144xf32>
    %mul3A = vector.broadcast %get3A_1 : vector<1024x1xf32> to vector<1024x144xf32>
    %mul3A_22 = arith.mulf %mul3A, %concatenate3A : vector<1024x144xf32>
    %get3A_23 = arith.constant 0 : index
    %get3A_24 = arith.constant 0 : index
    %get3A_25 = vector.load %arg9[%get3A_23, %get3A_24] : memref<1x144xf32, #tpu.memory_space<vmem>>, vector<1x144xf32>
    %add3A_26 = vector.broadcast %get3A_25 : vector<1x144xf32> to vector<1024x144xf32>
    %add3A_27 = arith.addf %mul3A_22, %add3A_26 : vector<1024x144xf32>
    %tanh3A = math.tanh %add3A_27 : vector<1024x144xf32>
    %mul3A_28 = arith.constant 1024 : i32
    %mul3A_29 = arith.muli %arg0, %mul3A_28 : i32
    %iota3A = tpu.iota {dimensions = array<i32: 0>} : vector<1024x1xi32>
    %add3A_30 = vector.broadcast %mul3A_29 : i32 to vector<1024x1xi32>
    %add3A_31 = arith.addi %add3A_30, %iota3A : vector<1024x1xi32>
    %lt3A = arith.constant 10000 : i32
    %lt3A_32 = vector.broadcast %lt3A : i32 to vector<1024x1xi32>
    %lt3A_33 = arith.cmpi slt, %add3A_31, %lt3A_32 : vector<1024x1xi32>
    %jit3A = arith.constant 0.000000e+00 : f32
    %broadcast_in_dim3A = vector.shape_cast %lt3A_33 : vector<1024x1xi1> to vector<1024x1xi1>
    %broadcast_in_dim3A_34 = vector.broadcast %broadcast_in_dim3A : vector<1024x1xi1> to vector<1024x144xi1>
    %broadcast_in_dim3A_35 = vector.broadcast %jit3A : f32 to vector<1024x144xf32>
    %select_n3A = arith.select %broadcast_in_dim3A_34, %tanh3A, %broadcast_in_dim3A_35 : vector<1024x144xi1>, vector<1024x144xf32>
    %slice3A_36 = vector.extract_strided_slice %select_n3A {offsets = [0, 0], sizes = [1024, 48], strides = [1, 1]} : vector<1024x144xf32> to vector<1024x48xf32>
    %swap3A = arith.constant 0 : index
    %swap3A_37 = arith.constant 0 : index
    %swap3A_38 = vector.load %arg10[%swap3A, %swap3A_37] : memref<1024x48xf32, #tpu.memory_space<vmem>>, vector<1024x48xf32>
    tpu.vector_store %arg10[%swap3A, %swap3A_37], %slice3A_36 {strides = array<i32>} : memref<1024x48xf32, #tpu.memory_space<vmem>>, vector<1024x48xf32>,
    %slice3A_39 = vector.extract_strided_slice %select_n3A {offsets = [0, 48], sizes = [1024, 96], strides = [1, 1]} : vector<1024x144xf32> to vector<1024x96xf32>
    %get3A_40 = arith.constant 0 : index
    %get3A_41 = arith.constant 0 : index
    %get3A_42 = vector.load %arg8[%get3A_40, %get3A_41] : memref<96x96xf32, #tpu.memory_space<vmem>>, vector<96x96xf32>
    %dot_general3A = arith.constant dense<0.000000e+00> : vector<1024x96xf32>
    %dot_general3A_43 = tpu.matmul %slice3A_39, %get3A_42, %dot_general3A {dimension_numbers = #tpu.dot_dimension_numbers<[1], [0], [0], [1], [0, 0, 1, 1], [], []>, transpose_lhs_hint = false} : vector<1024x96xf32>, vector<96x96xf32>, vector<1024x96xf32> -> vector<1024x96xf32>
    %mul3A_44 = vector.broadcast %get3A_1 : vector<1024x1xf32> to vector<1024x96xf32>
    %mul3A_45 = arith.mulf %mul3A_44, %dot_general3A_43 : vector<1024x96xf32>
    %broadcast_in_dim3A_46 = arith.constant 0.000000e+00 : f32
    %broadcast_in_dim3A_47 = vector.broadcast %broadcast_in_dim3A_46 : f32 to vector<1024x32xf32>
    %concatenate3A_48 = tpu.concatenate %mul3A_45, %broadcast_in_dim3A_47 in 1 : vector<1024x96xf32>, vector<1024x32xf32> -> vector<1024x128xf32>
    %swap3A_49 = arith.constant 0 : index
    %swap3A_50 = arith.constant 0 : index
    %swap3A_51 = vector.load %arg11[%swap3A_49, %swap3A_50] : memref<1024x128xf32, #tpu.memory_space<vmem>>, vector<1024x128xf32>
    tpu.vector_store %arg11[%swap3A_49, %swap3A_50], %concatenate3A_48 {strides = array<i32>} : memref<1024x128xf32, #tpu.memory_space<vmem>>, vector<1024x128xf32>,
    return
  }
  func.func @transform_0(%arg0: i32) -> (i32, i32) {
    %c0_i32 = arith.constant 0 : i32
    %c0_i32_0 = arith.constant 0 : i32
    return %arg0, %c0_i32 : i32, i32
  }
  func.func @transform_1(%arg0: i32) -> (i32, i32) {
    %c0_i32 = arith.constant 0 : i32
    %c0_i32_0 = arith.constant 0 : i32
    return %arg0, %c0_i32 : i32, i32
  }
  func.func @transform_2(%arg0: i32) -> (i32, i32) {
    %c0_i32 = arith.constant 0 : i32
    %c0_i32_0 = arith.constant 0 : i32
    return %arg0, %c0_i32 : i32, i32
  }
  func.func @transform_3(%arg0: i32) -> (i32, i32) {
    %c0_i32 = arith.constant 0 : i32
    %c0_i32_0 = arith.constant 0 : i32
    return %arg0, %c0_i32 : i32, i32
  }
  func.func @transform_4(%arg0: i32) -> (i32, i32) {
    %c0_i32 = arith.constant 0 : i32
    %c0_i32_0 = arith.constant 0 : i32
    return %arg0, %c0_i32 : i32, i32
  }
  func.func @transform_5(%arg0: i32) -> (i32, i32) {
    %c0_i32 = arith.constant 0 : i32
    %c0_i32_0 = arith.constant 0 : i32
    return %arg0, %c0_i32 : i32, i32
  }
  func.func @transform_6(%arg0: i32) -> (i32, i32) {
    %c0_i32 = arith.constant 0 : i32
    %c0_i32_0 = arith.constant 0 : i32
    return %arg0, %c0_i32 : i32, i32
  }
  func.func @transform_7(%arg0: i32) -> (i32, i32) {
    %c0_i32 = arith.constant 0 : i32
    %c0_i32_0 = arith.constant 0 : i32
    %c0_i32_1 = arith.constant 0 : i32
    return %c0_i32, %c0_i32_0 : i32, i32
  }
  func.func @transform_8(%arg0: i32) -> (i32, i32) {
    %c0_i32 = arith.constant 0 : i32
    %c0_i32_0 = arith.constant 0 : i32
    %c0_i32_1 = arith.constant 0 : i32
    return %c0_i32, %c0_i32_0 : i32, i32
  }
  func.func @transform_9(%arg0: i32) -> (i32, i32) {
    %c0_i32 = arith.constant 0 : i32
    %c0_i32_0 = arith.constant 0 : i32
    return %arg0, %c0_i32 : i32, i32
  }
  func.func @transform_10(%arg0: i32) -> (i32, i32) {
    %c0_i32 = arith.constant 0 : i32
    %c0_i32_0 = arith.constant 0 : i32
    return %arg0, %c0_i32 : i32, i32
  }
}

module attributes {stable_mosaic.version = 14 : i64} {
  func.func @_stageC1_body(%arg0: i32, %arg1: memref<1024x128xf32, #tpu.memory_space<vmem>>, %arg2: memref<1024x128xf32, #tpu.memory_space<vmem>>, %arg3: memref<1024x128xf32, #tpu.memory_space<vmem>>, %arg4: memref<1024x1xf32, #tpu.memory_space<vmem>>, %arg5: memref<1x96xf32, #tpu.memory_space<vmem>>, %arg6: memref<1024x96xf32, #tpu.memory_space<vmem>>) attributes {dimension_semantics = [#tpu.dimension_semantics<arbitrary>], iteration_bounds = array<i64: 10>, scalar_prefetch = 0 : i64, scratch_operands = 0 : i64, tpu.core_type = #tpu.core_type<tc>, window_params = [{transform_indices = @transform_0, window_bounds = array<i64: 1024, 128>}, {transform_indices = @transform_1, window_bounds = array<i64: 1024, 128>}, {transform_indices = @transform_2, window_bounds = array<i64: 1024, 128>}, {transform_indices = @transform_3, window_bounds = array<i64: 1024, 1>}, {pipeline_mode = #tpu.pipeline_mode<synchronous>, transform_indices = @transform_4, window_bounds = array<i64: 1, 96>}, {transform_indices = @transform_5, window_bounds = array<i64: 1024, 96>}]} {
    %get3A = arith.constant 0 : index
    %get3A_0 = arith.constant 0 : index
    %get3A_1 = vector.load %arg1[%get3A, %get3A_0] : memref<1024x128xf32, #tpu.memory_space<vmem>>, vector<1024x128xf32>
    %get3A_2 = arith.constant 0 : index
    %get3A_3 = arith.constant 0 : index
    %get3A_4 = vector.load %arg2[%get3A_2, %get3A_3] : memref<1024x128xf32, #tpu.memory_space<vmem>>, vector<1024x128xf32>
    %add3A = arith.addf %get3A_1, %get3A_4 : vector<1024x128xf32>
    %get3A_5 = arith.constant 0 : index
    %get3A_6 = arith.constant 0 : index
    %get3A_7 = vector.load %arg3[%get3A_5, %get3A_6] : memref<1024x128xf32, #tpu.memory_space<vmem>>, vector<1024x128xf32>
    %sub3A = arith.subf %add3A, %get3A_7 : vector<1024x128xf32>
    %slice3A = vector.extract_strided_slice %sub3A {offsets = [0, 0], sizes = [1024, 96], strides = [1, 1]} : vector<1024x128xf32> to vector<1024x96xf32>
    %get3A_8 = arith.constant 0 : index
    %get3A_9 = arith.constant 0 : index
    %get3A_10 = vector.load %arg4[%get3A_8, %get3A_9] : memref<1024x1xf32, #tpu.memory_space<vmem>>, vector<1024x1xf32>
    %mul3A = vector.broadcast %get3A_10 : vector<1024x1xf32> to vector<1024x96xf32>
    %mul3A_11 = arith.mulf %mul3A, %slice3A : vector<1024x96xf32>
    %get3A_12 = arith.constant 0 : index
    %get3A_13 = arith.constant 0 : index
    %get3A_14 = vector.load %arg5[%get3A_12, %get3A_13] : memref<1x96xf32, #tpu.memory_space<vmem>>, vector<1x96xf32>
    %add3A_15 = vector.broadcast %get3A_14 : vector<1x96xf32> to vector<1024x96xf32>
    %add3A_16 = arith.addf %mul3A_11, %add3A_15 : vector<1024x96xf32>
    %tanh3A = math.tanh %add3A_16 : vector<1024x96xf32>
    %mul3A_17 = arith.constant 1024 : i32
    %mul3A_18 = arith.muli %arg0, %mul3A_17 : i32
    %iota3A = tpu.iota {dimensions = array<i32: 0>} : vector<1024x1xi32>
    %add3A_19 = vector.broadcast %mul3A_18 : i32 to vector<1024x1xi32>
    %add3A_20 = arith.addi %add3A_19, %iota3A : vector<1024x1xi32>
    %lt3A = arith.constant 10000 : i32
    %lt3A_21 = vector.broadcast %lt3A : i32 to vector<1024x1xi32>
    %lt3A_22 = arith.cmpi slt, %add3A_20, %lt3A_21 : vector<1024x1xi32>
    %jit3A = arith.constant 0.000000e+00 : f32
    %broadcast_in_dim3A = vector.shape_cast %lt3A_22 : vector<1024x1xi1> to vector<1024x1xi1>
    %broadcast_in_dim3A_23 = vector.broadcast %broadcast_in_dim3A : vector<1024x1xi1> to vector<1024x96xi1>
    %broadcast_in_dim3A_24 = vector.broadcast %jit3A : f32 to vector<1024x96xf32>
    %select_n3A = arith.select %broadcast_in_dim3A_23, %tanh3A, %broadcast_in_dim3A_24 : vector<1024x96xi1>, vector<1024x96xf32>
    %swap3A = arith.constant 0 : index
    %swap3A_25 = arith.constant 0 : index
    %swap3A_26 = vector.load %arg6[%swap3A, %swap3A_25] : memref<1024x96xf32, #tpu.memory_space<vmem>>, vector<1024x96xf32>
    tpu.vector_store %arg6[%swap3A, %swap3A_25], %select_n3A {strides = array<i32>} : memref<1024x96xf32, #tpu.memory_space<vmem>>, vector<1024x96xf32>,
    return
  }
  func.func @transform_0(%arg0: i32) -> (i32, i32) {
    %c0_i32 = arith.constant 0 : i32
    %c0_i32_0 = arith.constant 0 : i32
    return %arg0, %c0_i32 : i32, i32
  }
  func.func @transform_1(%arg0: i32) -> (i32, i32) {
    %c0_i32 = arith.constant 0 : i32
    %c0_i32_0 = arith.constant 0 : i32
    return %arg0, %c0_i32 : i32, i32
  }
  func.func @transform_2(%arg0: i32) -> (i32, i32) {
    %c0_i32 = arith.constant 0 : i32
    %c0_i32_0 = arith.constant 0 : i32
    return %arg0, %c0_i32 : i32, i32
  }
  func.func @transform_3(%arg0: i32) -> (i32, i32) {
    %c0_i32 = arith.constant 0 : i32
    %c0_i32_0 = arith.constant 0 : i32
    return %arg0, %c0_i32 : i32, i32
  }
  func.func @transform_4(%arg0: i32) -> (i32, i32) {
    %c0_i32 = arith.constant 0 : i32
    %c0_i32_0 = arith.constant 0 : i32
    %c0_i32_1 = arith.constant 0 : i32
    return %c0_i32, %c0_i32_0 : i32, i32
  }
  func.func @transform_5(%arg0: i32) -> (i32, i32) {
    %c0_i32 = arith.constant 0 : i32
    %c0_i32_0 = arith.constant 0 : i32
    return %arg0, %c0_i32 : i32, i32
  }
}

module attributes {stable_mosaic.version = 14 : i64} {
  func.func @_stageC2_body(%arg0: i32, %arg1: memref<128x1152xf32, #tpu.memory_space<vmem>>, %arg2: memref<1152x16xf32, #tpu.memory_space<vmem>>, %arg3: memref<128x2304xf32, #tpu.memory_space<vmem>>, %arg4: memref<2304x16xf32, #tpu.memory_space<vmem>>, %arg5: memref<128x128xf32, #tpu.memory_space<vmem>>, %arg6: memref<128x16xf32, #tpu.memory_space<vmem>>, %arg7: memref<128x128xf32, #tpu.memory_space<vmem>>, %arg8: memref<128x16xf32, #tpu.memory_space<vmem>>, %arg9: memref<128x1xf32, #tpu.memory_space<vmem>>, %arg10: memref<128x1xf32, #tpu.memory_space<vmem>>, %arg11: memref<128x256xf32, #tpu.memory_space<vmem>>, %arg12: memref<16x128xf32, #tpu.memory_space<vmem>>, %arg13: memref<128x16xf32, #tpu.memory_space<vmem>>, %arg14: memref<128x16xf32, #tpu.memory_space<vmem>>) attributes {dimension_semantics = [#tpu.dimension_semantics<arbitrary>], iteration_bounds = array<i64: 26>, scalar_prefetch = 0 : i64, scratch_operands = 2 : i64, tpu.core_type = #tpu.core_type<tc>, window_params = [{transform_indices = @transform_0, window_bounds = array<i64: 128, 1152>}, {transform_indices = @transform_1, window_bounds = array<i64: 1152, 16>}, {transform_indices = @transform_2, window_bounds = array<i64: 128, 2304>}, {transform_indices = @transform_3, window_bounds = array<i64: 2304, 16>}, {pipeline_mode = #tpu.pipeline_mode<synchronous>, transform_indices = @transform_4, window_bounds = array<i64: 128, 128>}, {transform_indices = @transform_5, window_bounds = array<i64: 128, 16>}, {pipeline_mode = #tpu.pipeline_mode<synchronous>, transform_indices = @transform_6, window_bounds = array<i64: 128, 128>}, {transform_indices = @transform_7, window_bounds = array<i64: 128, 16>}, {pipeline_mode = #tpu.pipeline_mode<synchronous>, transform_indices = @transform_8, window_bounds = array<i64: 128, 1>}, {pipeline_mode = #tpu.pipeline_mode<synchronous>, transform_indices = @transform_9, window_bounds = array<i64: 128, 1>}, {pipeline_mode = #tpu.pipeline_mode<synchronous>, transform_indices = @transform_10, window_bounds = array<i64: 128, 256>}, {pipeline_mode = #tpu.pipeline_mode<synchronous>, transform_indices = @transform_11, window_bounds = array<i64: 16, 128>}]} {
    %eq3A = arith.constant 0 : i32
    %eq3A_0 = arith.cmpi eq, %arg0, %eq3A : i32
    %convert_element_type3A = arith.extui %eq3A_0 : i1 to i32
    %cond3A = arith.constant 0 : i32
    %cond3A_1 = arith.cmpi ne, %convert_element_type3A, %cond3A : i32
    scf.if %cond3A_1 {
      %broadcast_in_dim3A = arith.constant 0.000000e+00 : f32
      %broadcast_in_dim3A_33 = vector.broadcast %broadcast_in_dim3A : f32 to vector<128x16xf32>
      %swap3A_34 = arith.constant 0 : index
      %swap3A_35 = arith.constant 0 : index
      %swap3A_36 = vector.load %arg13[%swap3A_34, %swap3A_35] : memref<128x16xf32, #tpu.memory_space<vmem>>, vector<128x16xf32>
      tpu.vector_store %arg13[%swap3A_34, %swap3A_35], %broadcast_in_dim3A_33 {strides = array<i32>} : memref<128x16xf32, #tpu.memory_space<vmem>>, vector<128x16xf32>,
      %broadcast_in_dim3A_37 = arith.constant 0.000000e+00 : f32
      %broadcast_in_dim3A_38 = vector.broadcast %broadcast_in_dim3A_37 : f32 to vector<128x16xf32>
      %swap3A_39 = arith.constant 0 : index
      %swap3A_40 = arith.constant 0 : index
      %swap3A_41 = vector.load %arg14[%swap3A_39, %swap3A_40] : memref<128x16xf32, #tpu.memory_space<vmem>>, vector<128x16xf32>
      tpu.vector_store %arg14[%swap3A_39, %swap3A_40], %broadcast_in_dim3A_38 {strides = array<i32>} : memref<128x16xf32, #tpu.memory_space<vmem>>, vector<128x16xf32>,
    } else {
    }
    %get3A = arith.constant 0 : index
    %get3A_2 = arith.constant 0 : index
    %get3A_3 = vector.load %arg13[%get3A, %get3A_2] : memref<128x16xf32, #tpu.memory_space<vmem>>, vector<128x16xf32>
    %get3A_4 = arith.constant 0 : index
    %get3A_5 = arith.constant 0 : index
    %get3A_6 = vector.load %arg1[%get3A_4, %get3A_5] : memref<128x1152xf32, #tpu.memory_space<vmem>>, vector<128x1152xf32>
    %get3A_7 = arith.constant 0 : index
    %get3A_8 = arith.constant 0 : index
    %get3A_9 = vector.load %arg2[%get3A_7, %get3A_8] : memref<1152x16xf32, #tpu.memory_space<vmem>>, vector<1152x16xf32>
    %dot_general3A = arith.constant dense<0.000000e+00> : vector<128x16xf32>
    %dot_general3A_10 = tpu.matmul %get3A_6, %get3A_9, %dot_general3A {dimension_numbers = #tpu.dot_dimension_numbers<[1], [0], [0], [1], [0, 0, 1, 1], [], []>, transpose_lhs_hint = false} : vector<128x1152xf32>, vector<1152x16xf32>, vector<128x16xf32> -> vector<128x16xf32>
    %add3A = arith.addf %get3A_3, %dot_general3A_10 : vector<128x16xf32>
    %swap3A = arith.constant 0 : index
    %swap3A_11 = arith.constant 0 : index
    %swap3A_12 = vector.load %arg13[%swap3A, %swap3A_11] : memref<128x16xf32, #tpu.memory_space<vmem>>, vector<128x16xf32>
    tpu.vector_store %arg13[%swap3A, %swap3A_11], %add3A {strides = array<i32>} : memref<128x16xf32, #tpu.memory_space<vmem>>, vector<128x16xf32>,
    %get3A_13 = arith.constant 0 : index
    %get3A_14 = arith.constant 0 : index
    %get3A_15 = vector.load %arg14[%get3A_13, %get3A_14] : memref<128x16xf32, #tpu.memory_space<vmem>>, vector<128x16xf32>
    %get3A_16 = arith.constant 0 : index
    %get3A_17 = arith.constant 0 : index
    %get3A_18 = vector.load %arg3[%get3A_16, %get3A_17] : memref<128x2304xf32, #tpu.memory_space<vmem>>, vector<128x2304xf32>
    %get3A_19 = arith.constant 0 : index
    %get3A_20 = arith.constant 0 : index
    %get3A_21 = vector.load %arg4[%get3A_19, %get3A_20] : memref<2304x16xf32, #tpu.memory_space<vmem>>, vector<2304x16xf32>
    %dot_general3A_22 = arith.constant dense<0.000000e+00> : vector<128x16xf32>
    %dot_general3A_23 = tpu.matmul %get3A_18, %get3A_21, %dot_general3A_22 {dimension_numbers = #tpu.dot_dimension_numbers<[1], [0], [0], [1], [0, 0, 1, 1], [], []>, transpose_lhs_hint = false} : vector<128x2304xf32>, vector<2304x16xf32>, vector<128x16xf32> -> vector<128x16xf32>
    %add3A_24 = arith.addf %get3A_15, %dot_general3A_23 : vector<128x16xf32>
    %swap3A_25 = arith.constant 0 : index
    %swap3A_26 = arith.constant 0 : index
    %swap3A_27 = vector.load %arg14[%swap3A_25, %swap3A_26] : memref<128x16xf32, #tpu.memory_space<vmem>>, vector<128x16xf32>
    tpu.vector_store %arg14[%swap3A_25, %swap3A_26], %add3A_24 {strides = array<i32>} : memref<128x16xf32, #tpu.memory_space<vmem>>, vector<128x16xf32>,
    %eq3A_28 = arith.constant 25 : i32
    %eq3A_29 = arith.cmpi eq, %arg0, %eq3A_28 : i32
    %convert_element_type3A_30 = arith.extui %eq3A_29 : i1 to i32
    %cond3A_31 = arith.constant 0 : i32
    %cond3A_32 = arith.cmpi ne, %convert_element_type3A_30, %cond3A_31 : i32
    scf.if %cond3A_32 {
      %get3A_33 = arith.constant 0 : index
      %get3A_34 = arith.constant 0 : index
      %get3A_35 = vector.load %arg13[%get3A_33, %get3A_34] : memref<128x16xf32, #tpu.memory_space<vmem>>, vector<128x16xf32>
      %get3A_36 = arith.constant 0 : index
      %get3A_37 = arith.constant 0 : index
      %get3A_38 = vector.load %arg5[%get3A_36, %get3A_37] : memref<128x128xf32, #tpu.memory_space<vmem>>, vector<128x128xf32>
      %get3A_39 = arith.constant 0 : index
      %get3A_40 = arith.constant 0 : index
      %get3A_41 = vector.load %arg6[%get3A_39, %get3A_40] : memref<128x16xf32, #tpu.memory_space<vmem>>, vector<128x16xf32>
      %dot_general3A_42 = arith.constant dense<0.000000e+00> : vector<128x16xf32>
      %dot_general3A_43 = tpu.matmul %get3A_38, %get3A_41, %dot_general3A_42 {dimension_numbers = #tpu.dot_dimension_numbers<[1], [0], [0], [1], [0, 0, 1, 1], [], []>, transpose_lhs_hint = false} : vector<128x128xf32>, vector<128x16xf32>, vector<128x16xf32> -> vector<128x16xf32>
      %add3A_44 = arith.addf %get3A_35, %dot_general3A_43 : vector<128x16xf32>
      %get3A_45 = arith.constant 0 : index
      %get3A_46 = arith.constant 0 : index
      %get3A_47 = vector.load %arg14[%get3A_45, %get3A_46] : memref<128x16xf32, #tpu.memory_space<vmem>>, vector<128x16xf32>
      %get3A_48 = arith.constant 0 : index
      %get3A_49 = arith.constant 0 : index
      %get3A_50 = vector.load %arg7[%get3A_48, %get3A_49] : memref<128x128xf32, #tpu.memory_space<vmem>>, vector<128x128xf32>
      %get3A_51 = arith.constant 0 : index
      %get3A_52 = arith.constant 0 : index
      %get3A_53 = vector.load %arg8[%get3A_51, %get3A_52] : memref<128x16xf32, #tpu.memory_space<vmem>>, vector<128x16xf32>
      %dot_general3A_54 = arith.constant dense<0.000000e+00> : vector<128x16xf32>
      %dot_general3A_55 = tpu.matmul %get3A_50, %get3A_53, %dot_general3A_54 {dimension_numbers = #tpu.dot_dimension_numbers<[1], [0], [0], [1], [0, 0, 1, 1], [], []>, transpose_lhs_hint = false} : vector<128x128xf32>, vector<128x16xf32>, vector<128x16xf32> -> vector<128x16xf32>
      %add3A_56 = arith.addf %get3A_47, %dot_general3A_55 : vector<128x16xf32>
      %get3A_57 = arith.constant 0 : index
      %get3A_58 = arith.constant 0 : index
      %get3A_59 = vector.load %arg9[%get3A_57, %get3A_58] : memref<128x1xf32, #tpu.memory_space<vmem>>, vector<128x1xf32>
      %add3A_60 = vector.broadcast %get3A_59 : vector<128x1xf32> to vector<128x16xf32>
      %add3A_61 = arith.addf %add3A_44, %add3A_60 : vector<128x16xf32>
      %tanh3A = math.tanh %add3A_61 : vector<128x16xf32>
      %get3A_62 = arith.constant 0 : index
      %get3A_63 = arith.constant 0 : index
      %get3A_64 = vector.load %arg10[%get3A_62, %get3A_63] : memref<128x1xf32, #tpu.memory_space<vmem>>, vector<128x1xf32>
      %add3A_65 = vector.broadcast %get3A_64 : vector<128x1xf32> to vector<128x16xf32>
      %add3A_66 = arith.addf %add3A_56, %add3A_65 : vector<128x16xf32>
      %tanh3A_67 = math.tanh %add3A_66 : vector<128x16xf32>
      %concatenate3A = tpu.concatenate %tanh3A, %tanh3A_67 in 0 : vector<128x16xf32>, vector<128x16xf32> -> vector<256x16xf32>
      %get3A_68 = arith.constant 0 : index
      %get3A_69 = arith.constant 0 : index
      %get3A_70 = vector.load %arg11[%get3A_68, %get3A_69] : memref<128x256xf32, #tpu.memory_space<vmem>>, vector<128x256xf32>
      %dot_general3A_71 = arith.constant dense<0.000000e+00> : vector<16x128xf32>
      %dot_general3A_72 = tpu.matmul %concatenate3A, %get3A_70, %dot_general3A_71 {dimension_numbers = #tpu.dot_dimension_numbers<[0], [1], [1], [0], [0, 1, 1, 0], [], []>, transpose_lhs_hint = false} : vector<256x16xf32>, vector<128x256xf32>, vector<16x128xf32> -> vector<16x128xf32>
      %swap3A_73 = arith.constant 0 : index
      %swap3A_74 = arith.constant 0 : index
      %swap3A_75 = vector.load %arg12[%swap3A_73, %swap3A_74] : memref<16x128xf32, #tpu.memory_space<vmem>>, vector<16x128xf32>
      tpu.vector_store %arg12[%swap3A_73, %swap3A_74], %dot_general3A_72 {strides = array<i32>} : memref<16x128xf32, #tpu.memory_space<vmem>>, vector<16x128xf32>,
    } else {
    }
    return
  }
  func.func @transform_0(%arg0: i32) -> (i32, i32) {
    %c0_i32 = arith.constant 0 : i32
    %c0_i32_0 = arith.constant 0 : i32
    return %c0_i32, %arg0 : i32, i32
  }
  func.func @transform_1(%arg0: i32) -> (i32, i32) {
    %c0_i32 = arith.constant 0 : i32
    %c0_i32_0 = arith.constant 0 : i32
    return %arg0, %c0_i32 : i32, i32
  }
  func.func @transform_2(%arg0: i32) -> (i32, i32) {
    %c0_i32 = arith.constant 0 : i32
    %c0_i32_0 = arith.constant 0 : i32
    return %c0_i32, %arg0 : i32, i32
  }
  func.func @transform_3(%arg0: i32) -> (i32, i32) {
    %c0_i32 = arith.constant 0 : i32
    %c0_i32_0 = arith.constant 0 : i32
    return %arg0, %c0_i32 : i32, i32
  }
  func.func @transform_4(%arg0: i32) -> (i32, i32) {
    %c0_i32 = arith.constant 0 : i32
    %c0_i32_0 = arith.constant 0 : i32
    %c0_i32_1 = arith.constant 0 : i32
    return %c0_i32, %c0_i32_0 : i32, i32
  }
  func.func @transform_5(%arg0: i32) -> (i32, i32) {
    %c234_i32 = arith.constant 234 : i32
    %c0_i32 = arith.constant 0 : i32
    %c0_i32_0 = arith.constant 0 : i32
    return %c234_i32, %c0_i32 : i32, i32
  }
  func.func @transform_6(%arg0: i32) -> (i32, i32) {
    %c0_i32 = arith.constant 0 : i32
    %c0_i32_0 = arith.constant 0 : i32
    %c0_i32_1 = arith.constant 0 : i32
    return %c0_i32, %c0_i32_0 : i32, i32
  }
  func.func @transform_7(%arg0: i32) -> (i32, i32) {
    %c468_i32 = arith.constant 468 : i32
    %c0_i32 = arith.constant 0 : i32
    %c0_i32_0 = arith.constant 0 : i32
    return %c468_i32, %c0_i32 : i32, i32
  }
  func.func @transform_8(%arg0: i32) -> (i32, i32) {
    %c0_i32 = arith.constant 0 : i32
    %c0_i32_0 = arith.constant 0 : i32
    %c0_i32_1 = arith.constant 0 : i32
    return %c0_i32, %c0_i32_0 : i32, i32
  }
  func.func @transform_9(%arg0: i32) -> (i32, i32) {
    %c0_i32 = arith.constant 0 : i32
    %c0_i32_0 = arith.constant 0 : i32
    %c0_i32_1 = arith.constant 0 : i32
    return %c0_i32, %c0_i32_0 : i32, i32
  }
  func.func @transform_10(%arg0: i32) -> (i32, i32) {
    %c0_i32 = arith.constant 0 : i32
    %c0_i32_0 = arith.constant 0 : i32
    %c0_i32_1 = arith.constant 0 : i32
    return %c0_i32, %c0_i32_0 : i32, i32
  }
  func.func @transform_11(%arg0: i32) -> (i32, i32) {
    %c0_i32 = arith.constant 0 : i32
    %c0_i32_0 = arith.constant 0 : i32
    %c0_i32_1 = arith.constant 0 : i32
    return %c0_i32, %c0_i32_0 : i32, i32
  }
}

</mosaic_0001>

<sc_bundles>
// kernel: kernel.10.cloned.1.call-start
scs
__scs_entry_jumppad:
0x0: {  	(pc) =	sbr.rel $0x88, $3  }
0x1: {  	(tag) =	ssettag $0x0;
	lr =	simm.s32 $0x1  }
0x2: {  	[smem:$0x3F94] =	sst lr;
	_ =	strace $0xD0000000  }
0x3: {  	_ = 	snop  }
0x4: {  	_ = 	snop  }
0x5: {  	_ = 	snop  }
0x6: {  	_ = 	snop  }
0x7: {  	_ = 	snop  }
__scs_overlays_trampoline_lowered:
0x8: {  	[smem:$0x3FA3] =	sst s0  }
0x9: {  	[smem:$0x3FA4] =	sst s1  }
0xa: {  	[smem:$0x3FA5] =	sst s2  }
0xb: {  	[smem:$0x3FA6] =	sst s3  }
0xc: {  	[smem:$0x3FA7] =	sst s4  }
0xd: {  	[smem:$0x3FA8] =	sst s5  }
0xe: {  	[smem:$0x3FA9] =	sst s6  }
0xf: {  	[smem:$0x3FAA] =	sst s7  }
0x10: {  	[smem:$0x3FAB] =	sst s8  }
0x11: {  	[smem:$0x3FAC] =	sst s9;
	s0 =	simm.s32 @!p0 $0x0  }
0x12: {  	s1 =	sld [smem:$0x3F92];
	s0 =	simm.s32 @p0 $0x1  }
0x13: {  	[smem:$0x3FAD] =	sst s0;
	s0 =	simm.s32 @!p1 $0x0  }
0x14: {  	s2 =	sld [smem:$0x3F91];
	s0 =	simm.s32 @p1 $0x1  }
0x15: {  	[smem:$0x3FAE] =	sst s0;
	s0 =	simm.s32 @!p2 $0x0  }
0x16: {  	s3 =	sld [smem:$0x3FDB];
	s0 =	simm.s32 @p2 $0x1  }
0x17: {  	s4 =	simm.s32 $0x1BF5;
	[smem:$0x3FB0] =	sst s0  }
0x18: {  	s0 =	sld [smem:$0x3F93];
	_ =	swait.ge [sflag:s4], $0x0  }
0x19: {  	s7 =	sld [smem:$0x3F94]  }
0x1a: {  	s8 =	sadd.s32 $0xFFFFE003, lr  }
0x1b: {  	s9 =	sadd.s32 $0xFFFFFEF7, lr;
	s5 =	simm.s32 $0xFFFFFFFF;
	p2 =	slt.u32 s8, $0xFFFFF086  }
0x1c: {  	p1 =	slt.u32 s9, $0xF7A;
	s5 =	simm.s32 @!p2 $0x0  }
0x1d: {  	s5 =	simm.s32 @p1 $0x1;
	p0 =	seq.s32 s7, s2  }
0x1e: {  	s7 =	smul.u32 @!p0 $0xF7A, s2;
	p2 =	seq.s32 @!p0 s5, $0x0  }
0x1f: {  	s9 =	smul.u32 $0xF7A, s1;
	s8 =	simm.s32 @!p0 $0x1BF5;
	p2 =	por !p2, p0  }
0x20: {  	[sflag:s8] =	ssyncset.s32 @!p0 $0xFFFFF086;
	s6 =	sadd.s32 @!p0 s3, s7;
	s7 =	simm.s32 @!p0 $0x108  }
0x21: {  	s3 =	sadd.s32 s3, s9;
	s6 =	sadd.s32 @!p0 $0x88, s6;
	s7 =	simm.s32 @p2 $0x1082  }
0x22: {  	[simem:s7], [sflag:s8] =	dma.local @!p0 [hbm:s6], $0xF7A  }
0x23: {  	s9 =	sor.u32 $0xD0000000, s2;
	s6 =	simm.s32 $0x108;
	_ =	swait.ge @!p0 [sflag:s8], $0x0  }
0x24: {  	s3 =	sadd.s32 $0x88, s3;
	s6 =	simm.s32 @!p1 $0x1082;
	[sflag:s4] =	ssyncset.s32 $0xFFFFF086  }
0x25: {  	[simem:s6], [sflag:s4] =	dma.local [hbm:s3], $0xF7A  }
0x26: {  	[smem:$0x3F94] =	sst s1;
	(tag) =	ssettag s2;
	_ =	strace s9  }
0x27: {  	s1 =	sld [smem:$0x3FA4]  }
0x28: {  	s2 =	sld [smem:$0x3FA5]  }
0x29: {  	s4 =	sld [smem:$0x3FA7]  }
0x2a: {  	p0 =	seq.s32 s5, $0x0;
	s5 =	sld [smem:$0x3FA8]  }
0x2b: {  	s6 =	sld [smem:$0x3FA9]  }
0x2c: {  	s7 =	sld [smem:$0x3FAA]  }
0x2d: {  	s3 =	simm.s32 $0x108;
	s8 =	sld [smem:$0x3FAB]  }
0x2e: {  	s3 =	simm.s32 @!p0 $0x1082;
	s9 =	sld [smem:$0x3FAC]  }
0x2f: {  	lr =	sadd.s32 s0, s3;
	s0 =	sld [smem:$0x3FA3]  }
0x30: {  	s3 =	sld [smem:$0x3FA6]  }
0x31: {  	[smem:$0x3FAF] =	sst s10  }
0x32: {  	s10 =	sld [smem:$0x3FAD];
	_ =	sdelay $0x3  }
0x33: {  	p0 =	seq.s32 s10, $0x1;
	s10 =	sld [smem:$0x3FAF];
	_ =	sdelay $0x3  }
0x34: {  	[smem:$0x3FAF] =	sst s10  }
0x35: {  	s10 =	sld [smem:$0x3FAE];
	_ =	sdelay $0x3  }
0x36: {  	p1 =	seq.s32 s10, $0x1;
	s10 =	sld [smem:$0x3FAF];
	_ =	sdelay $0x3  }
0x37: {  	[smem:$0x3FAF] =	sst s10  }
0x38: {  	s10 =	sld [smem:$0x3FB0]  }
0x39: {  	_ = 	snop;
	(pc) =	sbr.ind lr, $3  }
0x3a: {  	_ = 	snop  }
0x3b: {  	_ = 	snop  }
0x3c: {  	p2 =	seq.s32 s10, $0x1;
	s10 =	sld [smem:$0x3FAF]  }
0x3d: {  	_ =	shalt  }
0x3e: {  	_ =	shalt  }
0x3f: {  	_ =	shalt  }
0x40: {  	_ =	shalt  }
0x41: {  	_ =	shalt  }
0x42: {  	_ =	shalt  }
0x43: {  	_ =	shalt  }
0x44: {  	_ =	shalt  }
0x45: {  	_ =	shalt  }
0x46: {  	_ =	shalt  }
0x47: {  	_ =	shalt  }
0x48: {  	_ =	shalt  }
0x49: {  	_ =	shalt  }
0x4a: {  	_ =	shalt  }
0x4b: {  	_ =	shalt  }
0x4c: {  	_ =	shalt  }
0x4d: {  	_ =	shalt  }
0x4e: {  	_ =	shalt  }
0x4f: {  	_ =	shalt  }
0x50: {  	_ =	shalt  }
0x51: {  	_ =	shalt  }
0x52: {  	_ =	shalt  }
0x53: {  	_ =	shalt  }
0x54: {  	_ =	shalt  }
0x55: {  	_ =	shalt  }
0x56: {  	_ =	shalt  }
0x57: {  	_ =	shalt  }
0x58: {  	_ =	shalt  }
0x59: {  	_ =	shalt  }
0x5a: {  	_ =	shalt  }
0x5b: {  	_ =	shalt  }
0x5c: {  	_ =	shalt  }
0x5d: {  	_ =	shalt  }
0x5e: {  	_ =	shalt  }
0x5f: {  	_ =	shalt  }
0x60: {  	_ =	shalt  }
0x61: {  	_ =	shalt  }
0x62: {  	_ =	shalt  }
0x63: {  	_ =	shalt  }
0x64: {  	_ =	shalt  }
0x65: {  	_ =	shalt  }
0x66: {  	_ =	shalt  }
0x67: {  	_ =	shalt  }
0x68: {  	_ =	shalt  }
0x69: {  	_ =	shalt  }
0x6a: {  	_ =	shalt  }
0x6b: {  	_ =	shalt  }
0x6c: {  	_ =	shalt  }
0x6d: {  	_ =	shalt  }
0x6e: {  	_ =	shalt  }
0x6f: {  	_ =	shalt  }
0x70: {  	_ =	shalt  }
0x71: {  	_ =	shalt  }
0x72: {  	_ =	shalt  }
0x73: {  	_ =	shalt  }
0x74: {  	_ =	shalt  }
0x75: {  	_ =	shalt  }
0x76: {  	_ =	shalt  }
0x77: {  	_ =	shalt  }
0x78: {  	_ =	shalt  }
0x79: {  	_ =	shalt  }
0x7a: {  	_ =	shalt  }
0x7b: {  	_ =	shalt  }
0x7c: {  	_ =	shalt  }
0x7d: {  	_ =	shalt  }
0x7e: {  	_ =	shalt  }
0x7f: {  	_ =	shalt  }
0x80: {  	_ =	shalt  }
0x81: {  	_ =	shalt  }
0x82: {  	_ =	shalt  }
0x83: {  	_ =	shalt  }
0x84: {  	_ =	shalt  }
0x85: {  	_ =	shalt  }
0x86: {  	_ =	shalt  }
0x87: {  	_ =	shalt  }
.Lfunc_end0:
.L_simem_size_0:
called_computation_lowered:
.L_overlay_start_0:
0x88: {  	s2 =	sld [smem:$0x3FD9]  }
0x89: {  	s3 =	sld [smem:$0x3FFE];
	_ =	sdelay $0x1  }
0x8a: {  	s1 =	srdreg.scid  }
0x8b: {  	s0 =	sand.u32 $0x1, s1  }
0x8c: {  	s16 =	sshll.u32 s0, $0xA;
	s2 =	sadd.s32 s3, s2  }
0x8d: {  	s2 =	sadd.s32 s2, s16  }
0x8e: {  	[smem:$0x3FBB] =	sst s2  }
0x8f: {  	_ = 	snop  }
0x90: {  	(tm) =	ssettm $0x1  }
0x91: {  	s17 =	sld [smem:$0x3FFB];
	_ =	sdelay $0x3  }
0x92: {  	_ =	strace s17  }
0x93: {  	s2 =	sld [smem:$0x3FFC];
	_ =	sdelay $0x3  }
0x94: {  	_ =	strace s2  }
0x95: {  	s2 =	sld [smem:$0x3FFD];
	_ =	sdelay $0x3  }
0x96: {  	_ =	strace s2  }
0x97: {  	_ =	strace $0x8FFFFFFF  }
0x98: {  	s18 =	sld [smem:$0x3FDB];
	_ =	sdelay $0x1  }
0x99: {  	s19 =	simm.s32 $_scs_section_size  }
0x9a: {  	s4 =	simm.s32 $_size__tile_overlayer_lowered;
	s5 =	simm.s32 $_tile_overlayer_lowered  }
0x9b: {  	s22 =	simm.s32 $0x1BFF;
	s21 =	sshll.u32 s5, $0x1;
	s2 =	sadd.s32 s19, s18  }
0x9c: {  	s6 =	simm.s32 $0x0;
	s20 =	sshll.u32 s4, $0x1;
	s4 =	sadd.s32 s21, s2  }
0x9d: {  	[timem:s6], [sflag:s22] =	dma.local [hbm:s4], s20  }
0x9e: {  	_ =	swait.ge [sflag:s22], s20  }
0x9f: {  	s3 =	ssub.s32 $0x0, s20;
	[sflag:s22] =	ssyncset.done $0x0  }
0xa0: {  	[sflag:s22] =	ssyncadd.s32 s3;
	_ =	sdelay $0x1  }
0xa1: {  	s23 =	simm.s32 $0x1B8B  }
0xa2: {  	_ =	swait.ge [sflag:s23], $0x1  }
0xa3: {  	[sflag:s23] =	ssyncset.done $0x0  }
0xa4: {  	s25 =	simm.s32 $0x1B8E;
	s24 =	sld [smem:$0x3FFE];
	[sflag:s23] =	ssyncadd.s32 $0xFFFFFFFF  }
0xa5: {  	s26 =	simm.s32 $execute0_lowered;
	[smem:$0x3FD2] =	sst s25  }
0xa6: {  	s4 =	sshll.u32 s26, $0x1;
	_ =	strace $0x80000046;
	[dreg:$0x1] =	wrdreg $0xFFFFFFFF  }
0xa7: {  	s28 =	simm.s32 $_size_execute0_lowered;
	s2 =	sadd.s32 s2, s4;
	[dreg:$0x0] =	wrdreg $0x0  }
0xa8: {  	s4 =	sshll.u32 s28, $0x1;
	[dreg:$0x2] =	wrdreg s2  }
0xa9: {  	[dreg:$0x3] =	wrdreg s4  }
0xaa: {  	[dreg:$0x4] =	wrdreg $0xC0  }
0xab: {  	_ =	task [dreg:s6], $0x5FFFF  }
0xac: {  	[dreg:$0x1] =	wrdreg $0xFFFFFFFF  }
0xad: {  	[dreg:$0x0] =	wrdreg $0x60  }
0xae: {  	[dreg:$0x2] =	wrdreg s24  }
0xaf: {  	[dreg:$0x3] =	wrdreg $0x9  }
0xb0: {  	_ =	task.clear_ibuf [dreg:s6], $0x4FFFF;
	_ =	strace $0x90000046  }
0xb1: {  	s29 =	simm.s32 $0x9;
	_ =	strace $0x80000048  }
0xb2: {  	_ =	swait.ge [sflag:s29], $0x1  }
0xb3: {  	[sflag:s29] =	ssyncadd.s32 $0xFFFFFFFF  }
0xb4: {  	_ =	strace $0x90000048  }
0xb5: {  	_ =	sfence  }
0xb6: {  	s30 =	sld [smem:$0x0];
	_ =	sdelay $0x2  }
0xb7: {  	s31 =	sshll.u32 s1, $0xD;
	s1 =	sshrl.u32 s1, $0x2  }
0xb8: {  	s3 =	sand.u32 $0x4000, s31;
	s1 =	sadd.s32 s1, s30  }
0xb9: {  	s0 =	sor.u32 s3, s0;
	s1 =	sshll.u32 s1, $0x11  }
0xba: {  	s0 =	sor.u32 s1, s0  }
0xbb: {  	s0 =	sadd.s32 $0x8F2B, s0  }
0xbc: {  	[sflag:s0] =	ssyncadd.remote.s32 $0x1  }
0xbd: {  	_ =	sfence.sel $0xFFFF  }
0xbe: {  	[dreg:$0x0] =	wrdreg $0xFFFFFFFF;
	(pc) =	sbr.abs _section_cstart, $3  }
0xbf: {  	[dreg:$0x1] =	wrdreg $0xFFFFFFFF  }
0xc0: {  	_ =	task.clear_ibuf [dreg:s6], $0x2FFFF;
	_ =	strace $0x9FFFFFFF  }
0xc1: {  	(tm) =	ssettm $0x7FFFFFFF  }
tec
execute0_lowered:
.L_overlay_start_1:
0x0: {  	(tag) =	ssettag $0x1  }
0x1: {  	s0 =	srdreg.scid  }
0x2: {  	s4 =	rddreg [dreg:$0x0];
	s2 =	simm.s32 $0x0;
	s3 =	sand.u32 $0x1, s0  }
0x3: {  	s8 =	simm.s32 $0x2800;
	s0 =	stileid.u32;
	s1 =	sshll.u32 s3, $0x4  }
0x4: {  	s9 =	simm.s32 $0x80;
	s10 =	simm.s32 $0x400;
	s5 =	sor.u32 s0, s1  }
0x5: {  	s11 =	simm.s32 $0x0;
	[smem:$0x7FF] =	sst s2;
	s6 =	sshrl.u32 s5, $0x3  }
0x6: {  	s7 =	sshll.u32 s0, $0x7;
	s30 =	ssub.s32 $0x2, s3;
	s6 =	smul.u32 $0x14000, s6  }
0x7: {  	s3 =	sadd.s32 $0x1A000, s4;
	s7 =	sand.u32 $0x380, s7;
	s5 =	smul.u32 $0x500, s5  }
0x8: {  	s1 =	rddreg [dreg:$0x1];
	_ =	strace $0x80000047;
	s6 =	sor.u32 s7, s6  }
0x9: {  	s31 =	sshrl.u32 s30, $0x1;
	s5 =	sadd.s32 s5, s4;
	s6 =	sshrl.u32 s6, $0x3  }
0xa: {  	s7 =	ssub.s32 s30, s31;
	s6 =	sadd.s32 s6, s4;
	s4 =	sadd.s32 $0x6000, s5  }
0xb: {  	v0 =	vimm.f32 $1.000000000e+00;
	s5 =	sadd.s32 $0x1A600, s6;
	s6 =	smax.u32 s7, $0x1;
	s7 =	simm.s32 $0x1  }
.LBB2_1:
0xc: {  	[tilespmem:s2], [sflag:$0x1] =	stream.linear.gather [hbm4b:s3+s2], $0x2800, $0x38;
	[tilespmem:$0x5000] =	vst v63  }
0xd: {  	_ =	swait.ge [sflag:s7], $0x2800  }
0xe: {  	[sflag:s7] =	ssyncset.done $0x0  }
0xf: {  	[sflag:s7] =	ssyncadd.s32 $0xFFFFD800  }
0x10: {  	[tilespmem:s8], [sflag:$0x1] =	stream.linear.gather [hbm4b:s4+s2], $0x2800, $0x38;
	[tilespmem:$0x5000] =	vst v63  }
0x11: {  	_ =	swait.ge [sflag:s7], $0x2800  }
0x12: {  	[sflag:s7] =	ssyncset.done $0x0  }
0x13: {  	s12 =	simm.s32 $0x1C0;
	[sflag:s7] =	ssyncadd.s32 $0xFFFFD800  }
.LBB2_2:
0x14: {  	s13 =	sshra.s32 s12, $0x2  }
0x15: {  	v1 =	vld [tilespmem:s13+$0x2790];
	_ =	sdelay $0x7  }
0x16: {  	[tilespmem:v1+s2+$0x0] =	vst.idx.add.f32.msk $0xffff, v0  }
0x17: {  	v1 =	vld [tilespmem:s13+$0x27A0];
	_ =	sdelay $0x7  }
0x18: {  	[tilespmem:v1+s2+$0x0] =	vst.idx.add.f32.msk $0xffff, v0  }
0x19: {  	v1 =	vld [tilespmem:s13+$0x27B0];
	_ =	sdelay $0x7  }
0x1a: {  	[tilespmem:v1+s2+$0x0] =	vst.idx.add.f32.msk $0xffff, v0  }
0x1b: {  	v1 =	vld [tilespmem:s13+$0x27C0];
	_ =	sdelay $0x7  }
0x1c: {  	[tilespmem:v1+s2+$0x0] =	vst.idx.add.f32.msk $0xffff, v0  }
0x1d: {  	v1 =	vld [tilespmem:s13+$0x27D0];
	_ =	sdelay $0x7  }
0x1e: {  	[tilespmem:v1+s2+$0x0] =	vst.idx.add.f32.msk $0xffff, v0  }
0x1f: {  	v1 =	vld [tilespmem:s13+$0x27E0];
	_ =	sdelay $0x7  }
0x20: {  	[tilespmem:v1+s2+$0x0] =	vst.idx.add.f32.msk $0xffff, v0  }
0x21: {  	v1 =	vld [tilespmem:s13+$0x27F0];
	_ =	sdelay $0x7  }
0x22: {  	[tilespmem:v1+s2+$0x0] =	vst.idx.add.f32.msk $0xffff, v0  }
0x23: {  	v1 =	vld [tilespmem:s13+$0x2800];
	_ =	sdelay $0x2  }
0x24: {  	p0 =	sne.s32 s12, $0x9FC0  }
.Ltmp0:
0x25: {  	_ = 	snop;
	(pc) =	sbr.rel @p0 .LBB2_2-.Ltmp0, $2  }
0x26: {  	_ =	sdelay $0x2  }
0x27: {  	s12 =	sadd.s32 $0x200, s12;
	[tilespmem:v1+s2+$0x0] =	vst.idx.add.f32.msk $0xffff, v0  }
0x28: {  	s11 =	sadd.s32 $0x1, s11  }
0x29: {  	p0 =	sne.s32 s11, s6  }
.Ltmp1:
0x2a: {  	_ = 	snop;
	(pc) =	sbr.rel @p0 .LBB2_1-.Ltmp1, $4  }
0x2b: {  	[hbm4b:s5+s9] =	stream.strided.scatter [tilespmem:s2], [sflag:$0x1], $0x2800, s10, s9, $0x38;
	[tilespmem:$0x5000] =	vst v63  }
0x2c: {  	_ =	swait.ge [sflag:s7], $0x2800  }
0x2d: {  	[sflag:s7] =	ssyncset.done $0x0  }
0x2e: {  	[sflag:s7] =	ssyncadd.s32 $0xFFFFD800  }
0x2f: {  	_ =	sfence.sel $0x180000  }
0x30: {  	[bflag:$0x0] =	sbarrier.arrive $0xFFFF  }
0x31: {  	p0 =	sne.s32 s0, $0x0;
	_ =	strace $0x90000047  }
0x32: {  	s0 =	sadd.s32 @!p0 $0x100000, s1;
	[bflag:$0x2] =	sbarrier.arrive $0xFFFF  }
0x33: {  	[sflag:s0] =	ssyncadd.tile.s32 @!p0 $0x1;
	_ =	shalt  }
.Lfunc_end2:
_tile_overlayer_lowered:
.L_overlay_start_2:
0x34: {  	(tag) =	ssettag $0x2  }
0x35: {  	s0 =	rddreg [dreg:$0x0];
	s2 =	stileid.u32  }
0x36: {  	s1 =	rddreg [dreg:$0x1];
	p0 =	sne.s32 s2, $0x0  }
0x37: {  	s3 =	rddreg [dreg:$0x2];
	[bflag:$0x3] =	sbarrier.arrive $0xFFFF;
	s2 =	simm.s32 @!p0 $0x1C01  }
0x38: {  	[timem:s3], [sflag:s2] =	dma.local @!p0 [hbm:s0], s1  }
0x39: {  	s0 =	simm.s32 @!p0 $0x1  }
0x3a: {  	_ =	swait.ge @!p0 [sflag:s0], s1  }
0x3b: {  	s1 =	ssub.s32 @!p0 $0x0, s1;
	[sflag:s0] =	ssyncset.done @!p0 $0x0  }
0x3c: {  	[sflag:s0] =	ssyncadd.s32 @!p0 s1  }
0x3d: {  	[bflag:$0x3] =	sbarrier.arrive $0xFFFF  }
0x3e: {  	_ =	shalt  }

// kernel: kernel.13.cloned.1.call-start
scs
__scs_entry_jumppad:
0x0: {  	(pc) =	sbr.rel $0x88, $3  }
0x1: {  	(tag) =	ssettag $0x0;
	lr =	simm.s32 $0x1  }
0x2: {  	[smem:$0x3F94] =	sst lr;
	_ =	strace $0xD0000000  }
0x3: {  	_ = 	snop  }
0x4: {  	_ = 	snop  }
0x5: {  	_ = 	snop  }
0x6: {  	_ = 	snop  }
0x7: {  	_ = 	snop  }
__scs_overlays_trampoline_lowered:
0x8: {  	[smem:$0x3FA3] =	sst s0  }
0x9: {  	[smem:$0x3FA4] =	sst s1  }
0xa: {  	[smem:$0x3FA5] =	sst s2  }
0xb: {  	[smem:$0x3FA6] =	sst s3  }
0xc: {  	[smem:$0x3FA7] =	sst s4  }
0xd: {  	[smem:$0x3FA8] =	sst s5  }
0xe: {  	[smem:$0x3FA9] =	sst s6  }
0xf: {  	[smem:$0x3FAA] =	sst s7  }
0x10: {  	[smem:$0x3FAB] =	sst s8  }
0x11: {  	[smem:$0x3FAC] =	sst s9;
	s0 =	simm.s32 @!p0 $0x0  }
0x12: {  	s1 =	sld [smem:$0x3F92];
	s0 =	simm.s32 @p0 $0x1  }
0x13: {  	[smem:$0x3FAD] =	sst s0;
	s0 =	simm.s32 @!p1 $0x0  }
0x14: {  	s2 =	sld [smem:$0x3F91];
	s0 =	simm.s32 @p1 $0x1  }
0x15: {  	[smem:$0x3FAE] =	sst s0;
	s0 =	simm.s32 @!p2 $0x0  }
0x16: {  	s3 =	sld [smem:$0x3FDB];
	s0 =	simm.s32 @p2 $0x1  }
0x17: {  	s4 =	simm.s32 $0x1BF5;
	[smem:$0x3FB0] =	sst s0  }
0x18: {  	s0 =	sld [smem:$0x3F93];
	_ =	swait.ge [sflag:s4], $0x0  }
0x19: {  	s7 =	sld [smem:$0x3F94]  }
0x1a: {  	s8 =	sadd.s32 $0xFFFFE003, lr  }
0x1b: {  	s9 =	sadd.s32 $0xFFFFFEF7, lr;
	s5 =	simm.s32 $0xFFFFFFFF;
	p2 =	slt.u32 s8, $0xFFFFF086  }
0x1c: {  	p1 =	slt.u32 s9, $0xF7A;
	s5 =	simm.s32 @!p2 $0x0  }
0x1d: {  	s5 =	simm.s32 @p1 $0x1;
	p0 =	seq.s32 s7, s2  }
0x1e: {  	s7 =	smul.u32 @!p0 $0xF7A, s2;
	p2 =	seq.s32 @!p0 s5, $0x0  }
0x1f: {  	s9 =	smul.u32 $0xF7A, s1;
	s8 =	simm.s32 @!p0 $0x1BF5;
	p2 =	por !p2, p0  }
0x20: {  	[sflag:s8] =	ssyncset.s32 @!p0 $0xFFFFF086;
	s6 =	sadd.s32 @!p0 s3, s7;
	s7 =	simm.s32 @!p0 $0x108  }
0x21: {  	s3 =	sadd.s32 s3, s9;
	s6 =	sadd.s32 @!p0 $0x88, s6;
	s7 =	simm.s32 @p2 $0x1082  }
0x22: {  	[simem:s7], [sflag:s8] =	dma.local @!p0 [hbm:s6], $0xF7A  }
0x23: {  	s9 =	sor.u32 $0xD0000000, s2;
	s6 =	simm.s32 $0x108;
	_ =	swait.ge @!p0 [sflag:s8], $0x0  }
0x24: {  	s3 =	sadd.s32 $0x88, s3;
	s6 =	simm.s32 @!p1 $0x1082;
	[sflag:s4] =	ssyncset.s32 $0xFFFFF086  }
0x25: {  	[simem:s6], [sflag:s4] =	dma.local [hbm:s3], $0xF7A  }
0x26: {  	[smem:$0x3F94] =	sst s1;
	(tag) =	ssettag s2;
	_ =	strace s9  }
0x27: {  	s1 =	sld [smem:$0x3FA4]  }
0x28: {  	s2 =	sld [smem:$0x3FA5]  }
0x29: {  	s4 =	sld [smem:$0x3FA7]  }
0x2a: {  	p0 =	seq.s32 s5, $0x0;
	s5 =	sld [smem:$0x3FA8]  }
0x2b: {  	s6 =	sld [smem:$0x3FA9]  }
0x2c: {  	s7 =	sld [smem:$0x3FAA]  }
0x2d: {  	s3 =	simm.s32 $0x108;
	s8 =	sld [smem:$0x3FAB]  }
0x2e: {  	s3 =	simm.s32 @!p0 $0x1082;
	s9 =	sld [smem:$0x3FAC]  }
0x2f: {  	lr =	sadd.s32 s0, s3;
	s0 =	sld [smem:$0x3FA3]  }
0x30: {  	s3 =	sld [smem:$0x3FA6]  }
0x31: {  	[smem:$0x3FAF] =	sst s10  }
0x32: {  	s10 =	sld [smem:$0x3FAD];
	_ =	sdelay $0x3  }
0x33: {  	p0 =	seq.s32 s10, $0x1;
	s10 =	sld [smem:$0x3FAF];
	_ =	sdelay $0x3  }
0x34: {  	[smem:$0x3FAF] =	sst s10  }
0x35: {  	s10 =	sld [smem:$0x3FAE];
	_ =	sdelay $0x3  }
0x36: {  	p1 =	seq.s32 s10, $0x1;
	s10 =	sld [smem:$0x3FAF];
	_ =	sdelay $0x3  }
0x37: {  	[smem:$0x3FAF] =	sst s10  }
0x38: {  	s10 =	sld [smem:$0x3FB0]  }
0x39: {  	_ = 	snop;
	(pc) =	sbr.ind lr, $3  }
0x3a: {  	_ = 	snop  }
0x3b: {  	_ = 	snop  }
0x3c: {  	p2 =	seq.s32 s10, $0x1;
	s10 =	sld [smem:$0x3FAF]  }
0x3d: {  	_ =	shalt  }
0x3e: {  	_ =	shalt  }
0x3f: {  	_ =	shalt  }
0x40: {  	_ =	shalt  }
0x41: {  	_ =	shalt  }
0x42: {  	_ =	shalt  }
0x43: {  	_ =	shalt  }
0x44: {  	_ =	shalt  }
0x45: {  	_ =	shalt  }
0x46: {  	_ =	shalt  }
0x47: {  	_ =	shalt  }
0x48: {  	_ =	shalt  }
0x49: {  	_ =	shalt  }
0x4a: {  	_ =	shalt  }
0x4b: {  	_ =	shalt  }
0x4c: {  	_ =	shalt  }
0x4d: {  	_ =	shalt  }
0x4e: {  	_ =	shalt  }
0x4f: {  	_ =	shalt  }
0x50: {  	_ =	shalt  }
0x51: {  	_ =	shalt  }
0x52: {  	_ =	shalt  }
0x53: {  	_ =	shalt  }
0x54: {  	_ =	shalt  }
0x55: {  	_ =	shalt  }
0x56: {  	_ =	shalt  }
0x57: {  	_ =	shalt  }
0x58: {  	_ =	shalt  }
0x59: {  	_ =	shalt  }
0x5a: {  	_ =	shalt  }
0x5b: {  	_ =	shalt  }
0x5c: {  	_ =	shalt  }
0x5d: {  	_ =	shalt  }
0x5e: {  	_ =	shalt  }
0x5f: {  	_ =	shalt  }
0x60: {  	_ =	shalt  }
0x61: {  	_ =	shalt  }
0x62: {  	_ =	shalt  }
0x63: {  	_ =	shalt  }
0x64: {  	_ =	shalt  }
0x65: {  	_ =	shalt  }
0x66: {  	_ =	shalt  }
0x67: {  	_ =	shalt  }
0x68: {  	_ =	shalt  }
0x69: {  	_ =	shalt  }
0x6a: {  	_ =	shalt  }
0x6b: {  	_ =	shalt  }
0x6c: {  	_ =	shalt  }
0x6d: {  	_ =	shalt  }
0x6e: {  	_ =	shalt  }
0x6f: {  	_ =	shalt  }
0x70: {  	_ =	shalt  }
0x71: {  	_ =	shalt  }
0x72: {  	_ =	shalt  }
0x73: {  	_ =	shalt  }
0x74: {  	_ =	shalt  }
0x75: {  	_ =	shalt  }
0x76: {  	_ =	shalt  }
0x77: {  	_ =	shalt  }
0x78: {  	_ =	shalt  }
0x79: {  	_ =	shalt  }
0x7a: {  	_ =	shalt  }
0x7b: {  	_ =	shalt  }
0x7c: {  	_ =	shalt  }
0x7d: {  	_ =	shalt  }
0x7e: {  	_ =	shalt  }
0x7f: {  	_ =	shalt  }
0x80: {  	_ =	shalt  }
0x81: {  	_ =	shalt  }
0x82: {  	_ =	shalt  }
0x83: {  	_ =	shalt  }
0x84: {  	_ =	shalt  }
0x85: {  	_ =	shalt  }
0x86: {  	_ =	shalt  }
0x87: {  	_ =	shalt  }
.Lfunc_end0:
.L_simem_size_0:
called_computation.1_lowered:
.L_overlay_start_0:
0x88: {  	s2 =	sld [smem:$0x3FD9]  }
0x89: {  	s3 =	sld [smem:$0x3FFE];
	_ =	sdelay $0x1  }
0x8a: {  	s1 =	srdreg.scid  }
0x8b: {  	s0 =	sand.u32 $0x1, s1  }
0x8c: {  	s17 =	sshll.u32 s0, $0xA;
	s2 =	sadd.s32 s3, s2  }
0x8d: {  	s2 =	sadd.s32 s2, s17  }
0x8e: {  	[smem:$0x3FBB] =	sst s2  }
0x8f: {  	_ = 	snop  }
0x90: {  	(tm) =	ssettm $0x1  }
0x91: {  	s18 =	sld [smem:$0x3FFB];
	_ =	sdelay $0x3  }
0x92: {  	_ =	strace s18  }
0x93: {  	s2 =	sld [smem:$0x3FFC];
	_ =	sdelay $0x3  }
0x94: {  	_ =	strace s2  }
0x95: {  	s2 =	sld [smem:$0x3FFD];
	_ =	sdelay $0x3  }
0x96: {  	_ =	strace s2  }
0x97: {  	_ =	strace $0x8FFFFFFF  }
0x98: {  	s19 =	sld [smem:$0x3FDB];
	_ =	sdelay $0x1  }
0x99: {  	s20 =	simm.s32 $_scs_section_size  }
0x9a: {  	s4 =	simm.s32 $_size__tile_overlayer_lowered;
	s5 =	simm.s32 $_tile_overlayer_lowered  }
0x9b: {  	s6 =	simm.s32 $0x1BFF;
	s21 =	sshll.u32 s5, $0x1;
	s3 =	sadd.s32 s20, s19  }
0x9c: {  	s22 =	simm.s32 $0x0;
	s4 =	sshll.u32 s4, $0x1;
	s5 =	sadd.s32 s21, s3  }
0x9d: {  	[timem:s22], [sflag:s6] =	dma.local [hbm:s5], s4  }
0x9e: {  	_ =	swait.ge [sflag:s6], s4  }
0x9f: {  	s4 =	ssub.s32 $0x0, s4;
	[sflag:s6] =	ssyncset.done $0x0  }
0xa0: {  	[sflag:s6] =	ssyncadd.s32 s4;
	_ =	sdelay $0x1  }
0xa1: {  	s23 =	simm.s32 $0x1B8B  }
0xa2: {  	_ =	swait.ge [sflag:s23], $0x1  }
0xa3: {  	[sflag:s23] =	ssyncset.done $0x0  }
0xa4: {  	[sflag:s23] =	ssyncadd.s32 $0xFFFFFFFF  }
0xa5: {  	s4 =	sld [smem:$0x0]  }
0xa6: {  	s5 =	sand.u32 $0xFFFFFFFE, s1  }
0xa7: {  	p0 =	sne.s32 s1, s5  }
0xa8: {  	s5 =	sshll.u32 @p0 s5, $0xE  }
0xa9: {  	s5 =	sadd.s32 @p0 $0x11B8D, s5;
	s6 =	sshll.u32 @p0 s4, $0x11  }
0xaa: {  	s5 =	sor.u32 @p0 s6, s5  }
0xab: {  	[sflag:s5] =	ssyncadd.remote.s32 @p0 $0x1;
	_ =	sdelay $0x1  }
0xac: {  	s5 =	simm.s32 @p0 $0x1B8D  }
0xad: {  	_ =	swait.eq @p0 [sflag:s5], $0x1  }
0xae: {  	[sflag:s5] =	ssyncadd.s32 @p0 $0xFFFFFFFF  }
0xaf: {  	s6 =	sshll.u32 @!p0 s1, $0xE  }
0xb0: {  	s6 =	sor.u32 @!p0 $0x4000, s6;
	s5 =	simm.s32 @!p0 $0x1B8D  }
0xb1: {  	s4 =	sshll.u32 @!p0 s4, $0x11;
	s6 =	sadd.s32 @!p0 $0x11B8D, s6;
	_ =	swait.eq @!p0 [sflag:s5], $0x1  }
0xb2: {  	s4 =	sor.u32 @!p0 s4, s6;
	[sflag:s5] =	ssyncadd.s32 @!p0 $0xFFFFFFFF  }
0xb3: {  	s25 =	simm.s32 $0x1B8E;
	s24 =	sld [smem:$0x3FFE];
	[sflag:s4] =	ssyncadd.remote.s32 @!p0 $0x1  }
0xb4: {  	s26 =	simm.s32 $execute0_lowered;
	[smem:$0x3FD2] =	sst s25  }
0xb5: {  	s5 =	sshll.u32 s26, $0x1;
	_ =	strace $0x8000004C;
	[dreg:$0x1] =	wrdreg $0xFFFFFFFF  }
0xb6: {  	s28 =	simm.s32 $_size_execute0_lowered;
	s3 =	sadd.s32 s3, s5;
	[dreg:$0x0] =	wrdreg $0x0  }
0xb7: {  	s5 =	sshll.u32 s28, $0x1;
	[dreg:$0x2] =	wrdreg s3  }
0xb8: {  	[dreg:$0x3] =	wrdreg s5  }
0xb9: {  	[dreg:$0x4] =	wrdreg $0xC0  }
0xba: {  	_ =	task [dreg:s22], $0x5FFFF  }
0xbb: {  	[dreg:$0x1] =	wrdreg $0xFFFFFFFF  }
0xbc: {  	[dreg:$0x0] =	wrdreg $0x60  }
0xbd: {  	[dreg:$0x2] =	wrdreg s24  }
0xbe: {  	[dreg:$0x3] =	wrdreg $0xA8000  }
0xbf: {  	[dreg:$0x4] =	wrdreg $0x9  }
0xc0: {  	_ =	task.clear_ibuf [dreg:s22], $0x5FFFF;
	_ =	strace $0x9000004C  }
0xc1: {  	s29 =	simm.s32 $0x9;
	_ =	strace $0x8000004E  }
0xc2: {  	_ =	swait.ge [sflag:s29], $0x1  }
0xc3: {  	[sflag:s29] =	ssyncadd.s32 $0xFFFFFFFF  }
0xc4: {  	_ =	strace $0x9000004E  }
0xc5: {  	_ =	sfence  }
0xc6: {  	s30 =	sld [smem:$0x0];
	_ =	sdelay $0x2  }
0xc7: {  	s31 =	sshll.u32 s1, $0xD;
	s1 =	sshrl.u32 s1, $0x2  }
0xc8: {  	s4 =	sand.u32 $0x4000, s31;
	s1 =	sadd.s32 s1, s30  }
0xc9: {  	s0 =	sor.u32 s4, s0;
	s1 =	sshll.u32 s1, $0x11  }
0xca: {  	s0 =	sor.u32 s1, s0  }
0xcb: {  	s0 =	sadd.s32 $0x8F2B, s0  }
0xcc: {  	[sflag:s0] =	ssyncadd.remote.s32 $0x1  }
0xcd: {  	_ =	sfence.sel $0xFFFF  }
0xce: {  	[dreg:$0x0] =	wrdreg $0xFFFFFFFF;
	(pc) =	sbr.abs _section_cstart, $3  }
0xcf: {  	[dreg:$0x1] =	wrdreg $0xFFFFFFFF  }
0xd0: {  	_ =	task.clear_ibuf [dreg:s22], $0x2FFFF;
	_ =	strace $0x9FFFFFFF  }
0xd1: {  	(tm) =	ssettm $0x7FFFFFFF  }
tec
execute0_lowered:
.L_overlay_start_1:
0x0: {  	(tag) =	ssettag $0x1  }
0x1: {  	s10 =	rddreg [dreg:$0x0]  }
0x2: {  	s1 =	rddreg [dreg:$0x1]  }
0x3: {  	s0 =	rddreg [dreg:$0x2];
	s2 =	simm.s32 $0x0;
	s3 =	srdreg.scid  }
0x4: {  	s16 =	simm.s32 $0x10A000;
	s18 =	simm.s32 $0x6800;
	s19 =	simm.s32 $0x1  }
0x5: {  	s20 =	simm.s32 $0x2;
	s21 =	simm.s32 $0x1380;
	s22 =	simm.s32 $0x2700  }
0x6: {  	s23 =	simm.s32 $0x2780;
	s24 =	simm.s32 $0x0;
	[smem:$0x7FF] =	sst s2  }
0x7: {  	s7 =	sand.u32 $0x1, s3;
	s4 =	sadd.s32 $0x42000, s10;
	s3 =	stileid.u32  }
0x8: {  	s9 =	sadd.s32 $0x10000, s10;
	s11 =	sadd.s32 $0x6000, s10;
	_ =	strace $0x8000004D  }
0x9: {  	s5 =	ssub.s32 $0x2, s7;
	s8 =	smul.u32 $0x50000, s3;
	s26 =	sshll.u32 s7, $0x4  }
0xa: {  	s14 =	smul.u32 $0x2800, s3;
	s29 =	sshll.u32 s3, $0x6;
	p0 =	seq.s32 s7, $0x1  }
0xb: {  	s6 =	sshrl.u32 s5, $0x1;
	s13 =	sor.u32 s3, s26;
	s16 =	simm.s32 @!p0 $0xE2000  }
0xc: {  	s12 =	ssub.s32 s5, s6;
	s28 =	sshrl.u32 s8, $0x2;
	s30 =	smul.u32 $0x2800, s13  }
0xd: {  	s5 =	sadd.s32 s4, s14;
	s6 =	sor.u32 $0x1C03, s29;
	s13 =	smul.u32 $0x500, s13  }
0xe: {  	s31 =	sadd.s32 s16, s10;
	s16 =	simm.s32 $0x80;
	s8 =	sshrl.u32 s30, $0x3  }
0xf: {  	s15 =	sadd.s32 s28, s1;
	s7 =	sadd.s32 s9, s13;
	s17 =	sadd.s32 $0x280, s8  }
0x10: {  	s8 =	sadd.s32 s11, s13;
	s13 =	sshrl.u32 s15, $0x3;
	s15 =	simm.s32 $0x1400  }
0x11: {  	s9 =	sadd.s32 s9, s17;
	s10 =	sadd.s32 s11, s17;
	s11 =	smax.u32 s12, $0x1  }
0x12: {  	s12 =	sadd.s32 s31, s14;
	s14 =	simm.s32 $0x3;
	s17 =	simm.s32 $0x2800  }
.LBB2_1:
0x13: {  	[spmem:s13], [sflag:s6] =	dma.local [hbm:s5], $0x2800  }
0x14: {  	_ =	swait.ge [sflag:s14], $0x2800  }
0x15: {  	[sflag:s14] =	ssyncset.done $0x0  }
0x16: {  	[sflag:s14] =	ssyncadd.s32 $0xFFFFD800  }
0x17: {  	[bflag:$0x0] =	sbarrier.arrive $0xFFFF  }
0x18: {  	[tilespmem:s2], [sflag:$0x3] =	stream.linear.gather [hbm4b:s7+s2], $0x1400, $0x38;
	[tilespmem:$0x1E800] =	vst v63  }
0x19: {  	_ =	swait.ge [sflag:s14], $0x1400  }
0x1a: {  	[sflag:s14] =	ssyncset.done $0x0  }
0x1b: {  	[sflag:s14] =	ssyncadd.s32 $0xFFFFEC00  }
0x1c: {  	[tilespmem:s15], [sflag:$0x3] =	stream.linear.gather [hbm4b:s8+s2], $0x1400, $0x38;
	[tilespmem:$0x1E800] =	vst v63  }
0x1d: {  	_ =	swait.ge [sflag:s14], $0x1400  }
0x1e: {  	[sflag:s14] =	ssyncset.done $0x0  }
0x1f: {  	[sflag:s14] =	ssyncadd.s32 $0xFFFFEC00  }
0x20: {  	[tilespmem:s17], [sflag:$0x1] =	stream.indirect.gather [hbm4b:s4+s16], $0x80, s2, s16, $0xb8;
	[tilespmem:$0x1E800] =	vst v63  }
0x21: {  	s25 =	simm.s32 $0x80  }
0x22: {  	[tilespmem:s18], [sflag:$0x2] =	stream.indirect.gather [hbm4b:s4+s16], $0x80, s25, s16, $0xb8;
	[tilespmem:$0x1E800] =	vst v63  }
0x23: {  	_ =	swait.ge [sflag:s19], $0x4000  }
0x24: {  	[sflag:s19] =	ssyncset.done $0x0  }
0x25: {  	s29 =	simm.s32 $0x1400;
	[sflag:s19] =	ssyncadd.s32 $0xFFFFC000  }
0x26: {  	[spmem:s1] =	stream.indirect.scatter.add.f32 [tilespmem:s17], [sflag:$0x3], $0x80, s29, s16, $0xb8;
	[tilespmem:$0x1E800] =	vst v63  }
0x27: {  	_ =	swait.ge [sflag:s14], $0x4000  }
0x28: {  	[sflag:s14] =	ssyncset.done $0x0  }
0x29: {  	s30 =	simm.s32 $0x100;
	[sflag:s14] =	ssyncadd.s32 $0xFFFFC000  }
0x2a: {  	[tilespmem:s17], [sflag:$0x1] =	stream.indirect.gather [hbm4b:s4+s16], $0x80, s30, s16, $0xb8;
	[tilespmem:$0x1E800] =	vst v63  }
0x2b: {  	_ =	swait.ge [sflag:s20], $0x4000  }
0x2c: {  	[sflag:s20] =	ssyncset.done $0x0  }
0x2d: {  	s31 =	simm.s32 $0x1480;
	[sflag:s20] =	ssyncadd.s32 $0xFFFFC000  }
0x2e: {  	[spmem:s1] =	stream.indirect.scatter.add.f32 [tilespmem:s18], [sflag:$0x3], $0x80, s31, s16, $0xb8;
	[tilespmem:$0x1E800] =	vst v63  }
0x2f: {  	_ =	swait.ge [sflag:s14], $0x4000  }
0x30: {  	s26 =	simm.s32 $0x800;
	s25 =	simm.s32 $0x100;
	[sflag:s14] =	ssyncset.done $0x0  }
.LBB2_2:
0x31: {  	s28 =	sadd.s32 $0x80, s25  }
0x32: {  	[sflag:s14] =	ssyncadd.s32 $0xFFFFC000;
	s29 =	smov.u32 s26;
	s30 =	sadd.s32 $0x400, s26  }
0x33: {  	[tilespmem:s18], [sflag:$0x2] =	stream.indirect.gather [hbm4b:s4+s16], $0x80, s28, s16, $0xb8;
	[tilespmem:$0x1E800] =	vst v63  }
0x34: {  	p0 =	sne.s32 s26, $0x4800;
	_ =	swait.ge [sflag:s19], $0x4000  }
0x35: {  	[sflag:s19] =	ssyncset.done $0x0  }
0x36: {  	s26 =	sadd.s32 $0x1400, s25;
	[sflag:s19] =	ssyncadd.s32 $0xFFFFC000  }
0x37: {  	[spmem:s1] =	stream.indirect.scatter.add.f32 [tilespmem:s17], [sflag:$0x3], $0x80, s26, s16, $0xb8;
	[tilespmem:$0x1E800] =	vst v63  }
0x38: {  	_ =	swait.ge [sflag:s14], $0x4000  }
0x39: {  	[sflag:s14] =	ssyncset.done $0x0  }
0x3a: {  	s26 =	sadd.s32 $0x100, s25;
	[sflag:s14] =	ssyncadd.s32 $0xFFFFC000  }
0x3b: {  	[tilespmem:s17], [sflag:$0x1] =	stream.indirect.gather [hbm4b:s4+s16], $0x80, s26, s16, $0xb8;
	[tilespmem:$0x1E800] =	vst v63  }
0x3c: {  	_ =	swait.ge [sflag:s20], $0x4000  }
.Ltmp0:
0x3d: {  	[sflag:s20] =	ssyncset.done $0x0;
	(pc) =	sbr.rel @p0 .LBB2_2-.Ltmp0, $4  }
0x3e: {  	s25 =	sadd.s32 $0x1480, s25;
	[sflag:s20] =	ssyncadd.s32 $0xFFFFC000  }
0x3f: {  	[spmem:s1] =	stream.indirect.scatter.add.f32 [tilespmem:s18], [sflag:$0x3], $0x80, s25, s16, $0xb8;
	[tilespmem:$0x1E800] =	vst v63  }
0x40: {  	_ =	swait.ge [sflag:s14], $0x4000  }
0x41: {  	s26 =	smov.u32 s30;
	s25 =	sshra.s32 s29, $0x2;
	[sflag:s14] =	ssyncset.done $0x0  }
0x42: {  	s26 =	sadd.s32 $0x80, s25;
	[sflag:s14] =	ssyncadd.s32 $0xFFFFC000  }
0x43: {  	[tilespmem:s18], [sflag:$0x2] =	stream.indirect.gather [hbm4b:s4+s16], $0x80, s26, s16, $0xb8;
	[tilespmem:$0x1E800] =	vst v63  }
0x44: {  	_ =	swait.ge [sflag:s19], $0x4000  }
0x45: {  	[sflag:s19] =	ssyncset.done $0x0  }
0x46: {  	s29 =	sadd.s32 $0x1400, s25;
	[sflag:s19] =	ssyncadd.s32 $0xFFFFC000  }
0x47: {  	[spmem:s1] =	stream.indirect.scatter.add.f32 [tilespmem:s17], [sflag:$0x3], $0x80, s29, s16, $0xb8;
	[tilespmem:$0x1E800] =	vst v63  }
0x48: {  	_ =	swait.ge [sflag:s14], $0x4000  }
0x49: {  	[sflag:s14] =	ssyncset.done $0x0  }
0x4a: {  	s30 =	sadd.s32 $0x100, s25;
	[sflag:s14] =	ssyncadd.s32 $0xFFFFC000  }
0x4b: {  	[tilespmem:s17], [sflag:$0x1] =	stream.indirect.gather [hbm4b:s4+s16], $0x80, s30, s16, $0xb8;
	[tilespmem:$0x1E800] =	vst v63  }
0x4c: {  	_ =	swait.ge [sflag:s20], $0x4000  }
0x4d: {  	[sflag:s20] =	ssyncset.done $0x0  }
0x4e: {  	s31 =	sadd.s32 $0x1480, s25;
	[sflag:s20] =	ssyncadd.s32 $0xFFFFC000  }
0x4f: {  	[spmem:s1] =	stream.indirect.scatter.add.f32 [tilespmem:s18], [sflag:$0x3], $0x80, s31, s16, $0xb8;
	[tilespmem:$0x1E800] =	vst v63  }
0x50: {  	_ =	swait.ge [sflag:s14], $0x4000  }
0x51: {  	[sflag:s14] =	ssyncset.done $0x0  }
0x52: {  	[sflag:s14] =	ssyncadd.s32 $0xFFFFC000  }
0x53: {  	[tilespmem:s18], [sflag:$0x2] =	stream.indirect.gather [hbm4b:s4+s16], $0x80, s21, s16, $0xb8;
	[tilespmem:$0x1E800] =	vst v63  }
0x54: {  	_ =	swait.ge [sflag:s19], $0x4000  }
0x55: {  	[sflag:s19] =	ssyncset.done $0x0  }
0x56: {  	[sflag:s19] =	ssyncadd.s32 $0xFFFFC000  }
0x57: {  	[spmem:s1] =	stream.indirect.scatter.add.f32 [tilespmem:s17], [sflag:$0x3], $0x80, s22, s16, $0xb8;
	[tilespmem:$0x1E800] =	vst v63  }
0x58: {  	_ =	swait.ge [sflag:s14], $0x4000  }
0x59: {  	[sflag:s14] =	ssyncset.done $0x0  }
0x5a: {  	[sflag:s14] =	ssyncadd.s32 $0xFFFFC000  }
0x5b: {  	_ =	swait.ge [sflag:s20], $0x4000  }
0x5c: {  	[sflag:s20] =	ssyncset.done $0x0  }
0x5d: {  	[sflag:s20] =	ssyncadd.s32 $0xFFFFC000  }
0x5e: {  	[spmem:s1] =	stream.indirect.scatter.add.f32 [tilespmem:s18], [sflag:$0x3], $0x80, s23, s16, $0xb8;
	[tilespmem:$0x1E800] =	vst v63  }
0x5f: {  	_ =	swait.ge [sflag:s14], $0x4000  }
0x60: {  	[sflag:s14] =	ssyncset.done $0x0  }
0x61: {  	s26 =	simm.s32 $0x0;
	[sflag:s14] =	ssyncadd.s32 $0xFFFFC000  }
0x62: {  	[tilespmem:s26], [sflag:$0x3] =	stream.linear.gather [hbm4b:s9+s26], $0x1400, $0x38;
	[tilespmem:$0x1E800] =	vst v63  }
0x63: {  	_ =	swait.ge [sflag:s14], $0x1400  }
0x64: {  	[sflag:s14] =	ssyncset.done $0x0  }
0x65: {  	[sflag:s14] =	ssyncadd.s32 $0xFFFFEC00  }
0x66: {  	[tilespmem:s15], [sflag:$0x3] =	stream.linear.gather [hbm4b:s10+s26], $0x1400, $0x38;
	[tilespmem:$0x1E800] =	vst v63  }
0x67: {  	_ =	swait.ge [sflag:s14], $0x1400  }
0x68: {  	[sflag:s14] =	ssyncset.done $0x0  }
0x69: {  	[sflag:s14] =	ssyncadd.s32 $0xFFFFEC00  }
0x6a: {  	[tilespmem:s17], [sflag:$0x1] =	stream.indirect.gather [hbm4b:s4+s16], $0x80, s26, s16, $0xb8;
	[tilespmem:$0x1E800] =	vst v63  }
0x6b: {  	s28 =	simm.s32 $0x80  }
0x6c: {  	[tilespmem:s18], [sflag:$0x2] =	stream.indirect.gather [hbm4b:s4+s16], $0x80, s28, s16, $0xb8;
	[tilespmem:$0x1E800] =	vst v63  }
0x6d: {  	_ =	swait.ge [sflag:s19], $0x4000  }
0x6e: {  	[sflag:s19] =	ssyncset.done $0x0  }
0x6f: {  	s29 =	simm.s32 $0x1400;
	[sflag:s19] =	ssyncadd.s32 $0xFFFFC000  }
0x70: {  	[spmem:s1] =	stream.indirect.scatter.add.f32 [tilespmem:s17], [sflag:$0x3], $0x80, s29, s16, $0xb8;
	[tilespmem:$0x1E800] =	vst v63  }
0x71: {  	_ =	swait.ge [sflag:s14], $0x4000  }
0x72: {  	[sflag:s14] =	ssyncset.done $0x0  }
0x73: {  	s30 =	simm.s32 $0x100;
	[sflag:s14] =	ssyncadd.s32 $0xFFFFC000  }
0x74: {  	[tilespmem:s17], [sflag:$0x1] =	stream.indirect.gather [hbm4b:s4+s16], $0x80, s30, s16, $0xb8;
	[tilespmem:$0x1E800] =	vst v63  }
0x75: {  	_ =	swait.ge [sflag:s20], $0x4000  }
0x76: {  	[sflag:s20] =	ssyncset.done $0x0  }
0x77: {  	s31 =	simm.s32 $0x1480;
	[sflag:s20] =	ssyncadd.s32 $0xFFFFC000  }
0x78: {  	[spmem:s1] =	stream.indirect.scatter.add.f32 [tilespmem:s18], [sflag:$0x3], $0x80, s31, s16, $0xb8;
	[tilespmem:$0x1E800] =	vst v63  }
0x79: {  	_ =	swait.ge [sflag:s14], $0x4000  }
0x7a: {  	s25 =	simm.s32 $0x100;
	s26 =	simm.s32 $0x800;
	[sflag:s14] =	ssyncset.done $0x0  }
.LBB2_4:
0x7b: {  	s28 =	sadd.s32 $0x80, s25  }
0x7c: {  	[sflag:s14] =	ssyncadd.s32 $0xFFFFC000;
	s29 =	smov.u32 s26;
	s30 =	sadd.s32 $0x400, s26  }
0x7d: {  	[tilespmem:s18], [sflag:$0x2] =	stream.indirect.gather [hbm4b:s4+s16], $0x80, s28, s16, $0xb8;
	[tilespmem:$0x1E800] =	vst v63  }
0x7e: {  	p0 =	sne.s32 s26, $0x4800;
	_ =	swait.ge [sflag:s19], $0x4000  }
0x7f: {  	[sflag:s19] =	ssyncset.done $0x0  }
0x80: {  	s26 =	sadd.s32 $0x1400, s25;
	[sflag:s19] =	ssyncadd.s32 $0xFFFFC000  }
0x81: {  	[spmem:s1] =	stream.indirect.scatter.add.f32 [tilespmem:s17], [sflag:$0x3], $0x80, s26, s16, $0xb8;
	[tilespmem:$0x1E800] =	vst v63  }
0x82: {  	_ =	swait.ge [sflag:s14], $0x4000  }
0x83: {  	[sflag:s14] =	ssyncset.done $0x0  }
0x84: {  	s26 =	sadd.s32 $0x100, s25;
	[sflag:s14] =	ssyncadd.s32 $0xFFFFC000  }
0x85: {  	[tilespmem:s17], [sflag:$0x1] =	stream.indirect.gather [hbm4b:s4+s16], $0x80, s26, s16, $0xb8;
	[tilespmem:$0x1E800] =	vst v63  }
0x86: {  	_ =	swait.ge [sflag:s20], $0x4000  }
.Ltmp1:
0x87: {  	[sflag:s20] =	ssyncset.done $0x0;
	(pc) =	sbr.rel @p0 .LBB2_4-.Ltmp1, $4  }
0x88: {  	s25 =	sadd.s32 $0x1480, s25;
	[sflag:s20] =	ssyncadd.s32 $0xFFFFC000  }
0x89: {  	[spmem:s1] =	stream.indirect.scatter.add.f32 [tilespmem:s18], [sflag:$0x3], $0x80, s25, s16, $0xb8;
	[tilespmem:$0x1E800] =	vst v63  }
0x8a: {  	_ =	swait.ge [sflag:s14], $0x4000  }
0x8b: {  	s26 =	smov.u32 s30;
	s25 =	sshra.s32 s29, $0x2;
	[sflag:s14] =	ssyncset.done $0x0  }
0x8c: {  	s26 =	sadd.s32 $0x80, s25;
	[sflag:s14] =	ssyncadd.s32 $0xFFFFC000  }
0x8d: {  	[tilespmem:s18], [sflag:$0x2] =	stream.indirect.gather [hbm4b:s4+s16], $0x80, s26, s16, $0xb8;
	[tilespmem:$0x1E800] =	vst v63  }
0x8e: {  	_ =	swait.ge [sflag:s19], $0x4000  }
0x8f: {  	[sflag:s19] =	ssyncset.done $0x0  }
0x90: {  	s29 =	sadd.s32 $0x1400, s25;
	[sflag:s19] =	ssyncadd.s32 $0xFFFFC000  }
0x91: {  	[spmem:s1] =	stream.indirect.scatter.add.f32 [tilespmem:s17], [sflag:$0x3], $0x80, s29, s16, $0xb8;
	[tilespmem:$0x1E800] =	vst v63  }
0x92: {  	_ =	swait.ge [sflag:s14], $0x4000  }
0x93: {  	[sflag:s14] =	ssyncset.done $0x0  }
0x94: {  	s30 =	sadd.s32 $0x100, s25;
	[sflag:s14] =	ssyncadd.s32 $0xFFFFC000  }
0x95: {  	[tilespmem:s17], [sflag:$0x1] =	stream.indirect.gather [hbm4b:s4+s16], $0x80, s30, s16, $0xb8;
	[tilespmem:$0x1E800] =	vst v63  }
0x96: {  	_ =	swait.ge [sflag:s20], $0x4000  }
0x97: {  	[sflag:s20] =	ssyncset.done $0x0  }
0x98: {  	s31 =	sadd.s32 $0x1480, s25;
	[sflag:s20] =	ssyncadd.s32 $0xFFFFC000  }
0x99: {  	[spmem:s1] =	stream.indirect.scatter.add.f32 [tilespmem:s18], [sflag:$0x3], $0x80, s31, s16, $0xb8;
	[tilespmem:$0x1E800] =	vst v63  }
0x9a: {  	_ =	swait.ge [sflag:s14], $0x4000  }
0x9b: {  	[sflag:s14] =	ssyncset.done $0x0  }
0x9c: {  	[sflag:s14] =	ssyncadd.s32 $0xFFFFC000  }
0x9d: {  	[tilespmem:s18], [sflag:$0x2] =	stream.indirect.gather [hbm4b:s4+s16], $0x80, s21, s16, $0xb8;
	[tilespmem:$0x1E800] =	vst v63  }
0x9e: {  	_ =	swait.ge [sflag:s19], $0x4000  }
0x9f: {  	[sflag:s19] =	ssyncset.done $0x0  }
0xa0: {  	[sflag:s19] =	ssyncadd.s32 $0xFFFFC000  }
0xa1: {  	[spmem:s1] =	stream.indirect.scatter.add.f32 [tilespmem:s17], [sflag:$0x3], $0x80, s22, s16, $0xb8;
	[tilespmem:$0x1E800] =	vst v63  }
0xa2: {  	_ =	swait.ge [sflag:s14], $0x4000  }
0xa3: {  	[sflag:s14] =	ssyncset.done $0x0  }
0xa4: {  	[sflag:s14] =	ssyncadd.s32 $0xFFFFC000  }
0xa5: {  	_ =	swait.ge [sflag:s20], $0x4000  }
0xa6: {  	[sflag:s20] =	ssyncset.done $0x0  }
0xa7: {  	[sflag:s20] =	ssyncadd.s32 $0xFFFFC000  }
0xa8: {  	[spmem:s1] =	stream.indirect.scatter.add.f32 [tilespmem:s18], [sflag:$0x3], $0x80, s23, s16, $0xb8;
	[tilespmem:$0x1E800] =	vst v63  }
0xa9: {  	_ =	swait.ge [sflag:s14], $0x4000  }
0xaa: {  	s24 =	sadd.s32 $0x1, s24;
	[sflag:s14] =	ssyncset.done $0x0  }
0xab: {  	p0 =	sne.s32 s24, s11;
	[sflag:s14] =	ssyncadd.s32 $0xFFFFC000  }
.Ltmp2:
0xac: {  	[bflag:$0x0] =	sbarrier.arrive $0xFFFF;
	(pc) =	sbr.rel @p0 .LBB2_1-.Ltmp2, $4  }
0xad: {  	[hbm:s12], [sflag:s6] =	dma.local [spmem:s13], $0x2800  }
0xae: {  	_ =	swait.ge [sflag:s14], $0x2800  }
0xaf: {  	[sflag:s14] =	ssyncset.done $0x0  }
0xb0: {  	[sflag:s14] =	ssyncadd.s32 $0xFFFFD800  }
0xb1: {  	_ =	sfence.sel $0x180000  }
0xb2: {  	[bflag:$0x0] =	sbarrier.arrive $0xFFFF  }
0xb3: {  	p0 =	sne.s32 s3, $0x0;
	_ =	strace $0x9000004D  }
0xb4: {  	s0 =	sadd.s32 @!p0 $0x100000, s0;
	[bflag:$0x2] =	sbarrier.arrive $0xFFFF  }
0xb5: {  	[sflag:s0] =	ssyncadd.tile.s32 @!p0 $0x1;
	_ =	shalt  }
.Lfunc_end2:
_tile_overlayer_lowered:
.L_overlay_start_2:
0xb6: {  	(tag) =	ssettag $0x2  }
0xb7: {  	s0 =	rddreg [dreg:$0x0];
	s2 =	stileid.u32  }
0xb8: {  	s1 =	rddreg [dreg:$0x1];
	p0 =	sne.s32 s2, $0x0  }
0xb9: {  	s3 =	rddreg [dreg:$0x2];
	[bflag:$0x3] =	sbarrier.arrive $0xFFFF;
	s2 =	simm.s32 @!p0 $0x1C03  }
0xba: {  	[timem:s3], [sflag:s2] =	dma.local @!p0 [hbm:s0], s1  }
0xbb: {  	s0 =	simm.s32 @!p0 $0x3  }
0xbc: {  	_ =	swait.ge @!p0 [sflag:s0], s1  }
0xbd: {  	s1 =	ssub.s32 @!p0 $0x0, s1;
	[sflag:s0] =	ssyncset.done @!p0 $0x0  }
0xbe: {  	[sflag:s0] =	ssyncadd.s32 @!p0 s1  }
0xbf: {  	[bflag:$0x3] =	sbarrier.arrive $0xFFFF  }
0xc0: {  	_ =	shalt  }

// kernel: kernel.16.cloned.1.call-start
scs
__scs_entry_jumppad:
0x0: {  	(pc) =	sbr.rel $0x88, $3  }
0x1: {  	(tag) =	ssettag $0x0;
	lr =	simm.s32 $0x1  }
0x2: {  	[smem:$0x3F94] =	sst lr;
	_ =	strace $0xD0000000  }
0x3: {  	_ = 	snop  }
0x4: {  	_ = 	snop  }
0x5: {  	_ = 	snop  }
0x6: {  	_ = 	snop  }
0x7: {  	_ = 	snop  }
__scs_overlays_trampoline_lowered:
0x8: {  	[smem:$0x3FA3] =	sst s0  }
0x9: {  	[smem:$0x3FA4] =	sst s1  }
0xa: {  	[smem:$0x3FA5] =	sst s2  }
0xb: {  	[smem:$0x3FA6] =	sst s3  }
0xc: {  	[smem:$0x3FA7] =	sst s4  }
0xd: {  	[smem:$0x3FA8] =	sst s5  }
0xe: {  	[smem:$0x3FA9] =	sst s6  }
0xf: {  	[smem:$0x3FAA] =	sst s7  }
0x10: {  	[smem:$0x3FAB] =	sst s8  }
0x11: {  	[smem:$0x3FAC] =	sst s9;
	s0 =	simm.s32 @!p0 $0x0  }
0x12: {  	s1 =	sld [smem:$0x3F92];
	s0 =	simm.s32 @p0 $0x1  }
0x13: {  	[smem:$0x3FAD] =	sst s0;
	s0 =	simm.s32 @!p1 $0x0  }
0x14: {  	s2 =	sld [smem:$0x3F91];
	s0 =	simm.s32 @p1 $0x1  }
0x15: {  	[smem:$0x3FAE] =	sst s0;
	s0 =	simm.s32 @!p2 $0x0  }
0x16: {  	s3 =	sld [smem:$0x3FDB];
	s0 =	simm.s32 @p2 $0x1  }
0x17: {  	s4 =	simm.s32 $0x1BF5;
	[smem:$0x3FB0] =	sst s0  }
0x18: {  	s0 =	sld [smem:$0x3F93];
	_ =	swait.ge [sflag:s4], $0x0  }
0x19: {  	s7 =	sld [smem:$0x3F94]  }
0x1a: {  	s8 =	sadd.s32 $0xFFFFE003, lr  }
0x1b: {  	s9 =	sadd.s32 $0xFFFFFEF7, lr;
	s5 =	simm.s32 $0xFFFFFFFF;
	p2 =	slt.u32 s8, $0xFFFFF086  }
0x1c: {  	p1 =	slt.u32 s9, $0xF7A;
	s5 =	simm.s32 @!p2 $0x0  }
0x1d: {  	s5 =	simm.s32 @p1 $0x1;
	p0 =	seq.s32 s7, s2  }
0x1e: {  	s7 =	smul.u32 @!p0 $0xF7A, s2;
	p2 =	seq.s32 @!p0 s5, $0x0  }
0x1f: {  	s9 =	smul.u32 $0xF7A, s1;
	s8 =	simm.s32 @!p0 $0x1BF5;
	p2 =	por !p2, p0  }
0x20: {  	[sflag:s8] =	ssyncset.s32 @!p0 $0xFFFFF086;
	s6 =	sadd.s32 @!p0 s3, s7;
	s7 =	simm.s32 @!p0 $0x108  }
0x21: {  	s3 =	sadd.s32 s3, s9;
	s6 =	sadd.s32 @!p0 $0x88, s6;
	s7 =	simm.s32 @p2 $0x1082  }
0x22: {  	[simem:s7], [sflag:s8] =	dma.local @!p0 [hbm:s6], $0xF7A  }
0x23: {  	s9 =	sor.u32 $0xD0000000, s2;
	s6 =	simm.s32 $0x108;
	_ =	swait.ge @!p0 [sflag:s8], $0x0  }
0x24: {  	s3 =	sadd.s32 $0x88, s3;
	s6 =	simm.s32 @!p1 $0x1082;
	[sflag:s4] =	ssyncset.s32 $0xFFFFF086  }
0x25: {  	[simem:s6], [sflag:s4] =	dma.local [hbm:s3], $0xF7A  }
0x26: {  	[smem:$0x3F94] =	sst s1;
	(tag) =	ssettag s2;
	_ =	strace s9  }
0x27: {  	s1 =	sld [smem:$0x3FA4]  }
0x28: {  	s2 =	sld [smem:$0x3FA5]  }
0x29: {  	s4 =	sld [smem:$0x3FA7]  }
0x2a: {  	p0 =	seq.s32 s5, $0x0;
	s5 =	sld [smem:$0x3FA8]  }
0x2b: {  	s6 =	sld [smem:$0x3FA9]  }
0x2c: {  	s7 =	sld [smem:$0x3FAA]  }
0x2d: {  	s3 =	simm.s32 $0x108;
	s8 =	sld [smem:$0x3FAB]  }
0x2e: {  	s3 =	simm.s32 @!p0 $0x1082;
	s9 =	sld [smem:$0x3FAC]  }
0x2f: {  	lr =	sadd.s32 s0, s3;
	s0 =	sld [smem:$0x3FA3]  }
0x30: {  	s3 =	sld [smem:$0x3FA6]  }
0x31: {  	[smem:$0x3FAF] =	sst s10  }
0x32: {  	s10 =	sld [smem:$0x3FAD];
	_ =	sdelay $0x3  }
0x33: {  	p0 =	seq.s32 s10, $0x1;
	s10 =	sld [smem:$0x3FAF];
	_ =	sdelay $0x3  }
0x34: {  	[smem:$0x3FAF] =	sst s10  }
0x35: {  	s10 =	sld [smem:$0x3FAE];
	_ =	sdelay $0x3  }
0x36: {  	p1 =	seq.s32 s10, $0x1;
	s10 =	sld [smem:$0x3FAF];
	_ =	sdelay $0x3  }
0x37: {  	[smem:$0x3FAF] =	sst s10  }
0x38: {  	s10 =	sld [smem:$0x3FB0]  }
0x39: {  	_ = 	snop;
	(pc) =	sbr.ind lr, $3  }
0x3a: {  	_ = 	snop  }
0x3b: {  	_ = 	snop  }
0x3c: {  	p2 =	seq.s32 s10, $0x1;
	s10 =	sld [smem:$0x3FAF]  }
0x3d: {  	_ =	shalt  }
0x3e: {  	_ =	shalt  }
0x3f: {  	_ =	shalt  }
0x40: {  	_ =	shalt  }
0x41: {  	_ =	shalt  }
0x42: {  	_ =	shalt  }
0x43: {  	_ =	shalt  }
0x44: {  	_ =	shalt  }
0x45: {  	_ =	shalt  }
0x46: {  	_ =	shalt  }
0x47: {  	_ =	shalt  }
0x48: {  	_ =	shalt  }
0x49: {  	_ =	shalt  }
0x4a: {  	_ =	shalt  }
0x4b: {  	_ =	shalt  }
0x4c: {  	_ =	shalt  }
0x4d: {  	_ =	shalt  }
0x4e: {  	_ =	shalt  }
0x4f: {  	_ =	shalt  }
0x50: {  	_ =	shalt  }
0x51: {  	_ =	shalt  }
0x52: {  	_ =	shalt  }
0x53: {  	_ =	shalt  }
0x54: {  	_ =	shalt  }
0x55: {  	_ =	shalt  }
0x56: {  	_ =	shalt  }
0x57: {  	_ =	shalt  }
0x58: {  	_ =	shalt  }
0x59: {  	_ =	shalt  }
0x5a: {  	_ =	shalt  }
0x5b: {  	_ =	shalt  }
0x5c: {  	_ =	shalt  }
0x5d: {  	_ =	shalt  }
0x5e: {  	_ =	shalt  }
0x5f: {  	_ =	shalt  }
0x60: {  	_ =	shalt  }
0x61: {  	_ =	shalt  }
0x62: {  	_ =	shalt  }
0x63: {  	_ =	shalt  }
0x64: {  	_ =	shalt  }
0x65: {  	_ =	shalt  }
0x66: {  	_ =	shalt  }
0x67: {  	_ =	shalt  }
0x68: {  	_ =	shalt  }
0x69: {  	_ =	shalt  }
0x6a: {  	_ =	shalt  }
0x6b: {  	_ =	shalt  }
0x6c: {  	_ =	shalt  }
0x6d: {  	_ =	shalt  }
0x6e: {  	_ =	shalt  }
0x6f: {  	_ =	shalt  }
0x70: {  	_ =	shalt  }
0x71: {  	_ =	shalt  }
0x72: {  	_ =	shalt  }
0x73: {  	_ =	shalt  }
0x74: {  	_ =	shalt  }
0x75: {  	_ =	shalt  }
0x76: {  	_ =	shalt  }
0x77: {  	_ =	shalt  }
0x78: {  	_ =	shalt  }
0x79: {  	_ =	shalt  }
0x7a: {  	_ =	shalt  }
0x7b: {  	_ =	shalt  }
0x7c: {  	_ =	shalt  }
0x7d: {  	_ =	shalt  }
0x7e: {  	_ =	shalt  }
0x7f: {  	_ =	shalt  }
0x80: {  	_ =	shalt  }
0x81: {  	_ =	shalt  }
0x82: {  	_ =	shalt  }
0x83: {  	_ =	shalt  }
0x84: {  	_ =	shalt  }
0x85: {  	_ =	shalt  }
0x86: {  	_ =	shalt  }
0x87: {  	_ =	shalt  }
.Lfunc_end0:
.L_simem_size_0:
called_computation.2_lowered:
.L_overlay_start_0:
0x88: {  	s2 =	sld [smem:$0x3FD9]  }
0x89: {  	s3 =	sld [smem:$0x3FFE];
	_ =	sdelay $0x1  }
0x8a: {  	s1 =	srdreg.scid  }
0x8b: {  	s0 =	sand.u32 $0x1, s1  }
0x8c: {  	s16 =	sshll.u32 s0, $0xA;
	s2 =	sadd.s32 s3, s2  }
0x8d: {  	s2 =	sadd.s32 s2, s16  }
0x8e: {  	[smem:$0x3FBB] =	sst s2  }
0x8f: {  	_ = 	snop  }
0x90: {  	(tm) =	ssettm $0x1  }
0x91: {  	s17 =	sld [smem:$0x3FFB];
	_ =	sdelay $0x3  }
0x92: {  	_ =	strace s17  }
0x93: {  	s2 =	sld [smem:$0x3FFC];
	_ =	sdelay $0x3  }
0x94: {  	_ =	strace s2  }
0x95: {  	s2 =	sld [smem:$0x3FFD];
	_ =	sdelay $0x3  }
0x96: {  	_ =	strace s2  }
0x97: {  	_ =	strace $0x8FFFFFFF  }
0x98: {  	s18 =	sld [smem:$0x3FDB];
	_ =	sdelay $0x1  }
0x99: {  	s19 =	simm.s32 $_scs_section_size  }
0x9a: {  	s4 =	simm.s32 $_size__tile_overlayer_lowered;
	s5 =	simm.s32 $_tile_overlayer_lowered  }
0x9b: {  	s22 =	simm.s32 $0x1BFF;
	s21 =	sshll.u32 s5, $0x1;
	s2 =	sadd.s32 s19, s18  }
0x9c: {  	s6 =	simm.s32 $0x0;
	s20 =	sshll.u32 s4, $0x1;
	s4 =	sadd.s32 s21, s2  }
0x9d: {  	[timem:s6], [sflag:s22] =	dma.local [hbm:s4], s20  }
0x9e: {  	_ =	swait.ge [sflag:s22], s20  }
0x9f: {  	s3 =	ssub.s32 $0x0, s20;
	[sflag:s22] =	ssyncset.done $0x0  }
0xa0: {  	[sflag:s22] =	ssyncadd.s32 s3;
	_ =	sdelay $0x1  }
0xa1: {  	s23 =	simm.s32 $0x1B8B  }
0xa2: {  	_ =	swait.ge [sflag:s23], $0x1  }
0xa3: {  	[sflag:s23] =	ssyncset.done $0x0  }
0xa4: {  	s25 =	simm.s32 $0x1B8E;
	s24 =	sld [smem:$0x3FFE];
	[sflag:s23] =	ssyncadd.s32 $0xFFFFFFFF  }
0xa5: {  	s26 =	simm.s32 $execute0_lowered;
	[smem:$0x3FD2] =	sst s25  }
0xa6: {  	s4 =	sshll.u32 s26, $0x1;
	_ =	strace $0x80000049;
	[dreg:$0x1] =	wrdreg $0xFFFFFFFF  }
0xa7: {  	s28 =	simm.s32 $_size_execute0_lowered;
	s2 =	sadd.s32 s2, s4;
	[dreg:$0x0] =	wrdreg $0x0  }
0xa8: {  	s4 =	sshll.u32 s28, $0x1;
	[dreg:$0x2] =	wrdreg s2  }
0xa9: {  	[dreg:$0x3] =	wrdreg s4  }
0xaa: {  	[dreg:$0x4] =	wrdreg $0xC0  }
0xab: {  	_ =	task [dreg:s6], $0x5FFFF  }
0xac: {  	[dreg:$0x1] =	wrdreg $0xFFFFFFFF  }
0xad: {  	[dreg:$0x0] =	wrdreg $0x60  }
0xae: {  	[dreg:$0x2] =	wrdreg s24  }
0xaf: {  	[dreg:$0x3] =	wrdreg $0xA8000  }
0xb0: {  	[dreg:$0x4] =	wrdreg $0xA  }
0xb1: {  	_ =	task.clear_ibuf [dreg:s6], $0x5FFFF;
	_ =	strace $0x90000049  }
0xb2: {  	s29 =	simm.s32 $0xA;
	_ =	strace $0x8000004B  }
0xb3: {  	_ =	swait.ge [sflag:s29], $0x1  }
0xb4: {  	[sflag:s29] =	ssyncadd.s32 $0xFFFFFFFF  }
0xb5: {  	_ =	strace $0x9000004B  }
0xb6: {  	_ =	sfence  }
0xb7: {  	s30 =	sld [smem:$0x0];
	_ =	sdelay $0x2  }
0xb8: {  	s31 =	sshll.u32 s1, $0xD;
	s1 =	sshrl.u32 s1, $0x2  }
0xb9: {  	s3 =	sand.u32 $0x4000, s31;
	s1 =	sadd.s32 s1, s30  }
0xba: {  	s0 =	sor.u32 s3, s0;
	s1 =	sshll.u32 s1, $0x11  }
0xbb: {  	s0 =	sor.u32 s1, s0  }
0xbc: {  	s0 =	sadd.s32 $0x8F2B, s0  }
0xbd: {  	[sflag:s0] =	ssyncadd.remote.s32 $0x1  }
0xbe: {  	_ =	sfence.sel $0xFFFF  }
0xbf: {  	[dreg:$0x0] =	wrdreg $0xFFFFFFFF;
	(pc) =	sbr.abs _section_cstart, $3  }
0xc0: {  	[dreg:$0x1] =	wrdreg $0xFFFFFFFF  }
0xc1: {  	_ =	task.clear_ibuf [dreg:s6], $0x2FFFF;
	_ =	strace $0x9FFFFFFF  }
0xc2: {  	(tm) =	ssettm $0x7FFFFFFF  }
0xc3: {  	_ =	shalt  }
tec
execute0_lowered:
.L_overlay_start_1:
0x0: {  	(tag) =	ssettag $0x1  }
0x1: {  	s10 =	rddreg [dreg:$0x0]  }
0x2: {  	s1 =	rddreg [dreg:$0x1]  }
0x3: {  	s0 =	rddreg [dreg:$0x2];
	s2 =	simm.s32 $0x0;
	s3 =	srdreg.scid  }
0x4: {  	s16 =	simm.s32 $0xBA000;
	s18 =	simm.s32 $0x6800;
	s19 =	simm.s32 $0x1  }
0x5: {  	s20 =	simm.s32 $0x2;
	s21 =	simm.s32 $0x1380;
	s22 =	simm.s32 $0x2700  }
0x6: {  	s23 =	simm.s32 $0x2780;
	s24 =	simm.s32 $0x0;
	[smem:$0x7FF] =	sst s2  }
0x7: {  	s7 =	sand.u32 $0x1, s3;
	s4 =	sadd.s32 $0x1A000, s10;
	s3 =	stileid.u32  }
0x8: {  	s9 =	sadd.s32 $0x10000, s10;
	s11 =	sadd.s32 $0x6000, s10;
	_ =	strace $0x8000004A  }
0x9: {  	s5 =	ssub.s32 $0x2, s7;
	s8 =	smul.u32 $0x50000, s3;
	s26 =	sshll.u32 s7, $0x4  }
0xa: {  	s14 =	smul.u32 $0x2800, s3;
	s29 =	sshll.u32 s3, $0x6;
	p0 =	seq.s32 s7, $0x1  }
0xb: {  	s6 =	sshrl.u32 s5, $0x1;
	s13 =	sor.u32 s3, s26;
	s16 =	simm.s32 @!p0 $0x92000  }
0xc: {  	s12 =	ssub.s32 s5, s6;
	s28 =	sshrl.u32 s8, $0x2;
	s30 =	smul.u32 $0x2800, s13  }
0xd: {  	s5 =	sadd.s32 s4, s14;
	s6 =	sor.u32 $0x1C03, s29;
	s13 =	smul.u32 $0x500, s13  }
0xe: {  	s31 =	sadd.s32 s16, s10;
	s16 =	simm.s32 $0x80;
	s8 =	sshrl.u32 s30, $0x3  }
0xf: {  	s15 =	sadd.s32 s28, s1;
	s7 =	sadd.s32 s9, s13;
	s17 =	sadd.s32 $0x280, s8  }
0x10: {  	s8 =	sadd.s32 s11, s13;
	s13 =	sshrl.u32 s15, $0x3;
	s15 =	simm.s32 $0x1400  }
0x11: {  	s9 =	sadd.s32 s9, s17;
	s10 =	sadd.s32 s11, s17;
	s11 =	smax.u32 s12, $0x1  }
0x12: {  	s12 =	sadd.s32 s31, s14;
	s14 =	simm.s32 $0x3;
	s17 =	simm.s32 $0x2800  }
.LBB2_1:
0x13: {  	[spmem:s13], [sflag:s6] =	dma.local [hbm:s5], $0x2800  }
0x14: {  	_ =	swait.ge [sflag:s14], $0x2800  }
0x15: {  	[sflag:s14] =	ssyncset.done $0x0  }
0x16: {  	[sflag:s14] =	ssyncadd.s32 $0xFFFFD800  }
0x17: {  	[bflag:$0x0] =	sbarrier.arrive $0xFFFF  }
0x18: {  	[tilespmem:s2], [sflag:$0x3] =	stream.linear.gather [hbm4b:s7+s2], $0x1400, $0x38;
	[tilespmem:$0x1E800] =	vst v63  }
0x19: {  	_ =	swait.ge [sflag:s14], $0x1400  }
0x1a: {  	[sflag:s14] =	ssyncset.done $0x0  }
0x1b: {  	[sflag:s14] =	ssyncadd.s32 $0xFFFFEC00  }
0x1c: {  	[tilespmem:s15], [sflag:$0x3] =	stream.linear.gather [hbm4b:s8+s2], $0x1400, $0x38;
	[tilespmem:$0x1E800] =	vst v63  }
0x1d: {  	_ =	swait.ge [sflag:s14], $0x1400  }
0x1e: {  	[sflag:s14] =	ssyncset.done $0x0  }
0x1f: {  	[sflag:s14] =	ssyncadd.s32 $0xFFFFEC00  }
0x20: {  	[tilespmem:s17], [sflag:$0x1] =	stream.indirect.gather [hbm4b:s4+s16], $0x80, s2, s16, $0xb8;
	[tilespmem:$0x1E800] =	vst v63  }
0x21: {  	s25 =	simm.s32 $0x80  }
0x22: {  	[tilespmem:s18], [sflag:$0x2] =	stream.indirect.gather [hbm4b:s4+s16], $0x80, s25, s16, $0xb8;
	[tilespmem:$0x1E800] =	vst v63  }
0x23: {  	_ =	swait.ge [sflag:s19], $0x4000  }
0x24: {  	[sflag:s19] =	ssyncset.done $0x0  }
0x25: {  	s29 =	simm.s32 $0x1400;
	[sflag:s19] =	ssyncadd.s32 $0xFFFFC000  }
0x26: {  	[spmem:s1] =	stream.indirect.scatter.add.f32 [tilespmem:s17], [sflag:$0x3], $0x80, s29, s16, $0xb8;
	[tilespmem:$0x1E800] =	vst v63  }
0x27: {  	_ =	swait.ge [sflag:s14], $0x4000  }
0x28: {  	[sflag:s14] =	ssyncset.done $0x0  }
0x29: {  	s30 =	simm.s32 $0x100;
	[sflag:s14] =	ssyncadd.s32 $0xFFFFC000  }
0x2a: {  	[tilespmem:s17], [sflag:$0x1] =	stream.indirect.gather [hbm4b:s4+s16], $0x80, s30, s16, $0xb8;
	[tilespmem:$0x1E800] =	vst v63  }
0x2b: {  	_ =	swait.ge [sflag:s20], $0x4000  }
0x2c: {  	[sflag:s20] =	ssyncset.done $0x0  }
0x2d: {  	s31 =	simm.s32 $0x1480;
	[sflag:s20] =	ssyncadd.s32 $0xFFFFC000  }
0x2e: {  	[spmem:s1] =	stream.indirect.scatter.add.f32 [tilespmem:s18], [sflag:$0x3], $0x80, s31, s16, $0xb8;
	[tilespmem:$0x1E800] =	vst v63  }
0x2f: {  	_ =	swait.ge [sflag:s14], $0x4000  }
0x30: {  	s26 =	simm.s32 $0x800;
	s25 =	simm.s32 $0x100;
	[sflag:s14] =	ssyncset.done $0x0  }
.LBB2_2:
0x31: {  	s28 =	sadd.s32 $0x80, s25  }
0x32: {  	[sflag:s14] =	ssyncadd.s32 $0xFFFFC000;
	s29 =	smov.u32 s26;
	s30 =	sadd.s32 $0x400, s26  }
0x33: {  	[tilespmem:s18], [sflag:$0x2] =	stream.indirect.gather [hbm4b:s4+s16], $0x80, s28, s16, $0xb8;
	[tilespmem:$0x1E800] =	vst v63  }
0x34: {  	p0 =	sne.s32 s26, $0x4800;
	_ =	swait.ge [sflag:s19], $0x4000  }
0x35: {  	[sflag:s19] =	ssyncset.done $0x0  }
0x36: {  	s26 =	sadd.s32 $0x1400, s25;
	[sflag:s19] =	ssyncadd.s32 $0xFFFFC000  }
0x37: {  	[spmem:s1] =	stream.indirect.scatter.add.f32 [tilespmem:s17], [sflag:$0x3], $0x80, s26, s16, $0xb8;
	[tilespmem:$0x1E800] =	vst v63  }
0x38: {  	_ =	swait.ge [sflag:s14], $0x4000  }
0x39: {  	[sflag:s14] =	ssyncset.done $0x0  }
0x3a: {  	s26 =	sadd.s32 $0x100, s25;
	[sflag:s14] =	ssyncadd.s32 $0xFFFFC000  }
0x3b: {  	[tilespmem:s17], [sflag:$0x1] =	stream.indirect.gather [hbm4b:s4+s16], $0x80, s26, s16, $0xb8;
	[tilespmem:$0x1E800] =	vst v63  }
0x3c: {  	_ =	swait.ge [sflag:s20], $0x4000  }
.Ltmp0:
0x3d: {  	[sflag:s20] =	ssyncset.done $0x0;
	(pc) =	sbr.rel @p0 .LBB2_2-.Ltmp0, $4  }
0x3e: {  	s25 =	sadd.s32 $0x1480, s25;
	[sflag:s20] =	ssyncadd.s32 $0xFFFFC000  }
0x3f: {  	[spmem:s1] =	stream.indirect.scatter.add.f32 [tilespmem:s18], [sflag:$0x3], $0x80, s25, s16, $0xb8;
	[tilespmem:$0x1E800] =	vst v63  }
0x40: {  	_ =	swait.ge [sflag:s14], $0x4000  }
0x41: {  	s26 =	smov.u32 s30;
	s25 =	sshra.s32 s29, $0x2;
	[sflag:s14] =	ssyncset.done $0x0  }
0x42: {  	s26 =	sadd.s32 $0x80, s25;
	[sflag:s14] =	ssyncadd.s32 $0xFFFFC000  }
0x43: {  	[tilespmem:s18], [sflag:$0x2] =	stream.indirect.gather [hbm4b:s4+s16], $0x80, s26, s16, $0xb8;
	[tilespmem:$0x1E800] =	vst v63  }
0x44: {  	_ =	swait.ge [sflag:s19], $0x4000  }
0x45: {  	[sflag:s19] =	ssyncset.done $0x0  }
0x46: {  	s29 =	sadd.s32 $0x1400, s25;
	[sflag:s19] =	ssyncadd.s32 $0xFFFFC000  }
0x47: {  	[spmem:s1] =	stream.indirect.scatter.add.f32 [tilespmem:s17], [sflag:$0x3], $0x80, s29, s16, $0xb8;
	[tilespmem:$0x1E800] =	vst v63  }
0x48: {  	_ =	swait.ge [sflag:s14], $0x4000  }
0x49: {  	[sflag:s14] =	ssyncset.done $0x0  }
0x4a: {  	s30 =	sadd.s32 $0x100, s25;
	[sflag:s14] =	ssyncadd.s32 $0xFFFFC000  }
0x4b: {  	[tilespmem:s17], [sflag:$0x1] =	stream.indirect.gather [hbm4b:s4+s16], $0x80, s30, s16, $0xb8;
	[tilespmem:$0x1E800] =	vst v63  }
0x4c: {  	_ =	swait.ge [sflag:s20], $0x4000  }
0x4d: {  	[sflag:s20] =	ssyncset.done $0x0  }
0x4e: {  	s31 =	sadd.s32 $0x1480, s25;
	[sflag:s20] =	ssyncadd.s32 $0xFFFFC000  }
0x4f: {  	[spmem:s1] =	stream.indirect.scatter.add.f32 [tilespmem:s18], [sflag:$0x3], $0x80, s31, s16, $0xb8;
	[tilespmem:$0x1E800] =	vst v63  }
0x50: {  	_ =	swait.ge [sflag:s14], $0x4000  }
0x51: {  	[sflag:s14] =	ssyncset.done $0x0  }
0x52: {  	[sflag:s14] =	ssyncadd.s32 $0xFFFFC000  }
0x53: {  	[tilespmem:s18], [sflag:$0x2] =	stream.indirect.gather [hbm4b:s4+s16], $0x80, s21, s16, $0xb8;
	[tilespmem:$0x1E800] =	vst v63  }
0x54: {  	_ =	swait.ge [sflag:s19], $0x4000  }
0x55: {  	[sflag:s19] =	ssyncset.done $0x0  }
0x56: {  	[sflag:s19] =	ssyncadd.s32 $0xFFFFC000  }
0x57: {  	[spmem:s1] =	stream.indirect.scatter.add.f32 [tilespmem:s17], [sflag:$0x3], $0x80, s22, s16, $0xb8;
	[tilespmem:$0x1E800] =	vst v63  }
0x58: {  	_ =	swait.ge [sflag:s14], $0x4000  }
0x59: {  	[sflag:s14] =	ssyncset.done $0x0  }
0x5a: {  	[sflag:s14] =	ssyncadd.s32 $0xFFFFC000  }
0x5b: {  	_ =	swait.ge [sflag:s20], $0x4000  }
0x5c: {  	[sflag:s20] =	ssyncset.done $0x0  }
0x5d: {  	[sflag:s20] =	ssyncadd.s32 $0xFFFFC000  }
0x5e: {  	[spmem:s1] =	stream.indirect.scatter.add.f32 [tilespmem:s18], [sflag:$0x3], $0x80, s23, s16, $0xb8;
	[tilespmem:$0x1E800] =	vst v63  }
0x5f: {  	_ =	swait.ge [sflag:s14], $0x4000  }
0x60: {  	[sflag:s14] =	ssyncset.done $0x0  }
0x61: {  	s26 =	simm.s32 $0x0;
	[sflag:s14] =	ssyncadd.s32 $0xFFFFC000  }
0x62: {  	[tilespmem:s26], [sflag:$0x3] =	stream.linear.gather [hbm4b:s9+s26], $0x1400, $0x38;
	[tilespmem:$0x1E800] =	vst v63  }
0x63: {  	_ =	swait.ge [sflag:s14], $0x1400  }
0x64: {  	[sflag:s14] =	ssyncset.done $0x0  }
0x65: {  	[sflag:s14] =	ssyncadd.s32 $0xFFFFEC00  }
0x66: {  	[tilespmem:s15], [sflag:$0x3] =	stream.linear.gather [hbm4b:s10+s26], $0x1400, $0x38;
	[tilespmem:$0x1E800] =	vst v63  }
0x67: {  	_ =	swait.ge [sflag:s14], $0x1400  }
0x68: {  	[sflag:s14] =	ssyncset.done $0x0  }
0x69: {  	[sflag:s14] =	ssyncadd.s32 $0xFFFFEC00  }
0x6a: {  	[tilespmem:s17], [sflag:$0x1] =	stream.indirect.gather [hbm4b:s4+s16], $0x80, s26, s16, $0xb8;
	[tilespmem:$0x1E800] =	vst v63  }
0x6b: {  	s28 =	simm.s32 $0x80  }
0x6c: {  	[tilespmem:s18], [sflag:$0x2] =	stream.indirect.gather [hbm4b:s4+s16], $0x80, s28, s16, $0xb8;
	[tilespmem:$0x1E800] =	vst v63  }
0x6d: {  	_ =	swait.ge [sflag:s19], $0x4000  }
0x6e: {  	[sflag:s19] =	ssyncset.done $0x0  }
0x6f: {  	s29 =	simm.s32 $0x1400;
	[sflag:s19] =	ssyncadd.s32 $0xFFFFC000  }
0x70: {  	[spmem:s1] =	stream.indirect.scatter.add.f32 [tilespmem:s17], [sflag:$0x3], $0x80, s29, s16, $0xb8;
	[tilespmem:$0x1E800] =	vst v63  }
0x71: {  	_ =	swait.ge [sflag:s14], $0x4000  }
0x72: {  	[sflag:s14] =	ssyncset.done $0x0  }
0x73: {  	s30 =	simm.s32 $0x100;
	[sflag:s14] =	ssyncadd.s32 $0xFFFFC000  }
0x74: {  	[tilespmem:s17], [sflag:$0x1] =	stream.indirect.gather [hbm4b:s4+s16], $0x80, s30, s16, $0xb8;
	[tilespmem:$0x1E800] =	vst v63  }
0x75: {  	_ =	swait.ge [sflag:s20], $0x4000  }
0x76: {  	[sflag:s20] =	ssyncset.done $0x0  }
0x77: {  	s31 =	simm.s32 $0x1480;
	[sflag:s20] =	ssyncadd.s32 $0xFFFFC000  }
0x78: {  	[spmem:s1] =	stream.indirect.scatter.add.f32 [tilespmem:s18], [sflag:$0x3], $0x80, s31, s16, $0xb8;
	[tilespmem:$0x1E800] =	vst v63  }
0x79: {  	_ =	swait.ge [sflag:s14], $0x4000  }
0x7a: {  	s25 =	simm.s32 $0x100;
	s26 =	simm.s32 $0x800;
	[sflag:s14] =	ssyncset.done $0x0  }
.LBB2_4:
0x7b: {  	s28 =	sadd.s32 $0x80, s25  }
0x7c: {  	[sflag:s14] =	ssyncadd.s32 $0xFFFFC000;
	s29 =	smov.u32 s26;
	s30 =	sadd.s32 $0x400, s26  }
0x7d: {  	[tilespmem:s18], [sflag:$0x2] =	stream.indirect.gather [hbm4b:s4+s16], $0x80, s28, s16, $0xb8;
	[tilespmem:$0x1E800] =	vst v63  }
0x7e: {  	p0 =	sne.s32 s26, $0x4800;
	_ =	swait.ge [sflag:s19], $0x4000  }
0x7f: {  	[sflag:s19] =	ssyncset.done $0x0  }
0x80: {  	s26 =	sadd.s32 $0x1400, s25;
	[sflag:s19] =	ssyncadd.s32 $0xFFFFC000  }
0x81: {  	[spmem:s1] =	stream.indirect.scatter.add.f32 [tilespmem:s17], [sflag:$0x3], $0x80, s26, s16, $0xb8;
	[tilespmem:$0x1E800] =	vst v63  }
0x82: {  	_ =	swait.ge [sflag:s14], $0x4000  }
0x83: {  	[sflag:s14] =	ssyncset.done $0x0  }
0x84: {  	s26 =	sadd.s32 $0x100, s25;
	[sflag:s14] =	ssyncadd.s32 $0xFFFFC000  }
0x85: {  	[tilespmem:s17], [sflag:$0x1] =	stream.indirect.gather [hbm4b:s4+s16], $0x80, s26, s16, $0xb8;
	[tilespmem:$0x1E800] =	vst v63  }
0x86: {  	_ =	swait.ge [sflag:s20], $0x4000  }
.Ltmp1:
0x87: {  	[sflag:s20] =	ssyncset.done $0x0;
	(pc) =	sbr.rel @p0 .LBB2_4-.Ltmp1, $4  }
0x88: {  	s25 =	sadd.s32 $0x1480, s25;
	[sflag:s20] =	ssyncadd.s32 $0xFFFFC000  }
0x89: {  	[spmem:s1] =	stream.indirect.scatter.add.f32 [tilespmem:s18], [sflag:$0x3], $0x80, s25, s16, $0xb8;
	[tilespmem:$0x1E800] =	vst v63  }
0x8a: {  	_ =	swait.ge [sflag:s14], $0x4000  }
0x8b: {  	s26 =	smov.u32 s30;
	s25 =	sshra.s32 s29, $0x2;
	[sflag:s14] =	ssyncset.done $0x0  }
0x8c: {  	s26 =	sadd.s32 $0x80, s25;
	[sflag:s14] =	ssyncadd.s32 $0xFFFFC000  }
0x8d: {  	[tilespmem:s18], [sflag:$0x2] =	stream.indirect.gather [hbm4b:s4+s16], $0x80, s26, s16, $0xb8;
	[tilespmem:$0x1E800] =	vst v63  }
0x8e: {  	_ =	swait.ge [sflag:s19], $0x4000  }
0x8f: {  	[sflag:s19] =	ssyncset.done $0x0  }
0x90: {  	s29 =	sadd.s32 $0x1400, s25;
	[sflag:s19] =	ssyncadd.s32 $0xFFFFC000  }
0x91: {  	[spmem:s1] =	stream.indirect.scatter.add.f32 [tilespmem:s17], [sflag:$0x3], $0x80, s29, s16, $0xb8;
	[tilespmem:$0x1E800] =	vst v63  }
0x92: {  	_ =	swait.ge [sflag:s14], $0x4000  }
0x93: {  	[sflag:s14] =	ssyncset.done $0x0  }
0x94: {  	s30 =	sadd.s32 $0x100, s25;
	[sflag:s14] =	ssyncadd.s32 $0xFFFFC000  }
0x95: {  	[tilespmem:s17], [sflag:$0x1] =	stream.indirect.gather [hbm4b:s4+s16], $0x80, s30, s16, $0xb8;
	[tilespmem:$0x1E800] =	vst v63  }
0x96: {  	_ =	swait.ge [sflag:s20], $0x4000  }
0x97: {  	[sflag:s20] =	ssyncset.done $0x0  }
0x98: {  	s31 =	sadd.s32 $0x1480, s25;
	[sflag:s20] =	ssyncadd.s32 $0xFFFFC000  }
0x99: {  	[spmem:s1] =	stream.indirect.scatter.add.f32 [tilespmem:s18], [sflag:$0x3], $0x80, s31, s16, $0xb8;
	[tilespmem:$0x1E800] =	vst v63  }
0x9a: {  	_ =	swait.ge [sflag:s14], $0x4000  }
0x9b: {  	[sflag:s14] =	ssyncset.done $0x0  }
0x9c: {  	[sflag:s14] =	ssyncadd.s32 $0xFFFFC000  }
0x9d: {  	[tilespmem:s18], [sflag:$0x2] =	stream.indirect.gather [hbm4b:s4+s16], $0x80, s21, s16, $0xb8;
	[tilespmem:$0x1E800] =	vst v63  }
0x9e: {  	_ =	swait.ge [sflag:s19], $0x4000  }
0x9f: {  	[sflag:s19] =	ssyncset.done $0x0  }
0xa0: {  	[sflag:s19] =	ssyncadd.s32 $0xFFFFC000  }
0xa1: {  	[spmem:s1] =	stream.indirect.scatter.add.f32 [tilespmem:s17], [sflag:$0x3], $0x80, s22, s16, $0xb8;
	[tilespmem:$0x1E800] =	vst v63  }
0xa2: {  	_ =	swait.ge [sflag:s14], $0x4000  }
0xa3: {  	[sflag:s14] =	ssyncset.done $0x0  }
0xa4: {  	[sflag:s14] =	ssyncadd.s32 $0xFFFFC000  }
0xa5: {  	_ =	swait.ge [sflag:s20], $0x4000  }
0xa6: {  	[sflag:s20] =	ssyncset.done $0x0  }
0xa7: {  	[sflag:s20] =	ssyncadd.s32 $0xFFFFC000  }
0xa8: {  	[spmem:s1] =	stream.indirect.scatter.add.f32 [tilespmem:s18], [sflag:$0x3], $0x80, s23, s16, $0xb8;
	[tilespmem:$0x1E800] =	vst v63  }
0xa9: {  	_ =	swait.ge [sflag:s14], $0x4000  }
0xaa: {  	s24 =	sadd.s32 $0x1, s24;
	[sflag:s14] =	ssyncset.done $0x0  }
0xab: {  	p0 =	sne.s32 s24, s11;
	[sflag:s14] =	ssyncadd.s32 $0xFFFFC000  }
.Ltmp2:
0xac: {  	[bflag:$0x0] =	sbarrier.arrive $0xFFFF;
	(pc) =	sbr.rel @p0 .LBB2_1-.Ltmp2, $4  }
0xad: {  	[hbm:s12], [sflag:s6] =	dma.local [spmem:s13], $0x2800  }
0xae: {  	_ =	swait.ge [sflag:s14], $0x2800  }
0xaf: {  	[sflag:s14] =	ssyncset.done $0x0  }
0xb0: {  	[sflag:s14] =	ssyncadd.s32 $0xFFFFD800  }
0xb1: {  	_ =	sfence.sel $0x180000  }
0xb2: {  	[bflag:$0x0] =	sbarrier.arrive $0xFFFF  }
0xb3: {  	p0 =	sne.s32 s3, $0x0;
	_ =	strace $0x9000004A  }
0xb4: {  	s0 =	sadd.s32 @!p0 $0x100000, s0;
	[bflag:$0x2] =	sbarrier.arrive $0xFFFF  }
0xb5: {  	[sflag:s0] =	ssyncadd.tile.s32 @!p0 $0x1;
	_ =	shalt  }
.Lfunc_end2:
_tile_overlayer_lowered:
.L_overlay_start_2:
0xb6: {  	(tag) =	ssettag $0x2  }
0xb7: {  	s0 =	rddreg [dreg:$0x0];
	s2 =	stileid.u32  }
0xb8: {  	s1 =	rddreg [dreg:$0x1];
	p0 =	sne.s32 s2, $0x0  }
0xb9: {  	s3 =	rddreg [dreg:$0x2];
	[bflag:$0x3] =	sbarrier.arrive $0xFFFF;
	s2 =	simm.s32 @!p0 $0x1C03  }
0xba: {  	[timem:s3], [sflag:s2] =	dma.local @!p0 [hbm:s0], s1  }
0xbb: {  	s0 =	simm.s32 @!p0 $0x3  }
0xbc: {  	_ =	swait.ge @!p0 [sflag:s0], s1  }
0xbd: {  	s1 =	ssub.s32 @!p0 $0x0, s1;
	[sflag:s0] =	ssyncset.done @!p0 $0x0  }
0xbe: {  	[sflag:s0] =	ssyncadd.s32 @!p0 s1  }
0xbf: {  	[bflag:$0x3] =	sbarrier.arrive $0xFFFF  }
0xc0: {  	_ =	shalt  }

// kernel: kernel.19.cloned.1.call-start
scs
__scs_entry_jumppad:
0x0: {  	(pc) =	sbr.rel $0x88, $3  }
0x1: {  	(tag) =	ssettag $0x0;
	lr =	simm.s32 $0x1  }
0x2: {  	[smem:$0x3F94] =	sst lr;
	_ =	strace $0xD0000000  }
0x3: {  	_ = 	snop  }
0x4: {  	_ = 	snop  }
0x5: {  	_ = 	snop  }
0x6: {  	_ = 	snop  }
0x7: {  	_ = 	snop  }
__scs_overlays_trampoline_lowered:
0x8: {  	[smem:$0x3FA3] =	sst s0  }
0x9: {  	[smem:$0x3FA4] =	sst s1  }
0xa: {  	[smem:$0x3FA5] =	sst s2  }
0xb: {  	[smem:$0x3FA6] =	sst s3  }
0xc: {  	[smem:$0x3FA7] =	sst s4  }
0xd: {  	[smem:$0x3FA8] =	sst s5  }
0xe: {  	[smem:$0x3FA9] =	sst s6  }
0xf: {  	[smem:$0x3FAA] =	sst s7  }
0x10: {  	[smem:$0x3FAB] =	sst s8  }
0x11: {  	[smem:$0x3FAC] =	sst s9;
	s0 =	simm.s32 @!p0 $0x0  }
0x12: {  	s1 =	sld [smem:$0x3F92];
	s0 =	simm.s32 @p0 $0x1  }
0x13: {  	[smem:$0x3FAD] =	sst s0;
	s0 =	simm.s32 @!p1 $0x0  }
0x14: {  	s2 =	sld [smem:$0x3F91];
	s0 =	simm.s32 @p1 $0x1  }
0x15: {  	[smem:$0x3FAE] =	sst s0;
	s0 =	simm.s32 @!p2 $0x0  }
0x16: {  	s3 =	sld [smem:$0x3FDB];
	s0 =	simm.s32 @p2 $0x1  }
0x17: {  	s4 =	simm.s32 $0x1BF5;
	[smem:$0x3FB0] =	sst s0  }
0x18: {  	s0 =	sld [smem:$0x3F93];
	_ =	swait.ge [sflag:s4], $0x0  }
0x19: {  	s7 =	sld [smem:$0x3F94]  }
0x1a: {  	s8 =	sadd.s32 $0xFFFFE003, lr  }
0x1b: {  	s9 =	sadd.s32 $0xFFFFFEF7, lr;
	s5 =	simm.s32 $0xFFFFFFFF;
	p2 =	slt.u32 s8, $0xFFFFF086  }
0x1c: {  	p1 =	slt.u32 s9, $0xF7A;
	s5 =	simm.s32 @!p2 $0x0  }
0x1d: {  	s5 =	simm.s32 @p1 $0x1;
	p0 =	seq.s32 s7, s2  }
0x1e: {  	s7 =	smul.u32 @!p0 $0xF7A, s2;
	p2 =	seq.s32 @!p0 s5, $0x0  }
0x1f: {  	s9 =	smul.u32 $0xF7A, s1;
	s8 =	simm.s32 @!p0 $0x1BF5;
	p2 =	por !p2, p0  }
0x20: {  	[sflag:s8] =	ssyncset.s32 @!p0 $0xFFFFF086;
	s6 =	sadd.s32 @!p0 s3, s7;
	s7 =	simm.s32 @!p0 $0x108  }
0x21: {  	s3 =	sadd.s32 s3, s9;
	s6 =	sadd.s32 @!p0 $0x88, s6;
	s7 =	simm.s32 @p2 $0x1082  }
0x22: {  	[simem:s7], [sflag:s8] =	dma.local @!p0 [hbm:s6], $0xF7A  }
0x23: {  	s9 =	sor.u32 $0xD0000000, s2;
	s6 =	simm.s32 $0x108;
	_ =	swait.ge @!p0 [sflag:s8], $0x0  }
0x24: {  	s3 =	sadd.s32 $0x88, s3;
	s6 =	simm.s32 @!p1 $0x1082;
	[sflag:s4] =	ssyncset.s32 $0xFFFFF086  }
0x25: {  	[simem:s6], [sflag:s4] =	dma.local [hbm:s3], $0xF7A  }
0x26: {  	[smem:$0x3F94] =	sst s1;
	(tag) =	ssettag s2;
	_ =	strace s9  }
0x27: {  	s1 =	sld [smem:$0x3FA4]  }
0x28: {  	s2 =	sld [smem:$0x3FA5]  }
0x29: {  	s4 =	sld [smem:$0x3FA7]  }
0x2a: {  	p0 =	seq.s32 s5, $0x0;
	s5 =	sld [smem:$0x3FA8]  }
0x2b: {  	s6 =	sld [smem:$0x3FA9]  }
0x2c: {  	s7 =	sld [smem:$0x3FAA]  }
0x2d: {  	s3 =	simm.s32 $0x108;
	s8 =	sld [smem:$0x3FAB]  }
0x2e: {  	s3 =	simm.s32 @!p0 $0x1082;
	s9 =	sld [smem:$0x3FAC]  }
0x2f: {  	lr =	sadd.s32 s0, s3;
	s0 =	sld [smem:$0x3FA3]  }
0x30: {  	s3 =	sld [smem:$0x3FA6]  }
0x31: {  	[smem:$0x3FAF] =	sst s10  }
0x32: {  	s10 =	sld [smem:$0x3FAD];
	_ =	sdelay $0x3  }
0x33: {  	p0 =	seq.s32 s10, $0x1;
	s10 =	sld [smem:$0x3FAF];
	_ =	sdelay $0x3  }
0x34: {  	[smem:$0x3FAF] =	sst s10  }
0x35: {  	s10 =	sld [smem:$0x3FAE];
	_ =	sdelay $0x3  }
0x36: {  	p1 =	seq.s32 s10, $0x1;
	s10 =	sld [smem:$0x3FAF];
	_ =	sdelay $0x3  }
0x37: {  	[smem:$0x3FAF] =	sst s10  }
0x38: {  	s10 =	sld [smem:$0x3FB0]  }
0x39: {  	_ = 	snop;
	(pc) =	sbr.ind lr, $3  }
0x3a: {  	_ = 	snop  }
0x3b: {  	_ = 	snop  }
0x3c: {  	p2 =	seq.s32 s10, $0x1;
	s10 =	sld [smem:$0x3FAF]  }
0x3d: {  	_ =	shalt  }
0x3e: {  	_ =	shalt  }
0x3f: {  	_ =	shalt  }
0x40: {  	_ =	shalt  }
0x41: {  	_ =	shalt  }
0x42: {  	_ =	shalt  }
0x43: {  	_ =	shalt  }
0x44: {  	_ =	shalt  }
0x45: {  	_ =	shalt  }
0x46: {  	_ =	shalt  }
0x47: {  	_ =	shalt  }
0x48: {  	_ =	shalt  }
0x49: {  	_ =	shalt  }
0x4a: {  	_ =	shalt  }
0x4b: {  	_ =	shalt  }
0x4c: {  	_ =	shalt  }
0x4d: {  	_ =	shalt  }
0x4e: {  	_ =	shalt  }
0x4f: {  	_ =	shalt  }
0x50: {  	_ =	shalt  }
0x51: {  	_ =	shalt  }
0x52: {  	_ =	shalt  }
0x53: {  	_ =	shalt  }
0x54: {  	_ =	shalt  }
0x55: {  	_ =	shalt  }
0x56: {  	_ =	shalt  }
0x57: {  	_ =	shalt  }
0x58: {  	_ =	shalt  }
0x59: {  	_ =	shalt  }
0x5a: {  	_ =	shalt  }
0x5b: {  	_ =	shalt  }
0x5c: {  	_ =	shalt  }
0x5d: {  	_ =	shalt  }
0x5e: {  	_ =	shalt  }
0x5f: {  	_ =	shalt  }
0x60: {  	_ =	shalt  }
0x61: {  	_ =	shalt  }
0x62: {  	_ =	shalt  }
0x63: {  	_ =	shalt  }
0x64: {  	_ =	shalt  }
0x65: {  	_ =	shalt  }
0x66: {  	_ =	shalt  }
0x67: {  	_ =	shalt  }
0x68: {  	_ =	shalt  }
0x69: {  	_ =	shalt  }
0x6a: {  	_ =	shalt  }
0x6b: {  	_ =	shalt  }
0x6c: {  	_ =	shalt  }
0x6d: {  	_ =	shalt  }
0x6e: {  	_ =	shalt  }
0x6f: {  	_ =	shalt  }
0x70: {  	_ =	shalt  }
0x71: {  	_ =	shalt  }
0x72: {  	_ =	shalt  }
0x73: {  	_ =	shalt  }
0x74: {  	_ =	shalt  }
0x75: {  	_ =	shalt  }
0x76: {  	_ =	shalt  }
0x77: {  	_ =	shalt  }
0x78: {  	_ =	shalt  }
0x79: {  	_ =	shalt  }
0x7a: {  	_ =	shalt  }
0x7b: {  	_ =	shalt  }
0x7c: {  	_ =	shalt  }
0x7d: {  	_ =	shalt  }
0x7e: {  	_ =	shalt  }
0x7f: {  	_ =	shalt  }
0x80: {  	_ =	shalt  }
0x81: {  	_ =	shalt  }
0x82: {  	_ =	shalt  }
0x83: {  	_ =	shalt  }
0x84: {  	_ =	shalt  }
0x85: {  	_ =	shalt  }
0x86: {  	_ =	shalt  }
0x87: {  	_ =	shalt  }
.Lfunc_end0:
.L_simem_size_0:
called_computation.3_lowered:
.L_overlay_start_0:
0x88: {  	s2 =	sld [smem:$0x3FD9]  }
0x89: {  	s3 =	sld [smem:$0x3FFE];
	_ =	sdelay $0x1  }
0x8a: {  	s1 =	srdreg.scid  }
0x8b: {  	s0 =	sand.u32 $0x1, s1  }
0x8c: {  	s16 =	sshll.u32 s0, $0xA;
	s2 =	sadd.s32 s3, s2  }
0x8d: {  	s2 =	sadd.s32 s2, s16  }
0x8e: {  	[smem:$0x3FBB] =	sst s2  }
0x8f: {  	_ = 	snop  }
0x90: {  	(tm) =	ssettm $0x1  }
0x91: {  	s17 =	sld [smem:$0x3FFB];
	_ =	sdelay $0x3  }
0x92: {  	_ =	strace s17  }
0x93: {  	s2 =	sld [smem:$0x3FFC];
	_ =	sdelay $0x3  }
0x94: {  	_ =	strace s2  }
0x95: {  	s2 =	sld [smem:$0x3FFD];
	_ =	sdelay $0x3  }
0x96: {  	_ =	strace s2  }
0x97: {  	_ =	strace $0x8FFFFFFF  }
0x98: {  	s18 =	sld [smem:$0x3FDB];
	_ =	sdelay $0x1  }
0x99: {  	s19 =	simm.s32 $_scs_section_size  }
0x9a: {  	s4 =	simm.s32 $_size__tile_overlayer_lowered;
	s5 =	simm.s32 $_tile_overlayer_lowered  }
0x9b: {  	s22 =	simm.s32 $0x1BFF;
	s21 =	sshll.u32 s5, $0x1;
	s2 =	sadd.s32 s19, s18  }
0x9c: {  	s6 =	simm.s32 $0x0;
	s20 =	sshll.u32 s4, $0x1;
	s4 =	sadd.s32 s21, s2  }
0x9d: {  	[timem:s6], [sflag:s22] =	dma.local [hbm:s4], s20  }
0x9e: {  	_ =	swait.ge [sflag:s22], s20  }
0x9f: {  	s3 =	ssub.s32 $0x0, s20;
	[sflag:s22] =	ssyncset.done $0x0  }
0xa0: {  	[sflag:s22] =	ssyncadd.s32 s3;
	_ =	sdelay $0x1  }
0xa1: {  	s23 =	simm.s32 $0x1B8B  }
0xa2: {  	_ =	swait.ge [sflag:s23], $0x1  }
0xa3: {  	[sflag:s23] =	ssyncset.done $0x0  }
0xa4: {  	s25 =	simm.s32 $0x1B8E;
	s24 =	sld [smem:$0x3FFE];
	[sflag:s23] =	ssyncadd.s32 $0xFFFFFFFF  }
0xa5: {  	s26 =	simm.s32 $execute0_lowered;
	[smem:$0x3FD2] =	sst s25  }
0xa6: {  	s4 =	sshll.u32 s26, $0x1;
	_ =	strace $0x8000004F;
	[dreg:$0x1] =	wrdreg $0xFFFFFFFF  }
0xa7: {  	s28 =	simm.s32 $_size_execute0_lowered;
	s2 =	sadd.s32 s2, s4;
	[dreg:$0x0] =	wrdreg $0x0  }
0xa8: {  	s4 =	sshll.u32 s28, $0x1;
	[dreg:$0x2] =	wrdreg s2  }
0xa9: {  	[dreg:$0x3] =	wrdreg s4  }
0xaa: {  	[dreg:$0x4] =	wrdreg $0xC0  }
0xab: {  	_ =	task [dreg:s6], $0x5FFFF  }
0xac: {  	[dreg:$0x1] =	wrdreg $0xFFFFFFFF  }
0xad: {  	[dreg:$0x0] =	wrdreg $0x60  }
0xae: {  	[dreg:$0x2] =	wrdreg s24  }
0xaf: {  	[dreg:$0x3] =	wrdreg $0xA8000  }
0xb0: {  	[dreg:$0x4] =	wrdreg $0x9  }
0xb1: {  	_ =	task.clear_ibuf [dreg:s6], $0x5FFFF;
	_ =	strace $0x9000004F  }
0xb2: {  	s29 =	simm.s32 $0x9;
	_ =	strace $0x80000051  }
0xb3: {  	_ =	swait.ge [sflag:s29], $0x1  }
0xb4: {  	[sflag:s29] =	ssyncadd.s32 $0xFFFFFFFF  }
0xb5: {  	_ =	strace $0x90000051  }
0xb6: {  	_ =	sfence  }
0xb7: {  	s30 =	sld [smem:$0x0];
	_ =	sdelay $0x2  }
0xb8: {  	s31 =	sshll.u32 s1, $0xD;
	s1 =	sshrl.u32 s1, $0x2  }
0xb9: {  	s3 =	sand.u32 $0x4000, s31;
	s1 =	sadd.s32 s1, s30  }
0xba: {  	s0 =	sor.u32 s3, s0;
	s1 =	sshll.u32 s1, $0x11  }
0xbb: {  	s0 =	sor.u32 s1, s0  }
0xbc: {  	s0 =	sadd.s32 $0x8F2B, s0  }
0xbd: {  	[sflag:s0] =	ssyncadd.remote.s32 $0x1  }
0xbe: {  	_ =	sfence.sel $0xFFFF  }
0xbf: {  	[dreg:$0x0] =	wrdreg $0xFFFFFFFF;
	(pc) =	sbr.abs _section_cstart, $3  }
0xc0: {  	[dreg:$0x1] =	wrdreg $0xFFFFFFFF  }
0xc1: {  	_ =	task.clear_ibuf [dreg:s6], $0x2FFFF;
	_ =	strace $0x9FFFFFFF  }
0xc2: {  	(tm) =	ssettm $0x7FFFFFFF  }
0xc3: {  	_ =	shalt  }
tec
execute0_lowered:
.L_overlay_start_1:
0x0: {  	(tag) =	ssettag $0x1  }
0x1: {  	s10 =	rddreg [dreg:$0x0]  }
0x2: {  	s1 =	rddreg [dreg:$0x1]  }
0x3: {  	s0 =	rddreg [dreg:$0x2];
	s2 =	simm.s32 $0x0;
	s3 =	srdreg.scid  }
0x4: {  	s16 =	simm.s32 $0x92000;
	s18 =	simm.s32 $0x6800;
	s19 =	simm.s32 $0x1  }
0x5: {  	s20 =	simm.s32 $0x2;
	s21 =	simm.s32 $0x1380;
	s22 =	simm.s32 $0x2700  }
0x6: {  	s23 =	simm.s32 $0x2780;
	s24 =	simm.s32 $0x0;
	[smem:$0x7FF] =	sst s2  }
0x7: {  	s7 =	sand.u32 $0x1, s3;
	s4 =	sadd.s32 $0x1A000, s10;
	s3 =	stileid.u32  }
0x8: {  	s9 =	sadd.s32 $0x10000, s10;
	s11 =	sadd.s32 $0x6000, s10;
	_ =	strace $0x80000050  }
0x9: {  	s5 =	ssub.s32 $0x2, s7;
	s8 =	smul.u32 $0x50000, s3;
	s26 =	sshll.u32 s7, $0x4  }
0xa: {  	s14 =	smul.u32 $0x2800, s3;
	s29 =	sshll.u32 s3, $0x6;
	p0 =	seq.s32 s7, $0x1  }
0xb: {  	s6 =	sshrl.u32 s5, $0x1;
	s13 =	sor.u32 s3, s26;
	s16 =	simm.s32 @!p0 $0x42000  }
0xc: {  	s12 =	ssub.s32 s5, s6;
	s28 =	sshrl.u32 s8, $0x2;
	s30 =	smul.u32 $0x2800, s13  }
0xd: {  	s5 =	sadd.s32 s4, s14;
	s6 =	sor.u32 $0x1C03, s29;
	s13 =	smul.u32 $0x500, s13  }
0xe: {  	s31 =	sadd.s32 s16, s10;
	s16 =	simm.s32 $0x80;
	s8 =	sshrl.u32 s30, $0x3  }
0xf: {  	s15 =	sadd.s32 s28, s1;
	s7 =	sadd.s32 s9, s13;
	s17 =	sadd.s32 $0x280, s8  }
0x10: {  	s8 =	sadd.s32 s11, s13;
	s13 =	sshrl.u32 s15, $0x3;
	s15 =	simm.s32 $0x1400  }
0x11: {  	s9 =	sadd.s32 s9, s17;
	s10 =	sadd.s32 s11, s17;
	s11 =	smax.u32 s12, $0x1  }
0x12: {  	s12 =	sadd.s32 s31, s14;
	s14 =	simm.s32 $0x3;
	s17 =	simm.s32 $0x2800  }
.LBB2_1:
0x13: {  	[spmem:s13], [sflag:s6] =	dma.local [hbm:s5], $0x2800  }
0x14: {  	_ =	swait.ge [sflag:s14], $0x2800  }
0x15: {  	[sflag:s14] =	ssyncset.done $0x0  }
0x16: {  	[sflag:s14] =	ssyncadd.s32 $0xFFFFD800  }
0x17: {  	[bflag:$0x0] =	sbarrier.arrive $0xFFFF  }
0x18: {  	[tilespmem:s2], [sflag:$0x3] =	stream.linear.gather [hbm4b:s7+s2], $0x1400, $0x38;
	[tilespmem:$0x1E800] =	vst v63  }
0x19: {  	_ =	swait.ge [sflag:s14], $0x1400  }
0x1a: {  	[sflag:s14] =	ssyncset.done $0x0  }
0x1b: {  	[sflag:s14] =	ssyncadd.s32 $0xFFFFEC00  }
0x1c: {  	[tilespmem:s15], [sflag:$0x3] =	stream.linear.gather [hbm4b:s8+s2], $0x1400, $0x38;
	[tilespmem:$0x1E800] =	vst v63  }
0x1d: {  	_ =	swait.ge [sflag:s14], $0x1400  }
0x1e: {  	[sflag:s14] =	ssyncset.done $0x0  }
0x1f: {  	[sflag:s14] =	ssyncadd.s32 $0xFFFFEC00  }
0x20: {  	[tilespmem:s17], [sflag:$0x1] =	stream.indirect.gather [hbm4b:s4+s16], $0x80, s2, s16, $0xb8;
	[tilespmem:$0x1E800] =	vst v63  }
0x21: {  	s25 =	simm.s32 $0x80  }
0x22: {  	[tilespmem:s18], [sflag:$0x2] =	stream.indirect.gather [hbm4b:s4+s16], $0x80, s25, s16, $0xb8;
	[tilespmem:$0x1E800] =	vst v63  }
0x23: {  	_ =	swait.ge [sflag:s19], $0x4000  }
0x24: {  	[sflag:s19] =	ssyncset.done $0x0  }
0x25: {  	s29 =	simm.s32 $0x1400;
	[sflag:s19] =	ssyncadd.s32 $0xFFFFC000  }
0x26: {  	[spmem:s1] =	stream.indirect.scatter.add.f32 [tilespmem:s17], [sflag:$0x3], $0x80, s29, s16, $0xb8;
	[tilespmem:$0x1E800] =	vst v63  }
0x27: {  	_ =	swait.ge [sflag:s14], $0x4000  }
0x28: {  	[sflag:s14] =	ssyncset.done $0x0  }
0x29: {  	s30 =	simm.s32 $0x100;
	[sflag:s14] =	ssyncadd.s32 $0xFFFFC000  }
0x2a: {  	[tilespmem:s17], [sflag:$0x1] =	stream.indirect.gather [hbm4b:s4+s16], $0x80, s30, s16, $0xb8;
	[tilespmem:$0x1E800] =	vst v63  }
0x2b: {  	_ =	swait.ge [sflag:s20], $0x4000  }
0x2c: {  	[sflag:s20] =	ssyncset.done $0x0  }
0x2d: {  	s31 =	simm.s32 $0x1480;
	[sflag:s20] =	ssyncadd.s32 $0xFFFFC000  }
0x2e: {  	[spmem:s1] =	stream.indirect.scatter.add.f32 [tilespmem:s18], [sflag:$0x3], $0x80, s31, s16, $0xb8;
	[tilespmem:$0x1E800] =	vst v63  }
0x2f: {  	_ =	swait.ge [sflag:s14], $0x4000  }
0x30: {  	s26 =	simm.s32 $0x800;
	s25 =	simm.s32 $0x100;
	[sflag:s14] =	ssyncset.done $0x0  }
.LBB2_2:
0x31: {  	s28 =	sadd.s32 $0x80, s25  }
0x32: {  	[sflag:s14] =	ssyncadd.s32 $0xFFFFC000;
	s29 =	smov.u32 s26;
	s30 =	sadd.s32 $0x400, s26  }
0x33: {  	[tilespmem:s18], [sflag:$0x2] =	stream.indirect.gather [hbm4b:s4+s16], $0x80, s28, s16, $0xb8;
	[tilespmem:$0x1E800] =	vst v63  }
0x34: {  	p0 =	sne.s32 s26, $0x4800;
	_ =	swait.ge [sflag:s19], $0x4000  }
0x35: {  	[sflag:s19] =	ssyncset.done $0x0  }
0x36: {  	s26 =	sadd.s32 $0x1400, s25;
	[sflag:s19] =	ssyncadd.s32 $0xFFFFC000  }
0x37: {  	[spmem:s1] =	stream.indirect.scatter.add.f32 [tilespmem:s17], [sflag:$0x3], $0x80, s26, s16, $0xb8;
	[tilespmem:$0x1E800] =	vst v63  }
0x38: {  	_ =	swait.ge [sflag:s14], $0x4000  }
0x39: {  	[sflag:s14] =	ssyncset.done $0x0  }
0x3a: {  	s26 =	sadd.s32 $0x100, s25;
	[sflag:s14] =	ssyncadd.s32 $0xFFFFC000  }
0x3b: {  	[tilespmem:s17], [sflag:$0x1] =	stream.indirect.gather [hbm4b:s4+s16], $0x80, s26, s16, $0xb8;
	[tilespmem:$0x1E800] =	vst v63  }
0x3c: {  	_ =	swait.ge [sflag:s20], $0x4000  }
.Ltmp0:
0x3d: {  	[sflag:s20] =	ssyncset.done $0x0;
	(pc) =	sbr.rel @p0 .LBB2_2-.Ltmp0, $4  }
0x3e: {  	s25 =	sadd.s32 $0x1480, s25;
	[sflag:s20] =	ssyncadd.s32 $0xFFFFC000  }
0x3f: {  	[spmem:s1] =	stream.indirect.scatter.add.f32 [tilespmem:s18], [sflag:$0x3], $0x80, s25, s16, $0xb8;
	[tilespmem:$0x1E800] =	vst v63  }
0x40: {  	_ =	swait.ge [sflag:s14], $0x4000  }
0x41: {  	s26 =	smov.u32 s30;
	s25 =	sshra.s32 s29, $0x2;
	[sflag:s14] =	ssyncset.done $0x0  }
0x42: {  	s26 =	sadd.s32 $0x80, s25;
	[sflag:s14] =	ssyncadd.s32 $0xFFFFC000  }
0x43: {  	[tilespmem:s18], [sflag:$0x2] =	stream.indirect.gather [hbm4b:s4+s16], $0x80, s26, s16, $0xb8;
	[tilespmem:$0x1E800] =	vst v63  }
0x44: {  	_ =	swait.ge [sflag:s19], $0x4000  }
0x45: {  	[sflag:s19] =	ssyncset.done $0x0  }
0x46: {  	s29 =	sadd.s32 $0x1400, s25;
	[sflag:s19] =	ssyncadd.s32 $0xFFFFC000  }
0x47: {  	[spmem:s1] =	stream.indirect.scatter.add.f32 [tilespmem:s17], [sflag:$0x3], $0x80, s29, s16, $0xb8;
	[tilespmem:$0x1E800] =	vst v63  }
0x48: {  	_ =	swait.ge [sflag:s14], $0x4000  }
0x49: {  	[sflag:s14] =	ssyncset.done $0x0  }
0x4a: {  	s30 =	sadd.s32 $0x100, s25;
	[sflag:s14] =	ssyncadd.s32 $0xFFFFC000  }
0x4b: {  	[tilespmem:s17], [sflag:$0x1] =	stream.indirect.gather [hbm4b:s4+s16], $0x80, s30, s16, $0xb8;
	[tilespmem:$0x1E800] =	vst v63  }
0x4c: {  	_ =	swait.ge [sflag:s20], $0x4000  }
0x4d: {  	[sflag:s20] =	ssyncset.done $0x0  }
0x4e: {  	s31 =	sadd.s32 $0x1480, s25;
	[sflag:s20] =	ssyncadd.s32 $0xFFFFC000  }
0x4f: {  	[spmem:s1] =	stream.indirect.scatter.add.f32 [tilespmem:s18], [sflag:$0x3], $0x80, s31, s16, $0xb8;
	[tilespmem:$0x1E800] =	vst v63  }
0x50: {  	_ =	swait.ge [sflag:s14], $0x4000  }
0x51: {  	[sflag:s14] =	ssyncset.done $0x0  }
0x52: {  	[sflag:s14] =	ssyncadd.s32 $0xFFFFC000  }
0x53: {  	[tilespmem:s18], [sflag:$0x2] =	stream.indirect.gather [hbm4b:s4+s16], $0x80, s21, s16, $0xb8;
	[tilespmem:$0x1E800] =	vst v63  }
0x54: {  	_ =	swait.ge [sflag:s19], $0x4000  }
0x55: {  	[sflag:s19] =	ssyncset.done $0x0  }
0x56: {  	[sflag:s19] =	ssyncadd.s32 $0xFFFFC000  }
0x57: {  	[spmem:s1] =	stream.indirect.scatter.add.f32 [tilespmem:s17], [sflag:$0x3], $0x80, s22, s16, $0xb8;
	[tilespmem:$0x1E800] =	vst v63  }
0x58: {  	_ =	swait.ge [sflag:s14], $0x4000  }
0x59: {  	[sflag:s14] =	ssyncset.done $0x0  }
0x5a: {  	[sflag:s14] =	ssyncadd.s32 $0xFFFFC000  }
0x5b: {  	_ =	swait.ge [sflag:s20], $0x4000  }
0x5c: {  	[sflag:s20] =	ssyncset.done $0x0  }
0x5d: {  	[sflag:s20] =	ssyncadd.s32 $0xFFFFC000  }
0x5e: {  	[spmem:s1] =	stream.indirect.scatter.add.f32 [tilespmem:s18], [sflag:$0x3], $0x80, s23, s16, $0xb8;
	[tilespmem:$0x1E800] =	vst v63  }
0x5f: {  	_ =	swait.ge [sflag:s14], $0x4000  }
0x60: {  	[sflag:s14] =	ssyncset.done $0x0  }
0x61: {  	s26 =	simm.s32 $0x0;
	[sflag:s14] =	ssyncadd.s32 $0xFFFFC000  }
0x62: {  	[tilespmem:s26], [sflag:$0x3] =	stream.linear.gather [hbm4b:s9+s26], $0x1400, $0x38;
	[tilespmem:$0x1E800] =	vst v63  }
0x63: {  	_ =	swait.ge [sflag:s14], $0x1400  }
0x64: {  	[sflag:s14] =	ssyncset.done $0x0  }
0x65: {  	[sflag:s14] =	ssyncadd.s32 $0xFFFFEC00  }
0x66: {  	[tilespmem:s15], [sflag:$0x3] =	stream.linear.gather [hbm4b:s10+s26], $0x1400, $0x38;
	[tilespmem:$0x1E800] =	vst v63  }
0x67: {  	_ =	swait.ge [sflag:s14], $0x1400  }
0x68: {  	[sflag:s14] =	ssyncset.done $0x0  }
0x69: {  	[sflag:s14] =	ssyncadd.s32 $0xFFFFEC00  }
0x6a: {  	[tilespmem:s17], [sflag:$0x1] =	stream.indirect.gather [hbm4b:s4+s16], $0x80, s26, s16, $0xb8;
	[tilespmem:$0x1E800] =	vst v63  }
0x6b: {  	s28 =	simm.s32 $0x80  }
0x6c: {  	[tilespmem:s18], [sflag:$0x2] =	stream.indirect.gather [hbm4b:s4+s16], $0x80, s28, s16, $0xb8;
	[tilespmem:$0x1E800] =	vst v63  }
0x6d: {  	_ =	swait.ge [sflag:s19], $0x4000  }
0x6e: {  	[sflag:s19] =	ssyncset.done $0x0  }
0x6f: {  	s29 =	simm.s32 $0x1400;
	[sflag:s19] =	ssyncadd.s32 $0xFFFFC000  }
0x70: {  	[spmem:s1] =	stream.indirect.scatter.add.f32 [tilespmem:s17], [sflag:$0x3], $0x80, s29, s16, $0xb8;
	[tilespmem:$0x1E800] =	vst v63  }
0x71: {  	_ =	swait.ge [sflag:s14], $0x4000  }
0x72: {  	[sflag:s14] =	ssyncset.done $0x0  }
0x73: {  	s30 =	simm.s32 $0x100;
	[sflag:s14] =	ssyncadd.s32 $0xFFFFC000  }
0x74: {  	[tilespmem:s17], [sflag:$0x1] =	stream.indirect.gather [hbm4b:s4+s16], $0x80, s30, s16, $0xb8;
	[tilespmem:$0x1E800] =	vst v63  }
0x75: {  	_ =	swait.ge [sflag:s20], $0x4000  }
0x76: {  	[sflag:s20] =	ssyncset.done $0x0  }
0x77: {  	s31 =	simm.s32 $0x1480;
	[sflag:s20] =	ssyncadd.s32 $0xFFFFC000  }
0x78: {  	[spmem:s1] =	stream.indirect.scatter.add.f32 [tilespmem:s18], [sflag:$0x3], $0x80, s31, s16, $0xb8;
	[tilespmem:$0x1E800] =	vst v63  }
0x79: {  	_ =	swait.ge [sflag:s14], $0x4000  }
0x7a: {  	s25 =	simm.s32 $0x100;
	s26 =	simm.s32 $0x800;
	[sflag:s14] =	ssyncset.done $0x0  }
.LBB2_4:
0x7b: {  	s28 =	sadd.s32 $0x80, s25  }
0x7c: {  	[sflag:s14] =	ssyncadd.s32 $0xFFFFC000;
	s29 =	smov.u32 s26;
	s30 =	sadd.s32 $0x400, s26  }
0x7d: {  	[tilespmem:s18], [sflag:$0x2] =	stream.indirect.gather [hbm4b:s4+s16], $0x80, s28, s16, $0xb8;
	[tilespmem:$0x1E800] =	vst v63  }
0x7e: {  	p0 =	sne.s32 s26, $0x4800;
	_ =	swait.ge [sflag:s19], $0x4000  }
0x7f: {  	[sflag:s19] =	ssyncset.done $0x0  }
0x80: {  	s26 =	sadd.s32 $0x1400, s25;
	[sflag:s19] =	ssyncadd.s32 $0xFFFFC000  }
0x81: {  	[spmem:s1] =	stream.indirect.scatter.add.f32 [tilespmem:s17], [sflag:$0x3], $0x80, s26, s16, $0xb8;
	[tilespmem:$0x1E800] =	vst v63  }
0x82: {  	_ =	swait.ge [sflag:s14], $0x4000  }
0x83: {  	[sflag:s14] =	ssyncset.done $0x0  }
0x84: {  	s26 =	sadd.s32 $0x100, s25;
	[sflag:s14] =	ssyncadd.s32 $0xFFFFC000  }
0x85: {  	[tilespmem:s17], [sflag:$0x1] =	stream.indirect.gather [hbm4b:s4+s16], $0x80, s26, s16, $0xb8;
	[tilespmem:$0x1E800] =	vst v63  }
0x86: {  	_ =	swait.ge [sflag:s20], $0x4000  }
.Ltmp1:
0x87: {  	[sflag:s20] =	ssyncset.done $0x0;
	(pc) =	sbr.rel @p0 .LBB2_4-.Ltmp1, $4  }
0x88: {  	s25 =	sadd.s32 $0x1480, s25;
	[sflag:s20] =	ssyncadd.s32 $0xFFFFC000  }
0x89: {  	[spmem:s1] =	stream.indirect.scatter.add.f32 [tilespmem:s18], [sflag:$0x3], $0x80, s25, s16, $0xb8;
	[tilespmem:$0x1E800] =	vst v63  }
0x8a: {  	_ =	swait.ge [sflag:s14], $0x4000  }
0x8b: {  	s26 =	smov.u32 s30;
	s25 =	sshra.s32 s29, $0x2;
	[sflag:s14] =	ssyncset.done $0x0  }
0x8c: {  	s26 =	sadd.s32 $0x80, s25;
	[sflag:s14] =	ssyncadd.s32 $0xFFFFC000  }
0x8d: {  	[tilespmem:s18], [sflag:$0x2] =	stream.indirect.gather [hbm4b:s4+s16], $0x80, s26, s16, $0xb8;
	[tilespmem:$0x1E800] =	vst v63  }
0x8e: {  	_ =	swait.ge [sflag:s19], $0x4000  }
0x8f: {  	[sflag:s19] =	ssyncset.done $0x0  }
0x90: {  	s29 =	sadd.s32 $0x1400, s25;
	[sflag:s19] =	ssyncadd.s32 $0xFFFFC000  }
0x91: {  	[spmem:s1] =	stream.indirect.scatter.add.f32 [tilespmem:s17], [sflag:$0x3], $0x80, s29, s16, $0xb8;
	[tilespmem:$0x1E800] =	vst v63  }
0x92: {  	_ =	swait.ge [sflag:s14], $0x4000  }
0x93: {  	[sflag:s14] =	ssyncset.done $0x0  }
0x94: {  	s30 =	sadd.s32 $0x100, s25;
	[sflag:s14] =	ssyncadd.s32 $0xFFFFC000  }
0x95: {  	[tilespmem:s17], [sflag:$0x1] =	stream.indirect.gather [hbm4b:s4+s16], $0x80, s30, s16, $0xb8;
	[tilespmem:$0x1E800] =	vst v63  }
0x96: {  	_ =	swait.ge [sflag:s20], $0x4000  }
0x97: {  	[sflag:s20] =	ssyncset.done $0x0  }
0x98: {  	s31 =	sadd.s32 $0x1480, s25;
	[sflag:s20] =	ssyncadd.s32 $0xFFFFC000  }
0x99: {  	[spmem:s1] =	stream.indirect.scatter.add.f32 [tilespmem:s18], [sflag:$0x3], $0x80, s31, s16, $0xb8;
	[tilespmem:$0x1E800] =	vst v63  }
0x9a: {  	_ =	swait.ge [sflag:s14], $0x4000  }
0x9b: {  	[sflag:s14] =	ssyncset.done $0x0  }
0x9c: {  	[sflag:s14] =	ssyncadd.s32 $0xFFFFC000  }
0x9d: {  	[tilespmem:s18], [sflag:$0x2] =	stream.indirect.gather [hbm4b:s4+s16], $0x80, s21, s16, $0xb8;
	[tilespmem:$0x1E800] =	vst v63  }
0x9e: {  	_ =	swait.ge [sflag:s19], $0x4000  }
0x9f: {  	[sflag:s19] =	ssyncset.done $0x0  }
0xa0: {  	[sflag:s19] =	ssyncadd.s32 $0xFFFFC000  }
0xa1: {  	[spmem:s1] =	stream.indirect.scatter.add.f32 [tilespmem:s17], [sflag:$0x3], $0x80, s22, s16, $0xb8;
	[tilespmem:$0x1E800] =	vst v63  }
0xa2: {  	_ =	swait.ge [sflag:s14], $0x4000  }
0xa3: {  	[sflag:s14] =	ssyncset.done $0x0  }
0xa4: {  	[sflag:s14] =	ssyncadd.s32 $0xFFFFC000  }
0xa5: {  	_ =	swait.ge [sflag:s20], $0x4000  }
0xa6: {  	[sflag:s20] =	ssyncset.done $0x0  }
0xa7: {  	[sflag:s20] =	ssyncadd.s32 $0xFFFFC000  }
0xa8: {  	[spmem:s1] =	stream.indirect.scatter.add.f32 [tilespmem:s18], [sflag:$0x3], $0x80, s23, s16, $0xb8;
	[tilespmem:$0x1E800] =	vst v63  }
0xa9: {  	_ =	swait.ge [sflag:s14], $0x4000  }
0xaa: {  	s24 =	sadd.s32 $0x1, s24;
	[sflag:s14] =	ssyncset.done $0x0  }
0xab: {  	p0 =	sne.s32 s24, s11;
	[sflag:s14] =	ssyncadd.s32 $0xFFFFC000  }
.Ltmp2:
0xac: {  	[bflag:$0x0] =	sbarrier.arrive $0xFFFF;
	(pc) =	sbr.rel @p0 .LBB2_1-.Ltmp2, $4  }
0xad: {  	[hbm:s12], [sflag:s6] =	dma.local [spmem:s13], $0x2800  }
0xae: {  	_ =	swait.ge [sflag:s14], $0x2800  }
0xaf: {  	[sflag:s14] =	ssyncset.done $0x0  }
0xb0: {  	[sflag:s14] =	ssyncadd.s32 $0xFFFFD800  }
0xb1: {  	_ =	sfence.sel $0x180000  }
0xb2: {  	[bflag:$0x0] =	sbarrier.arrive $0xFFFF  }
0xb3: {  	p0 =	sne.s32 s3, $0x0;
	_ =	strace $0x90000050  }
0xb4: {  	s0 =	sadd.s32 @!p0 $0x100000, s0;
	[bflag:$0x2] =	sbarrier.arrive $0xFFFF  }
0xb5: {  	[sflag:s0] =	ssyncadd.tile.s32 @!p0 $0x1;
	_ =	shalt  }
.Lfunc_end2:
_tile_overlayer_lowered:
.L_overlay_start_2:
0xb6: {  	(tag) =	ssettag $0x2  }
0xb7: {  	s0 =	rddreg [dreg:$0x0];
	s2 =	stileid.u32  }
0xb8: {  	s1 =	rddreg [dreg:$0x1];
	p0 =	sne.s32 s2, $0x0  }
0xb9: {  	s3 =	rddreg [dreg:$0x2];
	[bflag:$0x3] =	sbarrier.arrive $0xFFFF;
	s2 =	simm.s32 @!p0 $0x1C03  }
0xba: {  	[timem:s3], [sflag:s2] =	dma.local @!p0 [hbm:s0], s1  }
0xbb: {  	s0 =	simm.s32 @!p0 $0x3  }
0xbc: {  	_ =	swait.ge @!p0 [sflag:s0], s1  }
0xbd: {  	s1 =	ssub.s32 @!p0 $0x0, s1;
	[sflag:s0] =	ssyncset.done @!p0 $0x0  }
0xbe: {  	[sflag:s0] =	ssyncadd.s32 @!p0 s1  }
0xbf: {  	[bflag:$0x3] =	sbarrier.arrive $0xFFFF  }
0xc0: {  	_ =	shalt  }

</sc_bundles>
